<compile_context>
chip_gen: v7x
topology: tpu7x:2x2x1
jax: 0.10.2.dev20260603
libtpu: 0.0.44.dev20260713+nightly
codegen_flags: <defaults>
</compile_context>

<pallas_src>
import functools

import jax
import jax.numpy as jnp
from jax import lax
from jax.experimental import pallas as pl
from jax.experimental.pallas import tpu as pltpu
from jax.experimental.pallas import tpu_sc as plsc

T_ROWS = 8192
DIM = 2048
CHUNK = 16
NBUF = 3


def _sc_gather(idx, table):
    info = plsc.get_sparse_core_info()
    nw = info.num_cores * info.num_subcores
    b_per_w = T_ROWS // nw
    n_chunks = b_per_w // CHUNK

    mesh = plsc.VectorSubcoreMesh(core_axis_name="c", subcore_axis_name="s")

    @functools.partial(
        pl.kernel,
        mesh=mesh,
        out_type=jax.ShapeDtypeStruct((T_ROWS, 1, DIM), jnp.float32),
        scratch_types=[
            pltpu.VMEM((b_per_w,), jnp.int32),
            pltpu.VMEM((NBUF, CHUNK, DIM), jnp.float32),
            pltpu.SemaphoreType.DMA((NBUF,)),
            pltpu.SemaphoreType.DMA((NBUF,)),
        ],
    )
    def body(idx_hbm, table_hbm, out_hbm, idx_v, bufs, gsem, osem):
        wid = lax.axis_index("s") * info.num_cores + lax.axis_index("c")
        base = wid * b_per_w
        pltpu.sync_copy(idx_hbm.at[pl.ds(base, b_per_w)], idx_v)

        def start_gather(c):
            b = c % NBUF
            return pltpu.async_copy(
                table_hbm.at[idx_v.at[pl.ds(c * CHUNK, CHUNK)]],
                bufs.at[b],
                gsem.at[b],
            )

        def start_out(c):
            b = c % NBUF
            return pltpu.async_copy(
                bufs.at[b],
                out_hbm.at[pl.ds(base + c * CHUNK, CHUNK), 0],
                osem.at[b],
            )

        depth = NBUF - 1
        g = [None] * n_chunks
        o = [None] * n_chunks
        o_waited = [False] * n_chunks
        for d in range(min(depth, n_chunks)):
            g[d] = start_gather(d)
        for c in range(n_chunks):
            g[c].wait()
            o[c] = start_out(c)
            d = c + depth
            if d < n_chunks:
                w = d - NBUF
                if w >= 0:
                    o[w].wait()
                    o_waited[w] = True
                g[d] = start_gather(d)
        for c in range(n_chunks):
            if not o_waited[c]:
                o[c].wait()

    return body(idx, table)


def kernel(TDist, table):
    idx = TDist.reshape(-1).astype(jnp.int32)
    return _sc_gather(idx, table)

# --- scband reference (transcript-rebuilt; emitter-appended) ---
"""Pipeline reference for scband-trpe-2130303779464 (READ-ONLY COPY).

The authoritative reference and input builder live on the scoring server;
editing this copy changes nothing except your own understanding.
"""

import jax, jax.numpy as jnp
import numpy as np

T_SIZE = 8192
D = 2048

def setup_inputs(seed: int = 0) -> dict:
    key = jax.random.key(seed)
    k_table, = jax.random.split(key, 1)
    # TDist buffer: expand_dims(range(t_size), -1) -> shape [t_size, 1], int64
    TDist = jnp.arange(T_SIZE, dtype=jnp.int64).reshape(T_SIZE, 1)
    # Learned embedding table per init (nn.Embedding(t_size, d))
    table = jax.random.normal(k_table, (T_SIZE, D), dtype=jnp.float32)
    return {"TDist": TDist, "table": table}

def reference(TDist, table):
    # nn.Embedding lookup: table[TDist] -> [t_size, 1, d]
    out = jnp.take(table, TDist, axis=0)
    return out

if __name__ == "__main__":
    import jax
    _d = setup_inputs()
    print(jax.jit(kernel)(*tuple(_d.values())))

</pallas_src>

<mosaic_0001>
#map = affine_map<(d0, d1) -> (0)>
#map1 = affine_map<(d0, d1) -> (0, 0)>
#map2 = affine_map<(d0, d1) -> (0, 0, 0)>
module attributes {stable_mosaic.version = 14 : i64} {
  func.func @body(%arg0: i32, %arg1: i32, %arg2: memref<8192xi32, #tpu.memory_space<hbm>>, %arg3: memref<8192x2048xf32, #tpu.memory_space<hbm>>, %arg4: memref<8192x1x2048xf32, #tpu.memory_space<hbm>>, %arg5: memref<256xi32, #tpu.memory_space<vmem>>, %arg6: memref<3x16x2048xf32, #tpu.memory_space<vmem>>, %arg7: memref<3x!tpu.dma_semaphore, #tpu.memory_space<semaphore_mem>>, %arg8: memref<3x!tpu.dma_semaphore, #tpu.memory_space<semaphore_mem>>) attributes {dimension_semantics = [#tpu.dimension_semantics<core_parallel>, #tpu.dimension_semantics<subcore_parallel>], iteration_bounds = array<i64: 2, 16>, scalar_prefetch = 0 : i64, scratch_operands = 4 : i64, tpu.core_type = #tpu.core_type<sc_vector_subcore>, window_params = [{transform_indices = #map}, {transform_indices = #map1}, {transform_indices = #map2}]} {
    %mul3A = arith.constant 2 : i32
    %mul3A_0 = arith.muli %arg1, %mul3A : i32
    %add3A = arith.addi %mul3A_0, %arg0 : i32
    %mul3A_1 = arith.constant 256 : i32
    %mul3A_2 = arith.muli %add3A, %mul3A_1 : i32
    "tpu.region"() ({
      %run_scoped3A = tpu.sem_alloc : memref<!tpu.dma_semaphore, #tpu.memory_space<semaphore_mem>>
      %dma_start3A_1057 = tpu.memref_slice %arg2[%mul3A_2] : memref<8192xi32, #tpu.memory_space<hbm>> -> memref<256xi32, #tpu.memory_space<hbm>>
      %dma_start3A_1058 = tpu.memref_slice %arg2[%mul3A_2] : memref<8192xi32, #tpu.memory_space<hbm>> -> memref<256xi32, #tpu.memory_space<hbm>>
      tpu.enqueue_dma source(%dma_start3A_1058 : memref<256xi32, #tpu.memory_space<hbm>>) target(%arg5 : memref<256xi32, #tpu.memory_space<vmem>>) target_semaphore(%run_scoped3A : memref<!tpu.dma_semaphore, #tpu.memory_space<semaphore_mem>>)
      %dma_wait3A_1059 = tpu.memref_slice %arg2[%mul3A_2] : memref<8192xi32, #tpu.memory_space<hbm>> -> memref<256xi32, #tpu.memory_space<hbm>>
      %dma_wait3A_1060 = tpu.memref_slice %arg2[%mul3A_2] : memref<8192xi32, #tpu.memory_space<hbm>> -> memref<256xi32, #tpu.memory_space<hbm>>
      tpu.wait_dma2 semaphore(%run_scoped3A : memref<!tpu.dma_semaphore, #tpu.memory_space<semaphore_mem>>) src(%dma_wait3A_1060 : memref<256xi32, #tpu.memory_space<hbm>>) dst(%arg5 : memref<256xi32, #tpu.memory_space<vmem>>)
      tpu.yield
    }) : () -> ()
    %dma_start3A = arith.constant 0 : i32
    %dma_start3A_3 = arith.constant 0 : i32
    %dma_start3A_4 = arith.constant 0 : i32
    %dma_start3A_5 = arith.constant 0 : i32
    %dma_start3A_6 = tpu.memref_slice %arg6[%dma_start3A, %dma_start3A_4, %dma_start3A_5] : memref<3x16x2048xf32, #tpu.memory_space<vmem>> -> memref<1x16x2048xf32, #tpu.memory_space<vmem>>
    %dma_start3A_7 = tpu.memref_squeeze %dma_start3A_6 : memref<1x16x2048xf32, #tpu.memory_space<vmem>> -> memref<16x2048xf32, #tpu.memory_space<vmem>>
    %dma_start3A_8 = arith.constant 0 : i32
    %dma_start3A_9 = tpu.memref_slice %arg5[%dma_start3A_8] : memref<256xi32, #tpu.memory_space<vmem>> -> memref<16xi32, #tpu.memory_space<vmem>>
    %dma_start3A_10 = arith.constant 0 : i32
    %dma_start3A_11 = arith.constant 0 : i32
    %dma_start3A_12 = tpu.memref_slice %arg3[%dma_start3A_10, %dma_start3A_11] : memref<8192x2048xf32, #tpu.memory_space<hbm>> -> memref<8192x2048xf32, #tpu.memory_space<hbm>>
    %dma_start3A_13 = tpu.memref_slice %arg7[%dma_start3A_3] : memref<3x!tpu.dma_semaphore, #tpu.memory_space<semaphore_mem>> -> memref<1x!tpu.dma_semaphore, #tpu.memory_space<semaphore_mem>>
    %dma_start3A_14 = tpu.memref_squeeze %dma_start3A_13 : memref<1x!tpu.dma_semaphore, #tpu.memory_space<semaphore_mem>> -> memref<!tpu.dma_semaphore, #tpu.memory_space<semaphore_mem>>
    tpu.enqueue_indirect_dma source(%dma_start3A_12 : memref<8192x2048xf32, #tpu.memory_space<hbm>>) target(%dma_start3A_7 : memref<16x2048xf32, #tpu.memory_space<vmem>>) offsets(%dma_start3A_9 : memref<16xi32, #tpu.memory_space<vmem>>) semaphore(%dma_start3A_14 : memref<!tpu.dma_semaphore, #tpu.memory_space<semaphore_mem>>)
    %dma_start3A_15 = arith.constant 1 : i32
    %dma_start3A_16 = arith.constant 1 : i32
    %dma_start3A_17 = arith.constant 0 : i32
    %dma_start3A_18 = arith.constant 0 : i32
    %dma_start3A_19 = tpu.memref_slice %arg6[%dma_start3A_15, %dma_start3A_17, %dma_start3A_18] : memref<3x16x2048xf32, #tpu.memory_space<vmem>> -> memref<1x16x2048xf32, #tpu.memory_space<vmem>>
    %dma_start3A_20 = tpu.memref_squeeze %dma_start3A_19 : memref<1x16x2048xf32, #tpu.memory_space<vmem>> -> memref<16x2048xf32, #tpu.memory_space<vmem>>
    %dma_start3A_21 = arith.constant 16 : i32
    %dma_start3A_22 = tpu.memref_slice %arg5[%dma_start3A_21] : memref<256xi32, #tpu.memory_space<vmem>> -> memref<16xi32, #tpu.memory_space<vmem>>
    %dma_start3A_23 = arith.constant 0 : i32
    %dma_start3A_24 = arith.constant 0 : i32
    %dma_start3A_25 = tpu.memref_slice %arg3[%dma_start3A_23, %dma_start3A_24] : memref<8192x2048xf32, #tpu.memory_space<hbm>> -> memref<8192x2048xf32, #tpu.memory_space<hbm>>
    %dma_start3A_26 = tpu.memref_slice %arg7[%dma_start3A_16] : memref<3x!tpu.dma_semaphore, #tpu.memory_space<semaphore_mem>> -> memref<1x!tpu.dma_semaphore, #tpu.memory_space<semaphore_mem>>
    %dma_start3A_27 = tpu.memref_squeeze %dma_start3A_26 : memref<1x!tpu.dma_semaphore, #tpu.memory_space<semaphore_mem>> -> memref<!tpu.dma_semaphore, #tpu.memory_space<semaphore_mem>>
    tpu.enqueue_indirect_dma source(%dma_start3A_25 : memref<8192x2048xf32, #tpu.memory_space<hbm>>) target(%dma_start3A_20 : memref<16x2048xf32, #tpu.memory_space<vmem>>) offsets(%dma_start3A_22 : memref<16xi32, #tpu.memory_space<vmem>>) semaphore(%dma_start3A_27 : memref<!tpu.dma_semaphore, #tpu.memory_space<semaphore_mem>>)
    %dma_wait3A = arith.constant 0 : i32
    %dma_wait3A_28 = arith.constant 0 : i32
    %dma_wait3A_29 = arith.constant 0 : i32
    %dma_wait3A_30 = arith.constant 0 : i32
    %dma_wait3A_31 = tpu.memref_slice %arg6[%dma_wait3A, %dma_wait3A_29, %dma_wait3A_30] : memref<3x16x2048xf32, #tpu.memory_space<vmem>> -> memref<1x16x2048xf32, #tpu.memory_space<vmem>>
    %dma_wait3A_32 = tpu.memref_squeeze %dma_wait3A_31 : memref<1x16x2048xf32, #tpu.memory_space<vmem>> -> memref<16x2048xf32, #tpu.memory_space<vmem>>
    %dma_wait3A_33 = arith.constant 0 : i32
    %dma_wait3A_34 = tpu.memref_slice %arg5[%dma_wait3A_33] : memref<256xi32, #tpu.memory_space<vmem>> -> memref<16xi32, #tpu.memory_space<vmem>>
    %dma_wait3A_35 = arith.constant 0 : i32
    %dma_wait3A_36 = arith.constant 0 : i32
    %dma_wait3A_37 = tpu.memref_slice %arg3[%dma_wait3A_35, %dma_wait3A_36] : memref<8192x2048xf32, #tpu.memory_space<hbm>> -> memref<8192x2048xf32, #tpu.memory_space<hbm>>
    %dma_wait3A_38 = tpu.memref_slice %arg7[%dma_wait3A_28] : memref<3x!tpu.dma_semaphore, #tpu.memory_space<semaphore_mem>> -> memref<1x!tpu.dma_semaphore, #tpu.memory_space<semaphore_mem>>
    %dma_wait3A_39 = tpu.memref_squeeze %dma_wait3A_38 : memref<1x!tpu.dma_semaphore, #tpu.memory_space<semaphore_mem>> -> memref<!tpu.dma_semaphore, #tpu.memory_space<semaphore_mem>>
    tpu.wait_indirect_dma semaphore(%dma_wait3A_39 : memref<!tpu.dma_semaphore, #tpu.memory_space<semaphore_mem>>) src(%dma_wait3A_37 : memref<8192x2048xf32, #tpu.memory_space<hbm>>) dst(%dma_wait3A_32 : memref<16x2048xf32, #tpu.memory_space<vmem>>)
    %add3A_40 = arith.constant 0 : i32
    %add3A_41 = arith.addi %mul3A_2, %add3A_40 : i32
    %dma_start3A_42 = arith.constant 0 : i32
    %dma_start3A_43 = arith.constant 0 : i32
    %dma_start3A_44 = arith.constant 0 : i32
    %dma_start3A_45 = arith.constant 0 : i32
    %dma_start3A_46 = arith.constant 0 : i32
    %dma_start3A_47 = tpu.memref_slice %arg6[%dma_start3A_42, %dma_start3A_45, %dma_start3A_46] : memref<3x16x2048xf32, #tpu.memory_space<vmem>> -> memref<1x16x2048xf32, #tpu.memory_space<vmem>>
    %dma_start3A_48 = tpu.memref_squeeze %dma_start3A_47 : memref<1x16x2048xf32, #tpu.memory_space<vmem>> -> memref<16x2048xf32, #tpu.memory_space<vmem>>
    %dma_start3A_49 = arith.constant 0 : i32
    %dma_start3A_50 = tpu.memref_slice %arg4[%add3A_41, %dma_start3A_43, %dma_start3A_49] : memref<8192x1x2048xf32, #tpu.memory_space<hbm>> -> memref<16x1x2048xf32, #tpu.memory_space<hbm>>
    %dma_start3A_51 = tpu.memref_squeeze %dma_start3A_50 : memref<16x1x2048xf32, #tpu.memory_space<hbm>> -> memref<16x2048xf32, #tpu.memory_space<hbm>>
    %dma_start3A_52 = tpu.memref_slice %arg8[%dma_start3A_44] : memref<3x!tpu.dma_semaphore, #tpu.memory_space<semaphore_mem>> -> memref<1x!tpu.dma_semaphore, #tpu.memory_space<semaphore_mem>>
    %dma_start3A_53 = tpu.memref_squeeze %dma_start3A_52 : memref<1x!tpu.dma_semaphore, #tpu.memory_space<semaphore_mem>> -> memref<!tpu.dma_semaphore, #tpu.memory_space<semaphore_mem>>
    %dma_start3A_54 = arith.constant 0 : i32
    %dma_start3A_55 = tpu.memref_slice %arg4[%add3A_41, %dma_start3A_43, %dma_start3A_54] : memref<8192x1x2048xf32, #tpu.memory_space<hbm>> -> memref<16x1x2048xf32, #tpu.memory_space<hbm>>
    %dma_start3A_56 = tpu.memref_squeeze %dma_start3A_55 : memref<16x1x2048xf32, #tpu.memory_space<hbm>> -> memref<16x2048xf32, #tpu.memory_space<hbm>>
    %dma_start3A_57 = arith.constant 0 : i32
    %dma_start3A_58 = arith.constant 0 : i32
    %dma_start3A_59 = tpu.memref_slice %arg6[%dma_start3A_42, %dma_start3A_57, %dma_start3A_58] : memref<3x16x2048xf32, #tpu.memory_space<vmem>> -> memref<1x16x2048xf32, #tpu.memory_space<vmem>>
    %dma_start3A_60 = tpu.memref_squeeze %dma_start3A_59 : memref<1x16x2048xf32, #tpu.memory_space<vmem>> -> memref<16x2048xf32, #tpu.memory_space<vmem>>
    tpu.enqueue_dma source(%dma_start3A_60 : memref<16x2048xf32, #tpu.memory_space<vmem>>) target(%dma_start3A_56 : memref<16x2048xf32, #tpu.memory_space<hbm>>) target_semaphore(%dma_start3A_53 : memref<!tpu.dma_semaphore, #tpu.memory_space<semaphore_mem>>)
    %dma_start3A_61 = arith.constant 2 : i32
    %dma_start3A_62 = arith.constant 2 : i32
    %dma_start3A_63 = arith.constant 0 : i32
    %dma_start3A_64 = arith.constant 0 : i32
    %dma_start3A_65 = tpu.memref_slice %arg6[%dma_start3A_61, %dma_start3A_63, %dma_start3A_64] : memref<3x16x2048xf32, #tpu.memory_space<vmem>> -> memref<1x16x2048xf32, #tpu.memory_space<vmem>>
    %dma_start3A_66 = tpu.memref_squeeze %dma_start3A_65 : memref<1x16x2048xf32, #tpu.memory_space<vmem>> -> memref<16x2048xf32, #tpu.memory_space<vmem>>
    %dma_start3A_67 = arith.constant 32 : i32
    %dma_start3A_68 = tpu.memref_slice %arg5[%dma_start3A_67] : memref<256xi32, #tpu.memory_space<vmem>> -> memref<16xi32, #tpu.memory_space<vmem>>
    %dma_start3A_69 = arith.constant 0 : i32
    %dma_start3A_70 = arith.constant 0 : i32
    %dma_start3A_71 = tpu.memref_slice %arg3[%dma_start3A_69, %dma_start3A_70] : memref<8192x2048xf32, #tpu.memory_space<hbm>> -> memref<8192x2048xf32, #tpu.memory_space<hbm>>
    %dma_start3A_72 = tpu.memref_slice %arg7[%dma_start3A_62] : memref<3x!tpu.dma_semaphore, #tpu.memory_space<semaphore_mem>> -> memref<1x!tpu.dma_semaphore, #tpu.memory_space<semaphore_mem>>
    %dma_start3A_73 = tpu.memref_squeeze %dma_start3A_72 : memref<1x!tpu.dma_semaphore, #tpu.memory_space<semaphore_mem>> -> memref<!tpu.dma_semaphore, #tpu.memory_space<semaphore_mem>>
    tpu.enqueue_indirect_dma source(%dma_start3A_71 : memref<8192x2048xf32, #tpu.memory_space<hbm>>) target(%dma_start3A_66 : memref<16x2048xf32, #tpu.memory_space<vmem>>) offsets(%dma_start3A_68 : memref<16xi32, #tpu.memory_space<vmem>>) semaphore(%dma_start3A_73 : memref<!tpu.dma_semaphore, #tpu.memory_space<semaphore_mem>>)
    %dma_wait3A_74 = arith.constant 1 : i32
    %dma_wait3A_75 = arith.constant 1 : i32
    %dma_wait3A_76 = arith.constant 0 : i32
    %dma_wait3A_77 = arith.constant 0 : i32
    %dma_wait3A_78 = tpu.memref_slice %arg6[%dma_wait3A_74, %dma_wait3A_76, %dma_wait3A_77] : memref<3x16x2048xf32, #tpu.memory_space<vmem>> -> memref<1x16x2048xf32, #tpu.memory_space<vmem>>
    %dma_wait3A_79 = tpu.memref_squeeze %dma_wait3A_78 : memref<1x16x2048xf32, #tpu.memory_space<vmem>> -> memref<16x2048xf32, #tpu.memory_space<vmem>>
    %dma_wait3A_80 = arith.constant 16 : i32
    %dma_wait3A_81 = tpu.memref_slice %arg5[%dma_wait3A_80] : memref<256xi32, #tpu.memory_space<vmem>> -> memref<16xi32, #tpu.memory_space<vmem>>
    %dma_wait3A_82 = arith.constant 0 : i32
    %dma_wait3A_83 = arith.constant 0 : i32
    %dma_wait3A_84 = tpu.memref_slice %arg3[%dma_wait3A_82, %dma_wait3A_83] : memref<8192x2048xf32, #tpu.memory_space<hbm>> -> memref<8192x2048xf32, #tpu.memory_space<hbm>>
    %dma_wait3A_85 = tpu.memref_slice %arg7[%dma_wait3A_75] : memref<3x!tpu.dma_semaphore, #tpu.memory_space<semaphore_mem>> -> memref<1x!tpu.dma_semaphore, #tpu.memory_space<semaphore_mem>>
    %dma_wait3A_86 = tpu.memref_squeeze %dma_wait3A_85 : memref<1x!tpu.dma_semaphore, #tpu.memory_space<semaphore_mem>> -> memref<!tpu.dma_semaphore, #tpu.memory_space<semaphore_mem>>
    tpu.wait_indirect_dma semaphore(%dma_wait3A_86 : memref<!tpu.dma_semaphore, #tpu.memory_space<semaphore_mem>>) src(%dma_wait3A_84 : memref<8192x2048xf32, #tpu.memory_space<hbm>>) dst(%dma_wait3A_79 : memref<16x2048xf32, #tpu.memory_space<vmem>>)
    %add3A_87 = arith.constant 16 : i32
    %add3A_88 = arith.addi %mul3A_2, %add3A_87 : i32
    %dma_start3A_89 = arith.constant 1 : i32
    %dma_start3A_90 = arith.constant 0 : i32
    %dma_start3A_91 = arith.constant 1 : i32
    %dma_start3A_92 = arith.constant 0 : i32
    %dma_start3A_93 = arith.constant 0 : i32
    %dma_start3A_94 = tpu.memref_slice %arg6[%dma_start3A_89, %dma_start3A_92, %dma_start3A_93] : memref<3x16x2048xf32, #tpu.memory_space<vmem>> -> memref<1x16x2048xf32, #tpu.memory_space<vmem>>
    %dma_start3A_95 = tpu.memref_squeeze %dma_start3A_94 : memref<1x16x2048xf32, #tpu.memory_space<vmem>> -> memref<16x2048xf32, #tpu.memory_space<vmem>>
    %dma_start3A_96 = arith.constant 0 : i32
    %dma_start3A_97 = tpu.memref_slice %arg4[%add3A_88, %dma_start3A_90, %dma_start3A_96] : memref<8192x1x2048xf32, #tpu.memory_space<hbm>> -> memref<16x1x2048xf32, #tpu.memory_space<hbm>>
    %dma_start3A_98 = tpu.memref_squeeze %dma_start3A_97 : memref<16x1x2048xf32, #tpu.memory_space<hbm>> -> memref<16x2048xf32, #tpu.memory_space<hbm>>
    %dma_start3A_99 = tpu.memref_slice %arg8[%dma_start3A_91] : memref<3x!tpu.dma_semaphore, #tpu.memory_space<semaphore_mem>> -> memref<1x!tpu.dma_semaphore, #tpu.memory_space<semaphore_mem>>
    %dma_start3A_100 = tpu.memref_squeeze %dma_start3A_99 : memref<1x!tpu.dma_semaphore, #tpu.memory_space<semaphore_mem>> -> memref<!tpu.dma_semaphore, #tpu.memory_space<semaphore_mem>>
    %dma_start3A_101 = arith.constant 0 : i32
    %dma_start3A_102 = tpu.memref_slice %arg4[%add3A_88, %dma_start3A_90, %dma_start3A_101] : memref<8192x1x2048xf32, #tpu.memory_space<hbm>> -> memref<16x1x2048xf32, #tpu.memory_space<hbm>>
    %dma_start3A_103 = tpu.memref_squeeze %dma_start3A_102 : memref<16x1x2048xf32, #tpu.memory_space<hbm>> -> memref<16x2048xf32, #tpu.memory_space<hbm>>
    %dma_start3A_104 = arith.constant 0 : i32
    %dma_start3A_105 = arith.constant 0 : i32
    %dma_start3A_106 = tpu.memref_slice %arg6[%dma_start3A_89, %dma_start3A_104, %dma_start3A_105] : memref<3x16x2048xf32, #tpu.memory_space<vmem>> -> memref<1x16x2048xf32, #tpu.memory_space<vmem>>
    %dma_start3A_107 = tpu.memref_squeeze %dma_start3A_106 : memref<1x16x2048xf32, #tpu.memory_space<vmem>> -> memref<16x2048xf32, #tpu.memory_space<vmem>>
    tpu.enqueue_dma source(%dma_start3A_107 : memref<16x2048xf32, #tpu.memory_space<vmem>>) target(%dma_start3A_103 : memref<16x2048xf32, #tpu.memory_space<hbm>>) target_semaphore(%dma_start3A_100 : memref<!tpu.dma_semaphore, #tpu.memory_space<semaphore_mem>>)
    %dma_wait3A_108 = arith.constant 0 : i32
    %dma_wait3A_109 = arith.constant 0 : i32
    %dma_wait3A_110 = arith.constant 0 : i32
    %dma_wait3A_111 = arith.constant 0 : i32
    %dma_wait3A_112 = arith.constant 0 : i32
    %dma_wait3A_113 = tpu.memref_slice %arg6[%dma_wait3A_108, %dma_wait3A_111, %dma_wait3A_112] : memref<3x16x2048xf32, #tpu.memory_space<vmem>> -> memref<1x16x2048xf32, #tpu.memory_space<vmem>>
    %dma_wait3A_114 = tpu.memref_squeeze %dma_wait3A_113 : memref<1x16x2048xf32, #tpu.memory_space<vmem>> -> memref<16x2048xf32, #tpu.memory_space<vmem>>
    %dma_wait3A_115 = arith.constant 0 : i32
    %dma_wait3A_116 = tpu.memref_slice %arg4[%add3A_41, %dma_wait3A_109, %dma_wait3A_115] : memref<8192x1x2048xf32, #tpu.memory_space<hbm>> -> memref<16x1x2048xf32, #tpu.memory_space<hbm>>
    %dma_wait3A_117 = tpu.memref_squeeze %dma_wait3A_116 : memref<16x1x2048xf32, #tpu.memory_space<hbm>> -> memref<16x2048xf32, #tpu.memory_space<hbm>>
    %dma_wait3A_118 = tpu.memref_slice %arg8[%dma_wait3A_110] : memref<3x!tpu.dma_semaphore, #tpu.memory_space<semaphore_mem>> -> memref<1x!tpu.dma_semaphore, #tpu.memory_space<semaphore_mem>>
    %dma_wait3A_119 = tpu.memref_squeeze %dma_wait3A_118 : memref<1x!tpu.dma_semaphore, #tpu.memory_space<semaphore_mem>> -> memref<!tpu.dma_semaphore, #tpu.memory_space<semaphore_mem>>
    %dma_wait3A_120 = arith.constant 0 : i32
    %dma_wait3A_121 = tpu.memref_slice %arg4[%add3A_41, %dma_wait3A_109, %dma_wait3A_120] : memref<8192x1x2048xf32, #tpu.memory_space<hbm>> -> memref<16x1x2048xf32, #tpu.memory_space<hbm>>
    %dma_wait3A_122 = tpu.memref_squeeze %dma_wait3A_121 : memref<16x1x2048xf32, #tpu.memory_space<hbm>> -> memref<16x2048xf32, #tpu.memory_space<hbm>>
    %dma_wait3A_123 = arith.constant 0 : i32
    %dma_wait3A_124 = arith.constant 0 : i32
    %dma_wait3A_125 = tpu.memref_slice %arg6[%dma_wait3A_108, %dma_wait3A_123, %dma_wait3A_124] : memref<3x16x2048xf32, #tpu.memory_space<vmem>> -> memref<1x16x2048xf32, #tpu.memory_space<vmem>>
    %dma_wait3A_126 = tpu.memref_squeeze %dma_wait3A_125 : memref<1x16x2048xf32, #tpu.memory_space<vmem>> -> memref<16x2048xf32, #tpu.memory_space<vmem>>
    tpu.wait_dma2 semaphore(%dma_wait3A_119 : memref<!tpu.dma_semaphore, #tpu.memory_space<semaphore_mem>>) src(%dma_wait3A_126 : memref<16x2048xf32, #tpu.memory_space<vmem>>) dst(%dma_wait3A_122 : memref<16x2048xf32, #tpu.memory_space<hbm>>)
    %dma_start3A_127 = arith.constant 0 : i32
    %dma_start3A_128 = arith.constant 0 : i32
    %dma_start3A_129 = arith.constant 0 : i32
    %dma_start3A_130 = arith.constant 0 : i32
    %dma_start3A_131 = tpu.memref_slice %arg6[%dma_start3A_127, %dma_start3A_129, %dma_start3A_130] : memref<3x16x2048xf32, #tpu.memory_space<vmem>> -> memref<1x16x2048xf32, #tpu.memory_space<vmem>>
    %dma_start3A_132 = tpu.memref_squeeze %dma_start3A_131 : memref<1x16x2048xf32, #tpu.memory_space<vmem>> -> memref<16x2048xf32, #tpu.memory_space<vmem>>
    %dma_start3A_133 = arith.constant 48 : i32
    %dma_start3A_134 = tpu.memref_slice %arg5[%dma_start3A_133] : memref<256xi32, #tpu.memory_space<vmem>> -> memref<16xi32, #tpu.memory_space<vmem>>
    %dma_start3A_135 = arith.constant 0 : i32
    %dma_start3A_136 = arith.constant 0 : i32
    %dma_start3A_137 = tpu.memref_slice %arg3[%dma_start3A_135, %dma_start3A_136] : memref<8192x2048xf32, #tpu.memory_space<hbm>> -> memref<8192x2048xf32, #tpu.memory_space<hbm>>
    %dma_start3A_138 = tpu.memref_slice %arg7[%dma_start3A_128] : memref<3x!tpu.dma_semaphore, #tpu.memory_space<semaphore_mem>> -> memref<1x!tpu.dma_semaphore, #tpu.memory_space<semaphore_mem>>
    %dma_start3A_139 = tpu.memref_squeeze %dma_start3A_138 : memref<1x!tpu.dma_semaphore, #tpu.memory_space<semaphore_mem>> -> memref<!tpu.dma_semaphore, #tpu.memory_space<semaphore_mem>>
    tpu.enqueue_indirect_dma source(%dma_start3A_137 : memref<8192x2048xf32, #tpu.memory_space<hbm>>) target(%dma_start3A_132 : memref<16x2048xf32, #tpu.memory_space<vmem>>) offsets(%dma_start3A_134 : memref<16xi32, #tpu.memory_space<vmem>>) semaphore(%dma_start3A_139 : memref<!tpu.dma_semaphore, #tpu.memory_space<semaphore_mem>>)
    %dma_wait3A_140 = arith.constant 2 : i32
    %dma_wait3A_141 = arith.constant 2 : i32
    %dma_wait3A_142 = arith.constant 0 : i32
    %dma_wait3A_143 = arith.constant 0 : i32
    %dma_wait3A_144 = tpu.memref_slice %arg6[%dma_wait3A_140, %dma_wait3A_142, %dma_wait3A_143] : memref<3x16x2048xf32, #tpu.memory_space<vmem>> -> memref<1x16x2048xf32, #tpu.memory_space<vmem>>
    %dma_wait3A_145 = tpu.memref_squeeze %dma_wait3A_144 : memref<1x16x2048xf32, #tpu.memory_space<vmem>> -> memref<16x2048xf32, #tpu.memory_space<vmem>>
    %dma_wait3A_146 = arith.constant 32 : i32
    %dma_wait3A_147 = tpu.memref_slice %arg5[%dma_wait3A_146] : memref<256xi32, #tpu.memory_space<vmem>> -> memref<16xi32, #tpu.memory_space<vmem>>
    %dma_wait3A_148 = arith.constant 0 : i32
    %dma_wait3A_149 = arith.constant 0 : i32
    %dma_wait3A_150 = tpu.memref_slice %arg3[%dma_wait3A_148, %dma_wait3A_149] : memref<8192x2048xf32, #tpu.memory_space<hbm>> -> memref<8192x2048xf32, #tpu.memory_space<hbm>>
    %dma_wait3A_151 = tpu.memref_slice %arg7[%dma_wait3A_141] : memref<3x!tpu.dma_semaphore, #tpu.memory_space<semaphore_mem>> -> memref<1x!tpu.dma_semaphore, #tpu.memory_space<semaphore_mem>>
    %dma_wait3A_152 = tpu.memref_squeeze %dma_wait3A_151 : memref<1x!tpu.dma_semaphore, #tpu.memory_space<semaphore_mem>> -> memref<!tpu.dma_semaphore, #tpu.memory_space<semaphore_mem>>
    tpu.wait_indirect_dma semaphore(%dma_wait3A_152 : memref<!tpu.dma_semaphore, #tpu.memory_space<semaphore_mem>>) src(%dma_wait3A_150 : memref<8192x2048xf32, #tpu.memory_space<hbm>>) dst(%dma_wait3A_145 : memref<16x2048xf32, #tpu.memory_space<vmem>>)
    %add3A_153 = arith.constant 32 : i32
    %add3A_154 = arith.addi %mul3A_2, %add3A_153 : i32
    %dma_start3A_155 = arith.constant 2 : i32
    %dma_start3A_156 = arith.constant 0 : i32
    %dma_start3A_157 = arith.constant 2 : i32
    %dma_start3A_158 = arith.constant 0 : i32
    %dma_start3A_159 = arith.constant 0 : i32
    %dma_start3A_160 = tpu.memref_slice %arg6[%dma_start3A_155, %dma_start3A_158, %dma_start3A_159] : memref<3x16x2048xf32, #tpu.memory_space<vmem>> -> memref<1x16x2048xf32, #tpu.memory_space<vmem>>
    %dma_start3A_161 = tpu.memref_squeeze %dma_start3A_160 : memref<1x16x2048xf32, #tpu.memory_space<vmem>> -> memref<16x2048xf32, #tpu.memory_space<vmem>>
    %dma_start3A_162 = arith.constant 0 : i32
    %dma_start3A_163 = tpu.memref_slice %arg4[%add3A_154, %dma_start3A_156, %dma_start3A_162] : memref<8192x1x2048xf32, #tpu.memory_space<hbm>> -> memref<16x1x2048xf32, #tpu.memory_space<hbm>>
    %dma_start3A_164 = tpu.memref_squeeze %dma_start3A_163 : memref<16x1x2048xf32, #tpu.memory_space<hbm>> -> memref<16x2048xf32, #tpu.memory_space<hbm>>
    %dma_start3A_165 = tpu.memref_slice %arg8[%dma_start3A_157] : memref<3x!tpu.dma_semaphore, #tpu.memory_space<semaphore_mem>> -> memref<1x!tpu.dma_semaphore, #tpu.memory_space<semaphore_mem>>
    %dma_start3A_166 = tpu.memref_squeeze %dma_start3A_165 : memref<1x!tpu.dma_semaphore, #tpu.memory_space<semaphore_mem>> -> memref<!tpu.dma_semaphore, #tpu.memory_space<semaphore_mem>>
    %dma_start3A_167 = arith.constant 0 : i32
    %dma_start3A_168 = tpu.memref_slice %arg4[%add3A_154, %dma_start3A_156, %dma_start3A_167] : memref<8192x1x2048xf32, #tpu.memory_space<hbm>> -> memref<16x1x2048xf32, #tpu.memory_space<hbm>>
    %dma_start3A_169 = tpu.memref_squeeze %dma_start3A_168 : memref<16x1x2048xf32, #tpu.memory_space<hbm>> -> memref<16x2048xf32, #tpu.memory_space<hbm>>
    %dma_start3A_170 = arith.constant 0 : i32
    %dma_start3A_171 = arith.constant 0 : i32
    %dma_start3A_172 = tpu.memref_slice %arg6[%dma_start3A_155, %dma_start3A_170, %dma_start3A_171] : memref<3x16x2048xf32, #tpu.memory_space<vmem>> -> memref<1x16x2048xf32, #tpu.memory_space<vmem>>
    %dma_start3A_173 = tpu.memref_squeeze %dma_start3A_172 : memref<1x16x2048xf32, #tpu.memory_space<vmem>> -> memref<16x2048xf32, #tpu.memory_space<vmem>>
    tpu.enqueue_dma source(%dma_start3A_173 : memref<16x2048xf32, #tpu.memory_space<vmem>>) target(%dma_start3A_169 : memref<16x2048xf32, #tpu.memory_space<hbm>>) target_semaphore(%dma_start3A_166 : memref<!tpu.dma_semaphore, #tpu.memory_space<semaphore_mem>>)
    %dma_wait3A_174 = arith.constant 1 : i32
    %dma_wait3A_175 = arith.constant 0 : i32
    %dma_wait3A_176 = arith.constant 1 : i32
    %dma_wait3A_177 = arith.constant 0 : i32
    %dma_wait3A_178 = arith.constant 0 : i32
    %dma_wait3A_179 = tpu.memref_slice %arg6[%dma_wait3A_174, %dma_wait3A_177, %dma_wait3A_178] : memref<3x16x2048xf32, #tpu.memory_space<vmem>> -> memref<1x16x2048xf32, #tpu.memory_space<vmem>>
    %dma_wait3A_180 = tpu.memref_squeeze %dma_wait3A_179 : memref<1x16x2048xf32, #tpu.memory_space<vmem>> -> memref<16x2048xf32, #tpu.memory_space<vmem>>
    %dma_wait3A_181 = arith.constant 0 : i32
    %dma_wait3A_182 = tpu.memref_slice %arg4[%add3A_88, %dma_wait3A_175, %dma_wait3A_181] : memref<8192x1x2048xf32, #tpu.memory_space<hbm>> -> memref<16x1x2048xf32, #tpu.memory_space<hbm>>
    %dma_wait3A_183 = tpu.memref_squeeze %dma_wait3A_182 : memref<16x1x2048xf32, #tpu.memory_space<hbm>> -> memref<16x2048xf32, #tpu.memory_space<hbm>>
    %dma_wait3A_184 = tpu.memref_slice %arg8[%dma_wait3A_176] : memref<3x!tpu.dma_semaphore, #tpu.memory_space<semaphore_mem>> -> memref<1x!tpu.dma_semaphore, #tpu.memory_space<semaphore_mem>>
    %dma_wait3A_185 = tpu.memref_squeeze %dma_wait3A_184 : memref<1x!tpu.dma_semaphore, #tpu.memory_space<semaphore_mem>> -> memref<!tpu.dma_semaphore, #tpu.memory_space<semaphore_mem>>
    %dma_wait3A_186 = arith.constant 0 : i32
    %dma_wait3A_187 = tpu.memref_slice %arg4[%add3A_88, %dma_wait3A_175, %dma_wait3A_186] : memref<8192x1x2048xf32, #tpu.memory_space<hbm>> -> memref<16x1x2048xf32, #tpu.memory_space<hbm>>
    %dma_wait3A_188 = tpu.memref_squeeze %dma_wait3A_187 : memref<16x1x2048xf32, #tpu.memory_space<hbm>> -> memref<16x2048xf32, #tpu.memory_space<hbm>>
    %dma_wait3A_189 = arith.constant 0 : i32
    %dma_wait3A_190 = arith.constant 0 : i32
    %dma_wait3A_191 = tpu.memref_slice %arg6[%dma_wait3A_174, %dma_wait3A_189, %dma_wait3A_190] : memref<3x16x2048xf32, #tpu.memory_space<vmem>> -> memref<1x16x2048xf32, #tpu.memory_space<vmem>>
    %dma_wait3A_192 = tpu.memref_squeeze %dma_wait3A_191 : memref<1x16x2048xf32, #tpu.memory_space<vmem>> -> memref<16x2048xf32, #tpu.memory_space<vmem>>
    tpu.wait_dma2 semaphore(%dma_wait3A_185 : memref<!tpu.dma_semaphore, #tpu.memory_space<semaphore_mem>>) src(%dma_wait3A_192 : memref<16x2048xf32, #tpu.memory_space<vmem>>) dst(%dma_wait3A_188 : memref<16x2048xf32, #tpu.memory_space<hbm>>)
    %dma_start3A_193 = arith.constant 1 : i32
    %dma_start3A_194 = arith.constant 1 : i32
    %dma_start3A_195 = arith.constant 0 : i32
    %dma_start3A_196 = arith.constant 0 : i32
    %dma_start3A_197 = tpu.memref_slice %arg6[%dma_start3A_193, %dma_start3A_195, %dma_start3A_196] : memref<3x16x2048xf32, #tpu.memory_space<vmem>> -> memref<1x16x2048xf32, #tpu.memory_space<vmem>>
    %dma_start3A_198 = tpu.memref_squeeze %dma_start3A_197 : memref<1x16x2048xf32, #tpu.memory_space<vmem>> -> memref<16x2048xf32, #tpu.memory_space<vmem>>
    %dma_start3A_199 = arith.constant 64 : i32
    %dma_start3A_200 = tpu.memref_slice %arg5[%dma_start3A_199] : memref<256xi32, #tpu.memory_space<vmem>> -> memref<16xi32, #tpu.memory_space<vmem>>
    %dma_start3A_201 = arith.constant 0 : i32
    %dma_start3A_202 = arith.constant 0 : i32
    %dma_start3A_203 = tpu.memref_slice %arg3[%dma_start3A_201, %dma_start3A_202] : memref<8192x2048xf32, #tpu.memory_space<hbm>> -> memref<8192x2048xf32, #tpu.memory_space<hbm>>
    %dma_start3A_204 = tpu.memref_slice %arg7[%dma_start3A_194] : memref<3x!tpu.dma_semaphore, #tpu.memory_space<semaphore_mem>> -> memref<1x!tpu.dma_semaphore, #tpu.memory_space<semaphore_mem>>
    %dma_start3A_205 = tpu.memref_squeeze %dma_start3A_204 : memref<1x!tpu.dma_semaphore, #tpu.memory_space<semaphore_mem>> -> memref<!tpu.dma_semaphore, #tpu.memory_space<semaphore_mem>>
    tpu.enqueue_indirect_dma source(%dma_start3A_203 : memref<8192x2048xf32, #tpu.memory_space<hbm>>) target(%dma_start3A_198 : memref<16x2048xf32, #tpu.memory_space<vmem>>) offsets(%dma_start3A_200 : memref<16xi32, #tpu.memory_space<vmem>>) semaphore(%dma_start3A_205 : memref<!tpu.dma_semaphore, #tpu.memory_space<semaphore_mem>>)
    %dma_wait3A_206 = arith.constant 0 : i32
    %dma_wait3A_207 = arith.constant 0 : i32
    %dma_wait3A_208 = arith.constant 0 : i32
    %dma_wait3A_209 = arith.constant 0 : i32
    %dma_wait3A_210 = tpu.memref_slice %arg6[%dma_wait3A_206, %dma_wait3A_208, %dma_wait3A_209] : memref<3x16x2048xf32, #tpu.memory_space<vmem>> -> memref<1x16x2048xf32, #tpu.memory_space<vmem>>
    %dma_wait3A_211 = tpu.memref_squeeze %dma_wait3A_210 : memref<1x16x2048xf32, #tpu.memory_space<vmem>> -> memref<16x2048xf32, #tpu.memory_space<vmem>>
    %dma_wait3A_212 = arith.constant 48 : i32
    %dma_wait3A_213 = tpu.memref_slice %arg5[%dma_wait3A_212] : memref<256xi32, #tpu.memory_space<vmem>> -> memref<16xi32, #tpu.memory_space<vmem>>
    %dma_wait3A_214 = arith.constant 0 : i32
    %dma_wait3A_215 = arith.constant 0 : i32
    %dma_wait3A_216 = tpu.memref_slice %arg3[%dma_wait3A_214, %dma_wait3A_215] : memref<8192x2048xf32, #tpu.memory_space<hbm>> -> memref<8192x2048xf32, #tpu.memory_space<hbm>>
    %dma_wait3A_217 = tpu.memref_slice %arg7[%dma_wait3A_207] : memref<3x!tpu.dma_semaphore, #tpu.memory_space<semaphore_mem>> -> memref<1x!tpu.dma_semaphore, #tpu.memory_space<semaphore_mem>>
    %dma_wait3A_218 = tpu.memref_squeeze %dma_wait3A_217 : memref<1x!tpu.dma_semaphore, #tpu.memory_space<semaphore_mem>> -> memref<!tpu.dma_semaphore, #tpu.memory_space<semaphore_mem>>
    tpu.wait_indirect_dma semaphore(%dma_wait3A_218 : memref<!tpu.dma_semaphore, #tpu.memory_space<semaphore_mem>>) src(%dma_wait3A_216 : memref<8192x2048xf32, #tpu.memory_space<hbm>>) dst(%dma_wait3A_211 : memref<16x2048xf32, #tpu.memory_space<vmem>>)
    %add3A_219 = arith.constant 48 : i32
    %add3A_220 = arith.addi %mul3A_2, %add3A_219 : i32
    %dma_start3A_221 = arith.constant 0 : i32
    %dma_start3A_222 = arith.constant 0 : i32
    %dma_start3A_223 = arith.constant 0 : i32
    %dma_start3A_224 = arith.constant 0 : i32
    %dma_start3A_225 = arith.constant 0 : i32
    %dma_start3A_226 = tpu.memref_slice %arg6[%dma_start3A_221, %dma_start3A_224, %dma_start3A_225] : memref<3x16x2048xf32, #tpu.memory_space<vmem>> -> memref<1x16x2048xf32, #tpu.memory_space<vmem>>
    %dma_start3A_227 = tpu.memref_squeeze %dma_start3A_226 : memref<1x16x2048xf32, #tpu.memory_space<vmem>> -> memref<16x2048xf32, #tpu.memory_space<vmem>>
    %dma_start3A_228 = arith.constant 0 : i32
    %dma_start3A_229 = tpu.memref_slice %arg4[%add3A_220, %dma_start3A_222, %dma_start3A_228] : memref<8192x1x2048xf32, #tpu.memory_space<hbm>> -> memref<16x1x2048xf32, #tpu.memory_space<hbm>>
    %dma_start3A_230 = tpu.memref_squeeze %dma_start3A_229 : memref<16x1x2048xf32, #tpu.memory_space<hbm>> -> memref<16x2048xf32, #tpu.memory_space<hbm>>
    %dma_start3A_231 = tpu.memref_slice %arg8[%dma_start3A_223] : memref<3x!tpu.dma_semaphore, #tpu.memory_space<semaphore_mem>> -> memref<1x!tpu.dma_semaphore, #tpu.memory_space<semaphore_mem>>
    %dma_start3A_232 = tpu.memref_squeeze %dma_start3A_231 : memref<1x!tpu.dma_semaphore, #tpu.memory_space<semaphore_mem>> -> memref<!tpu.dma_semaphore, #tpu.memory_space<semaphore_mem>>
    %dma_start3A_233 = arith.constant 0 : i32
    %dma_start3A_234 = tpu.memref_slice %arg4[%add3A_220, %dma_start3A_222, %dma_start3A_233] : memref<8192x1x2048xf32, #tpu.memory_space<hbm>> -> memref<16x1x2048xf32, #tpu.memory_space<hbm>>
    %dma_start3A_235 = tpu.memref_squeeze %dma_start3A_234 : memref<16x1x2048xf32, #tpu.memory_space<hbm>> -> memref<16x2048xf32, #tpu.memory_space<hbm>>
    %dma_start3A_236 = arith.constant 0 : i32
    %dma_start3A_237 = arith.constant 0 : i32
    %dma_start3A_238 = tpu.memref_slice %arg6[%dma_start3A_221, %dma_start3A_236, %dma_start3A_237] : memref<3x16x2048xf32, #tpu.memory_space<vmem>> -> memref<1x16x2048xf32, #tpu.memory_space<vmem>>
    %dma_start3A_239 = tpu.memref_squeeze %dma_start3A_238 : memref<1x16x2048xf32, #tpu.memory_space<vmem>> -> memref<16x2048xf32, #tpu.memory_space<vmem>>
    tpu.enqueue_dma source(%dma_start3A_239 : memref<16x2048xf32, #tpu.memory_space<vmem>>) target(%dma_start3A_235 : memref<16x2048xf32, #tpu.memory_space<hbm>>) target_semaphore(%dma_start3A_232 : memref<!tpu.dma_semaphore, #tpu.memory_space<semaphore_mem>>)
    %dma_wait3A_240 = arith.constant 2 : i32
    %dma_wait3A_241 = arith.constant 0 : i32
    %dma_wait3A_242 = arith.constant 2 : i32
    %dma_wait3A_243 = arith.constant 0 : i32
    %dma_wait3A_244 = arith.constant 0 : i32
    %dma_wait3A_245 = tpu.memref_slice %arg6[%dma_wait3A_240, %dma_wait3A_243, %dma_wait3A_244] : memref<3x16x2048xf32, #tpu.memory_space<vmem>> -> memref<1x16x2048xf32, #tpu.memory_space<vmem>>
    %dma_wait3A_246 = tpu.memref_squeeze %dma_wait3A_245 : memref<1x16x2048xf32, #tpu.memory_space<vmem>> -> memref<16x2048xf32, #tpu.memory_space<vmem>>
    %dma_wait3A_247 = arith.constant 0 : i32
    %dma_wait3A_248 = tpu.memref_slice %arg4[%add3A_154, %dma_wait3A_241, %dma_wait3A_247] : memref<8192x1x2048xf32, #tpu.memory_space<hbm>> -> memref<16x1x2048xf32, #tpu.memory_space<hbm>>
    %dma_wait3A_249 = tpu.memref_squeeze %dma_wait3A_248 : memref<16x1x2048xf32, #tpu.memory_space<hbm>> -> memref<16x2048xf32, #tpu.memory_space<hbm>>
    %dma_wait3A_250 = tpu.memref_slice %arg8[%dma_wait3A_242] : memref<3x!tpu.dma_semaphore, #tpu.memory_space<semaphore_mem>> -> memref<1x!tpu.dma_semaphore, #tpu.memory_space<semaphore_mem>>
    %dma_wait3A_251 = tpu.memref_squeeze %dma_wait3A_250 : memref<1x!tpu.dma_semaphore, #tpu.memory_space<semaphore_mem>> -> memref<!tpu.dma_semaphore, #tpu.memory_space<semaphore_mem>>
    %dma_wait3A_252 = arith.constant 0 : i32
    %dma_wait3A_253 = tpu.memref_slice %arg4[%add3A_154, %dma_wait3A_241, %dma_wait3A_252] : memref<8192x1x2048xf32, #tpu.memory_space<hbm>> -> memref<16x1x2048xf32, #tpu.memory_space<hbm>>
    %dma_wait3A_254 = tpu.memref_squeeze %dma_wait3A_253 : memref<16x1x2048xf32, #tpu.memory_space<hbm>> -> memref<16x2048xf32, #tpu.memory_space<hbm>>
    %dma_wait3A_255 = arith.constant 0 : i32
    %dma_wait3A_256 = arith.constant 0 : i32
    %dma_wait3A_257 = tpu.memref_slice %arg6[%dma_wait3A_240, %dma_wait3A_255, %dma_wait3A_256] : memref<3x16x2048xf32, #tpu.memory_space<vmem>> -> memref<1x16x2048xf32, #tpu.memory_space<vmem>>
    %dma_wait3A_258 = tpu.memref_squeeze %dma_wait3A_257 : memref<1x16x2048xf32, #tpu.memory_space<vmem>> -> memref<16x2048xf32, #tpu.memory_space<vmem>>
    tpu.wait_dma2 semaphore(%dma_wait3A_251 : memref<!tpu.dma_semaphore, #tpu.memory_space<semaphore_mem>>) src(%dma_wait3A_258 : memref<16x2048xf32, #tpu.memory_space<vmem>>) dst(%dma_wait3A_254 : memref<16x2048xf32, #tpu.memory_space<hbm>>)
    %dma_start3A_259 = arith.constant 2 : i32
    %dma_start3A_260 = arith.constant 2 : i32
    %dma_start3A_261 = arith.constant 0 : i32
    %dma_start3A_262 = arith.constant 0 : i32
    %dma_start3A_263 = tpu.memref_slice %arg6[%dma_start3A_259, %dma_start3A_261, %dma_start3A_262] : memref<3x16x2048xf32, #tpu.memory_space<vmem>> -> memref<1x16x2048xf32, #tpu.memory_space<vmem>>
    %dma_start3A_264 = tpu.memref_squeeze %dma_start3A_263 : memref<1x16x2048xf32, #tpu.memory_space<vmem>> -> memref<16x2048xf32, #tpu.memory_space<vmem>>
    %dma_start3A_265 = arith.constant 80 : i32
    %dma_start3A_266 = tpu.memref_slice %arg5[%dma_start3A_265] : memref<256xi32, #tpu.memory_space<vmem>> -> memref<16xi32, #tpu.memory_space<vmem>>
    %dma_start3A_267 = arith.constant 0 : i32
    %dma_start3A_268 = arith.constant 0 : i32
    %dma_start3A_269 = tpu.memref_slice %arg3[%dma_start3A_267, %dma_start3A_268] : memref<8192x2048xf32, #tpu.memory_space<hbm>> -> memref<8192x2048xf32, #tpu.memory_space<hbm>>
    %dma_start3A_270 = tpu.memref_slice %arg7[%dma_start3A_260] : memref<3x!tpu.dma_semaphore, #tpu.memory_space<semaphore_mem>> -> memref<1x!tpu.dma_semaphore, #tpu.memory_space<semaphore_mem>>
    %dma_start3A_271 = tpu.memref_squeeze %dma_start3A_270 : memref<1x!tpu.dma_semaphore, #tpu.memory_space<semaphore_mem>> -> memref<!tpu.dma_semaphore, #tpu.memory_space<semaphore_mem>>
    tpu.enqueue_indirect_dma source(%dma_start3A_269 : memref<8192x2048xf32, #tpu.memory_space<hbm>>) target(%dma_start3A_264 : memref<16x2048xf32, #tpu.memory_space<vmem>>) offsets(%dma_start3A_266 : memref<16xi32, #tpu.memory_space<vmem>>) semaphore(%dma_start3A_271 : memref<!tpu.dma_semaphore, #tpu.memory_space<semaphore_mem>>)
    %dma_wait3A_272 = arith.constant 1 : i32
    %dma_wait3A_273 = arith.constant 1 : i32
    %dma_wait3A_274 = arith.constant 0 : i32
    %dma_wait3A_275 = arith.constant 0 : i32
    %dma_wait3A_276 = tpu.memref_slice %arg6[%dma_wait3A_272, %dma_wait3A_274, %dma_wait3A_275] : memref<3x16x2048xf32, #tpu.memory_space<vmem>> -> memref<1x16x2048xf32, #tpu.memory_space<vmem>>
    %dma_wait3A_277 = tpu.memref_squeeze %dma_wait3A_276 : memref<1x16x2048xf32, #tpu.memory_space<vmem>> -> memref<16x2048xf32, #tpu.memory_space<vmem>>
    %dma_wait3A_278 = arith.constant 64 : i32
    %dma_wait3A_279 = tpu.memref_slice %arg5[%dma_wait3A_278] : memref<256xi32, #tpu.memory_space<vmem>> -> memref<16xi32, #tpu.memory_space<vmem>>
    %dma_wait3A_280 = arith.constant 0 : i32
    %dma_wait3A_281 = arith.constant 0 : i32
    %dma_wait3A_282 = tpu.memref_slice %arg3[%dma_wait3A_280, %dma_wait3A_281] : memref<8192x2048xf32, #tpu.memory_space<hbm>> -> memref<8192x2048xf32, #tpu.memory_space<hbm>>
    %dma_wait3A_283 = tpu.memref_slice %arg7[%dma_wait3A_273] : memref<3x!tpu.dma_semaphore, #tpu.memory_space<semaphore_mem>> -> memref<1x!tpu.dma_semaphore, #tpu.memory_space<semaphore_mem>>
    %dma_wait3A_284 = tpu.memref_squeeze %dma_wait3A_283 : memref<1x!tpu.dma_semaphore, #tpu.memory_space<semaphore_mem>> -> memref<!tpu.dma_semaphore, #tpu.memory_space<semaphore_mem>>
    tpu.wait_indirect_dma semaphore(%dma_wait3A_284 : memref<!tpu.dma_semaphore, #tpu.memory_space<semaphore_mem>>) src(%dma_wait3A_282 : memref<8192x2048xf32, #tpu.memory_space<hbm>>) dst(%dma_wait3A_277 : memref<16x2048xf32, #tpu.memory_space<vmem>>)
    %add3A_285 = arith.constant 64 : i32
    %add3A_286 = arith.addi %mul3A_2, %add3A_285 : i32
    %dma_start3A_287 = arith.constant 1 : i32
    %dma_start3A_288 = arith.constant 0 : i32
    %dma_start3A_289 = arith.constant 1 : i32
    %dma_start3A_290 = arith.constant 0 : i32
    %dma_start3A_291 = arith.constant 0 : i32
    %dma_start3A_292 = tpu.memref_slice %arg6[%dma_start3A_287, %dma_start3A_290, %dma_start3A_291] : memref<3x16x2048xf32, #tpu.memory_space<vmem>> -> memref<1x16x2048xf32, #tpu.memory_space<vmem>>
    %dma_start3A_293 = tpu.memref_squeeze %dma_start3A_292 : memref<1x16x2048xf32, #tpu.memory_space<vmem>> -> memref<16x2048xf32, #tpu.memory_space<vmem>>
    %dma_start3A_294 = arith.constant 0 : i32
    %dma_start3A_295 = tpu.memref_slice %arg4[%add3A_286, %dma_start3A_288, %dma_start3A_294] : memref<8192x1x2048xf32, #tpu.memory_space<hbm>> -> memref<16x1x2048xf32, #tpu.memory_space<hbm>>
    %dma_start3A_296 = tpu.memref_squeeze %dma_start3A_295 : memref<16x1x2048xf32, #tpu.memory_space<hbm>> -> memref<16x2048xf32, #tpu.memory_space<hbm>>
    %dma_start3A_297 = tpu.memref_slice %arg8[%dma_start3A_289] : memref<3x!tpu.dma_semaphore, #tpu.memory_space<semaphore_mem>> -> memref<1x!tpu.dma_semaphore, #tpu.memory_space<semaphore_mem>>
    %dma_start3A_298 = tpu.memref_squeeze %dma_start3A_297 : memref<1x!tpu.dma_semaphore, #tpu.memory_space<semaphore_mem>> -> memref<!tpu.dma_semaphore, #tpu.memory_space<semaphore_mem>>
    %dma_start3A_299 = arith.constant 0 : i32
    %dma_start3A_300 = tpu.memref_slice %arg4[%add3A_286, %dma_start3A_288, %dma_start3A_299] : memref<8192x1x2048xf32, #tpu.memory_space<hbm>> -> memref<16x1x2048xf32, #tpu.memory_space<hbm>>
    %dma_start3A_301 = tpu.memref_squeeze %dma_start3A_300 : memref<16x1x2048xf32, #tpu.memory_space<hbm>> -> memref<16x2048xf32, #tpu.memory_space<hbm>>
    %dma_start3A_302 = arith.constant 0 : i32
    %dma_start3A_303 = arith.constant 0 : i32
    %dma_start3A_304 = tpu.memref_slice %arg6[%dma_start3A_287, %dma_start3A_302, %dma_start3A_303] : memref<3x16x2048xf32, #tpu.memory_space<vmem>> -> memref<1x16x2048xf32, #tpu.memory_space<vmem>>
    %dma_start3A_305 = tpu.memref_squeeze %dma_start3A_304 : memref<1x16x2048xf32, #tpu.memory_space<vmem>> -> memref<16x2048xf32, #tpu.memory_space<vmem>>
    tpu.enqueue_dma source(%dma_start3A_305 : memref<16x2048xf32, #tpu.memory_space<vmem>>) target(%dma_start3A_301 : memref<16x2048xf32, #tpu.memory_space<hbm>>) target_semaphore(%dma_start3A_298 : memref<!tpu.dma_semaphore, #tpu.memory_space<semaphore_mem>>)
    %dma_wait3A_306 = arith.constant 0 : i32
    %dma_wait3A_307 = arith.constant 0 : i32
    %dma_wait3A_308 = arith.constant 0 : i32
    %dma_wait3A_309 = arith.constant 0 : i32
    %dma_wait3A_310 = arith.constant 0 : i32
    %dma_wait3A_311 = tpu.memref_slice %arg6[%dma_wait3A_306, %dma_wait3A_309, %dma_wait3A_310] : memref<3x16x2048xf32, #tpu.memory_space<vmem>> -> memref<1x16x2048xf32, #tpu.memory_space<vmem>>
    %dma_wait3A_312 = tpu.memref_squeeze %dma_wait3A_311 : memref<1x16x2048xf32, #tpu.memory_space<vmem>> -> memref<16x2048xf32, #tpu.memory_space<vmem>>
    %dma_wait3A_313 = arith.constant 0 : i32
    %dma_wait3A_314 = tpu.memref_slice %arg4[%add3A_220, %dma_wait3A_307, %dma_wait3A_313] : memref<8192x1x2048xf32, #tpu.memory_space<hbm>> -> memref<16x1x2048xf32, #tpu.memory_space<hbm>>
    %dma_wait3A_315 = tpu.memref_squeeze %dma_wait3A_314 : memref<16x1x2048xf32, #tpu.memory_space<hbm>> -> memref<16x2048xf32, #tpu.memory_space<hbm>>
    %dma_wait3A_316 = tpu.memref_slice %arg8[%dma_wait3A_308] : memref<3x!tpu.dma_semaphore, #tpu.memory_space<semaphore_mem>> -> memref<1x!tpu.dma_semaphore, #tpu.memory_space<semaphore_mem>>
    %dma_wait3A_317 = tpu.memref_squeeze %dma_wait3A_316 : memref<1x!tpu.dma_semaphore, #tpu.memory_space<semaphore_mem>> -> memref<!tpu.dma_semaphore, #tpu.memory_space<semaphore_mem>>
    %dma_wait3A_318 = arith.constant 0 : i32
    %dma_wait3A_319 = tpu.memref_slice %arg4[%add3A_220, %dma_wait3A_307, %dma_wait3A_318] : memref<8192x1x2048xf32, #tpu.memory_space<hbm>> -> memref<16x1x2048xf32, #tpu.memory_space<hbm>>
    %dma_wait3A_320 = tpu.memref_squeeze %dma_wait3A_319 : memref<16x1x2048xf32, #tpu.memory_space<hbm>> -> memref<16x2048xf32, #tpu.memory_space<hbm>>
    %dma_wait3A_321 = arith.constant 0 : i32
    %dma_wait3A_322 = arith.constant 0 : i32
    %dma_wait3A_323 = tpu.memref_slice %arg6[%dma_wait3A_306, %dma_wait3A_321, %dma_wait3A_322] : memref<3x16x2048xf32, #tpu.memory_space<vmem>> -> memref<1x16x2048xf32, #tpu.memory_space<vmem>>
    %dma_wait3A_324 = tpu.memref_squeeze %dma_wait3A_323 : memref<1x16x2048xf32, #tpu.memory_space<vmem>> -> memref<16x2048xf32, #tpu.memory_space<vmem>>
    tpu.wait_dma2 semaphore(%dma_wait3A_317 : memref<!tpu.dma_semaphore, #tpu.memory_space<semaphore_mem>>) src(%dma_wait3A_324 : memref<16x2048xf32, #tpu.memory_space<vmem>>) dst(%dma_wait3A_320 : memref<16x2048xf32, #tpu.memory_space<hbm>>)
    %dma_start3A_325 = arith.constant 0 : i32
    %dma_start3A_326 = arith.constant 0 : i32
    %dma_start3A_327 = arith.constant 0 : i32
    %dma_start3A_328 = arith.constant 0 : i32
    %dma_start3A_329 = tpu.memref_slice %arg6[%dma_start3A_325, %dma_start3A_327, %dma_start3A_328] : memref<3x16x2048xf32, #tpu.memory_space<vmem>> -> memref<1x16x2048xf32, #tpu.memory_space<vmem>>
    %dma_start3A_330 = tpu.memref_squeeze %dma_start3A_329 : memref<1x16x2048xf32, #tpu.memory_space<vmem>> -> memref<16x2048xf32, #tpu.memory_space<vmem>>
    %dma_start3A_331 = arith.constant 96 : i32
    %dma_start3A_332 = tpu.memref_slice %arg5[%dma_start3A_331] : memref<256xi32, #tpu.memory_space<vmem>> -> memref<16xi32, #tpu.memory_space<vmem>>
    %dma_start3A_333 = arith.constant 0 : i32
    %dma_start3A_334 = arith.constant 0 : i32
    %dma_start3A_335 = tpu.memref_slice %arg3[%dma_start3A_333, %dma_start3A_334] : memref<8192x2048xf32, #tpu.memory_space<hbm>> -> memref<8192x2048xf32, #tpu.memory_space<hbm>>
    %dma_start3A_336 = tpu.memref_slice %arg7[%dma_start3A_326] : memref<3x!tpu.dma_semaphore, #tpu.memory_space<semaphore_mem>> -> memref<1x!tpu.dma_semaphore, #tpu.memory_space<semaphore_mem>>
    %dma_start3A_337 = tpu.memref_squeeze %dma_start3A_336 : memref<1x!tpu.dma_semaphore, #tpu.memory_space<semaphore_mem>> -> memref<!tpu.dma_semaphore, #tpu.memory_space<semaphore_mem>>
    tpu.enqueue_indirect_dma source(%dma_start3A_335 : memref<8192x2048xf32, #tpu.memory_space<hbm>>) target(%dma_start3A_330 : memref<16x2048xf32, #tpu.memory_space<vmem>>) offsets(%dma_start3A_332 : memref<16xi32, #tpu.memory_space<vmem>>) semaphore(%dma_start3A_337 : memref<!tpu.dma_semaphore, #tpu.memory_space<semaphore_mem>>)
    %dma_wait3A_338 = arith.constant 2 : i32
    %dma_wait3A_339 = arith.constant 2 : i32
    %dma_wait3A_340 = arith.constant 0 : i32
    %dma_wait3A_341 = arith.constant 0 : i32
    %dma_wait3A_342 = tpu.memref_slice %arg6[%dma_wait3A_338, %dma_wait3A_340, %dma_wait3A_341] : memref<3x16x2048xf32, #tpu.memory_space<vmem>> -> memref<1x16x2048xf32, #tpu.memory_space<vmem>>
    %dma_wait3A_343 = tpu.memref_squeeze %dma_wait3A_342 : memref<1x16x2048xf32, #tpu.memory_space<vmem>> -> memref<16x2048xf32, #tpu.memory_space<vmem>>
    %dma_wait3A_344 = arith.constant 80 : i32
    %dma_wait3A_345 = tpu.memref_slice %arg5[%dma_wait3A_344] : memref<256xi32, #tpu.memory_space<vmem>> -> memref<16xi32, #tpu.memory_space<vmem>>
    %dma_wait3A_346 = arith.constant 0 : i32
    %dma_wait3A_347 = arith.constant 0 : i32
    %dma_wait3A_348 = tpu.memref_slice %arg3[%dma_wait3A_346, %dma_wait3A_347] : memref<8192x2048xf32, #tpu.memory_space<hbm>> -> memref<8192x2048xf32, #tpu.memory_space<hbm>>
    %dma_wait3A_349 = tpu.memref_slice %arg7[%dma_wait3A_339] : memref<3x!tpu.dma_semaphore, #tpu.memory_space<semaphore_mem>> -> memref<1x!tpu.dma_semaphore, #tpu.memory_space<semaphore_mem>>
    %dma_wait3A_350 = tpu.memref_squeeze %dma_wait3A_349 : memref<1x!tpu.dma_semaphore, #tpu.memory_space<semaphore_mem>> -> memref<!tpu.dma_semaphore, #tpu.memory_space<semaphore_mem>>
    tpu.wait_indirect_dma semaphore(%dma_wait3A_350 : memref<!tpu.dma_semaphore, #tpu.memory_space<semaphore_mem>>) src(%dma_wait3A_348 : memref<8192x2048xf32, #tpu.memory_space<hbm>>) dst(%dma_wait3A_343 : memref<16x2048xf32, #tpu.memory_space<vmem>>)
    %add3A_351 = arith.constant 80 : i32
    %add3A_352 = arith.addi %mul3A_2, %add3A_351 : i32
    %dma_start3A_353 = arith.constant 2 : i32
    %dma_start3A_354 = arith.constant 0 : i32
    %dma_start3A_355 = arith.constant 2 : i32
    %dma_start3A_356 = arith.constant 0 : i32
    %dma_start3A_357 = arith.constant 0 : i32
    %dma_start3A_358 = tpu.memref_slice %arg6[%dma_start3A_353, %dma_start3A_356, %dma_start3A_357] : memref<3x16x2048xf32, #tpu.memory_space<vmem>> -> memref<1x16x2048xf32, #tpu.memory_space<vmem>>
    %dma_start3A_359 = tpu.memref_squeeze %dma_start3A_358 : memref<1x16x2048xf32, #tpu.memory_space<vmem>> -> memref<16x2048xf32, #tpu.memory_space<vmem>>
    %dma_start3A_360 = arith.constant 0 : i32
    %dma_start3A_361 = tpu.memref_slice %arg4[%add3A_352, %dma_start3A_354, %dma_start3A_360] : memref<8192x1x2048xf32, #tpu.memory_space<hbm>> -> memref<16x1x2048xf32, #tpu.memory_space<hbm>>
    %dma_start3A_362 = tpu.memref_squeeze %dma_start3A_361 : memref<16x1x2048xf32, #tpu.memory_space<hbm>> -> memref<16x2048xf32, #tpu.memory_space<hbm>>
    %dma_start3A_363 = tpu.memref_slice %arg8[%dma_start3A_355] : memref<3x!tpu.dma_semaphore, #tpu.memory_space<semaphore_mem>> -> memref<1x!tpu.dma_semaphore, #tpu.memory_space<semaphore_mem>>
    %dma_start3A_364 = tpu.memref_squeeze %dma_start3A_363 : memref<1x!tpu.dma_semaphore, #tpu.memory_space<semaphore_mem>> -> memref<!tpu.dma_semaphore, #tpu.memory_space<semaphore_mem>>
    %dma_start3A_365 = arith.constant 0 : i32
    %dma_start3A_366 = tpu.memref_slice %arg4[%add3A_352, %dma_start3A_354, %dma_start3A_365] : memref<8192x1x2048xf32, #tpu.memory_space<hbm>> -> memref<16x1x2048xf32, #tpu.memory_space<hbm>>
    %dma_start3A_367 = tpu.memref_squeeze %dma_start3A_366 : memref<16x1x2048xf32, #tpu.memory_space<hbm>> -> memref<16x2048xf32, #tpu.memory_space<hbm>>
    %dma_start3A_368 = arith.constant 0 : i32
    %dma_start3A_369 = arith.constant 0 : i32
    %dma_start3A_370 = tpu.memref_slice %arg6[%dma_start3A_353, %dma_start3A_368, %dma_start3A_369] : memref<3x16x2048xf32, #tpu.memory_space<vmem>> -> memref<1x16x2048xf32, #tpu.memory_space<vmem>>
    %dma_start3A_371 = tpu.memref_squeeze %dma_start3A_370 : memref<1x16x2048xf32, #tpu.memory_space<vmem>> -> memref<16x2048xf32, #tpu.memory_space<vmem>>
    tpu.enqueue_dma source(%dma_start3A_371 : memref<16x2048xf32, #tpu.memory_space<vmem>>) target(%dma_start3A_367 : memref<16x2048xf32, #tpu.memory_space<hbm>>) target_semaphore(%dma_start3A_364 : memref<!tpu.dma_semaphore, #tpu.memory_space<semaphore_mem>>)
    %dma_wait3A_372 = arith.constant 1 : i32
    %dma_wait3A_373 = arith.constant 0 : i32
    %dma_wait3A_374 = arith.constant 1 : i32
    %dma_wait3A_375 = arith.constant 0 : i32
    %dma_wait3A_376 = arith.constant 0 : i32
    %dma_wait3A_377 = tpu.memref_slice %arg6[%dma_wait3A_372, %dma_wait3A_375, %dma_wait3A_376] : memref<3x16x2048xf32, #tpu.memory_space<vmem>> -> memref<1x16x2048xf32, #tpu.memory_space<vmem>>
    %dma_wait3A_378 = tpu.memref_squeeze %dma_wait3A_377 : memref<1x16x2048xf32, #tpu.memory_space<vmem>> -> memref<16x2048xf32, #tpu.memory_space<vmem>>
    %dma_wait3A_379 = arith.constant 0 : i32
    %dma_wait3A_380 = tpu.memref_slice %arg4[%add3A_286, %dma_wait3A_373, %dma_wait3A_379] : memref<8192x1x2048xf32, #tpu.memory_space<hbm>> -> memref<16x1x2048xf32, #tpu.memory_space<hbm>>
    %dma_wait3A_381 = tpu.memref_squeeze %dma_wait3A_380 : memref<16x1x2048xf32, #tpu.memory_space<hbm>> -> memref<16x2048xf32, #tpu.memory_space<hbm>>
    %dma_wait3A_382 = tpu.memref_slice %arg8[%dma_wait3A_374] : memref<3x!tpu.dma_semaphore, #tpu.memory_space<semaphore_mem>> -> memref<1x!tpu.dma_semaphore, #tpu.memory_space<semaphore_mem>>
    %dma_wait3A_383 = tpu.memref_squeeze %dma_wait3A_382 : memref<1x!tpu.dma_semaphore, #tpu.memory_space<semaphore_mem>> -> memref<!tpu.dma_semaphore, #tpu.memory_space<semaphore_mem>>
    %dma_wait3A_384 = arith.constant 0 : i32
    %dma_wait3A_385 = tpu.memref_slice %arg4[%add3A_286, %dma_wait3A_373, %dma_wait3A_384] : memref<8192x1x2048xf32, #tpu.memory_space<hbm>> -> memref<16x1x2048xf32, #tpu.memory_space<hbm>>
    %dma_wait3A_386 = tpu.memref_squeeze %dma_wait3A_385 : memref<16x1x2048xf32, #tpu.memory_space<hbm>> -> memref<16x2048xf32, #tpu.memory_space<hbm>>
    %dma_wait3A_387 = arith.constant 0 : i32
    %dma_wait3A_388 = arith.constant 0 : i32
    %dma_wait3A_389 = tpu.memref_slice %arg6[%dma_wait3A_372, %dma_wait3A_387, %dma_wait3A_388] : memref<3x16x2048xf32, #tpu.memory_space<vmem>> -> memref<1x16x2048xf32, #tpu.memory_space<vmem>>
    %dma_wait3A_390 = tpu.memref_squeeze %dma_wait3A_389 : memref<1x16x2048xf32, #tpu.memory_space<vmem>> -> memref<16x2048xf32, #tpu.memory_space<vmem>>
    tpu.wait_dma2 semaphore(%dma_wait3A_383 : memref<!tpu.dma_semaphore, #tpu.memory_space<semaphore_mem>>) src(%dma_wait3A_390 : memref<16x2048xf32, #tpu.memory_space<vmem>>) dst(%dma_wait3A_386 : memref<16x2048xf32, #tpu.memory_space<hbm>>)
    %dma_start3A_391 = arith.constant 1 : i32
    %dma_start3A_392 = arith.constant 1 : i32
    %dma_start3A_393 = arith.constant 0 : i32
    %dma_start3A_394 = arith.constant 0 : i32
    %dma_start3A_395 = tpu.memref_slice %arg6[%dma_start3A_391, %dma_start3A_393, %dma_start3A_394] : memref<3x16x2048xf32, #tpu.memory_space<vmem>> -> memref<1x16x2048xf32, #tpu.memory_space<vmem>>
    %dma_start3A_396 = tpu.memref_squeeze %dma_start3A_395 : memref<1x16x2048xf32, #tpu.memory_space<vmem>> -> memref<16x2048xf32, #tpu.memory_space<vmem>>
    %dma_start3A_397 = arith.constant 112 : i32
    %dma_start3A_398 = tpu.memref_slice %arg5[%dma_start3A_397] : memref<256xi32, #tpu.memory_space<vmem>> -> memref<16xi32, #tpu.memory_space<vmem>>
    %dma_start3A_399 = arith.constant 0 : i32
    %dma_start3A_400 = arith.constant 0 : i32
    %dma_start3A_401 = tpu.memref_slice %arg3[%dma_start3A_399, %dma_start3A_400] : memref<8192x2048xf32, #tpu.memory_space<hbm>> -> memref<8192x2048xf32, #tpu.memory_space<hbm>>
    %dma_start3A_402 = tpu.memref_slice %arg7[%dma_start3A_392] : memref<3x!tpu.dma_semaphore, #tpu.memory_space<semaphore_mem>> -> memref<1x!tpu.dma_semaphore, #tpu.memory_space<semaphore_mem>>
    %dma_start3A_403 = tpu.memref_squeeze %dma_start3A_402 : memref<1x!tpu.dma_semaphore, #tpu.memory_space<semaphore_mem>> -> memref<!tpu.dma_semaphore, #tpu.memory_space<semaphore_mem>>
    tpu.enqueue_indirect_dma source(%dma_start3A_401 : memref<8192x2048xf32, #tpu.memory_space<hbm>>) target(%dma_start3A_396 : memref<16x2048xf32, #tpu.memory_space<vmem>>) offsets(%dma_start3A_398 : memref<16xi32, #tpu.memory_space<vmem>>) semaphore(%dma_start3A_403 : memref<!tpu.dma_semaphore, #tpu.memory_space<semaphore_mem>>)
    %dma_wait3A_404 = arith.constant 0 : i32
    %dma_wait3A_405 = arith.constant 0 : i32
    %dma_wait3A_406 = arith.constant 0 : i32
    %dma_wait3A_407 = arith.constant 0 : i32
    %dma_wait3A_408 = tpu.memref_slice %arg6[%dma_wait3A_404, %dma_wait3A_406, %dma_wait3A_407] : memref<3x16x2048xf32, #tpu.memory_space<vmem>> -> memref<1x16x2048xf32, #tpu.memory_space<vmem>>
    %dma_wait3A_409 = tpu.memref_squeeze %dma_wait3A_408 : memref<1x16x2048xf32, #tpu.memory_space<vmem>> -> memref<16x2048xf32, #tpu.memory_space<vmem>>
    %dma_wait3A_410 = arith.constant 96 : i32
    %dma_wait3A_411 = tpu.memref_slice %arg5[%dma_wait3A_410] : memref<256xi32, #tpu.memory_space<vmem>> -> memref<16xi32, #tpu.memory_space<vmem>>
    %dma_wait3A_412 = arith.constant 0 : i32
    %dma_wait3A_413 = arith.constant 0 : i32
    %dma_wait3A_414 = tpu.memref_slice %arg3[%dma_wait3A_412, %dma_wait3A_413] : memref<8192x2048xf32, #tpu.memory_space<hbm>> -> memref<8192x2048xf32, #tpu.memory_space<hbm>>
    %dma_wait3A_415 = tpu.memref_slice %arg7[%dma_wait3A_405] : memref<3x!tpu.dma_semaphore, #tpu.memory_space<semaphore_mem>> -> memref<1x!tpu.dma_semaphore, #tpu.memory_space<semaphore_mem>>
    %dma_wait3A_416 = tpu.memref_squeeze %dma_wait3A_415 : memref<1x!tpu.dma_semaphore, #tpu.memory_space<semaphore_mem>> -> memref<!tpu.dma_semaphore, #tpu.memory_space<semaphore_mem>>
    tpu.wait_indirect_dma semaphore(%dma_wait3A_416 : memref<!tpu.dma_semaphore, #tpu.memory_space<semaphore_mem>>) src(%dma_wait3A_414 : memref<8192x2048xf32, #tpu.memory_space<hbm>>) dst(%dma_wait3A_409 : memref<16x2048xf32, #tpu.memory_space<vmem>>)
    %add3A_417 = arith.constant 96 : i32
    %add3A_418 = arith.addi %mul3A_2, %add3A_417 : i32
    %dma_start3A_419 = arith.constant 0 : i32
    %dma_start3A_420 = arith.constant 0 : i32
    %dma_start3A_421 = arith.constant 0 : i32
    %dma_start3A_422 = arith.constant 0 : i32
    %dma_start3A_423 = arith.constant 0 : i32
    %dma_start3A_424 = tpu.memref_slice %arg6[%dma_start3A_419, %dma_start3A_422, %dma_start3A_423] : memref<3x16x2048xf32, #tpu.memory_space<vmem>> -> memref<1x16x2048xf32, #tpu.memory_space<vmem>>
    %dma_start3A_425 = tpu.memref_squeeze %dma_start3A_424 : memref<1x16x2048xf32, #tpu.memory_space<vmem>> -> memref<16x2048xf32, #tpu.memory_space<vmem>>
    %dma_start3A_426 = arith.constant 0 : i32
    %dma_start3A_427 = tpu.memref_slice %arg4[%add3A_418, %dma_start3A_420, %dma_start3A_426] : memref<8192x1x2048xf32, #tpu.memory_space<hbm>> -> memref<16x1x2048xf32, #tpu.memory_space<hbm>>
    %dma_start3A_428 = tpu.memref_squeeze %dma_start3A_427 : memref<16x1x2048xf32, #tpu.memory_space<hbm>> -> memref<16x2048xf32, #tpu.memory_space<hbm>>
    %dma_start3A_429 = tpu.memref_slice %arg8[%dma_start3A_421] : memref<3x!tpu.dma_semaphore, #tpu.memory_space<semaphore_mem>> -> memref<1x!tpu.dma_semaphore, #tpu.memory_space<semaphore_mem>>
    %dma_start3A_430 = tpu.memref_squeeze %dma_start3A_429 : memref<1x!tpu.dma_semaphore, #tpu.memory_space<semaphore_mem>> -> memref<!tpu.dma_semaphore, #tpu.memory_space<semaphore_mem>>
    %dma_start3A_431 = arith.constant 0 : i32
    %dma_start3A_432 = tpu.memref_slice %arg4[%add3A_418, %dma_start3A_420, %dma_start3A_431] : memref<8192x1x2048xf32, #tpu.memory_space<hbm>> -> memref<16x1x2048xf32, #tpu.memory_space<hbm>>
    %dma_start3A_433 = tpu.memref_squeeze %dma_start3A_432 : memref<16x1x2048xf32, #tpu.memory_space<hbm>> -> memref<16x2048xf32, #tpu.memory_space<hbm>>
    %dma_start3A_434 = arith.constant 0 : i32
    %dma_start3A_435 = arith.constant 0 : i32
    %dma_start3A_436 = tpu.memref_slice %arg6[%dma_start3A_419, %dma_start3A_434, %dma_start3A_435] : memref<3x16x2048xf32, #tpu.memory_space<vmem>> -> memref<1x16x2048xf32, #tpu.memory_space<vmem>>
    %dma_start3A_437 = tpu.memref_squeeze %dma_start3A_436 : memref<1x16x2048xf32, #tpu.memory_space<vmem>> -> memref<16x2048xf32, #tpu.memory_space<vmem>>
    tpu.enqueue_dma source(%dma_start3A_437 : memref<16x2048xf32, #tpu.memory_space<vmem>>) target(%dma_start3A_433 : memref<16x2048xf32, #tpu.memory_space<hbm>>) target_semaphore(%dma_start3A_430 : memref<!tpu.dma_semaphore, #tpu.memory_space<semaphore_mem>>)
    %dma_wait3A_438 = arith.constant 2 : i32
    %dma_wait3A_439 = arith.constant 0 : i32
    %dma_wait3A_440 = arith.constant 2 : i32
    %dma_wait3A_441 = arith.constant 0 : i32
    %dma_wait3A_442 = arith.constant 0 : i32
    %dma_wait3A_443 = tpu.memref_slice %arg6[%dma_wait3A_438, %dma_wait3A_441, %dma_wait3A_442] : memref<3x16x2048xf32, #tpu.memory_space<vmem>> -> memref<1x16x2048xf32, #tpu.memory_space<vmem>>
    %dma_wait3A_444 = tpu.memref_squeeze %dma_wait3A_443 : memref<1x16x2048xf32, #tpu.memory_space<vmem>> -> memref<16x2048xf32, #tpu.memory_space<vmem>>
    %dma_wait3A_445 = arith.constant 0 : i32
    %dma_wait3A_446 = tpu.memref_slice %arg4[%add3A_352, %dma_wait3A_439, %dma_wait3A_445] : memref<8192x1x2048xf32, #tpu.memory_space<hbm>> -> memref<16x1x2048xf32, #tpu.memory_space<hbm>>
    %dma_wait3A_447 = tpu.memref_squeeze %dma_wait3A_446 : memref<16x1x2048xf32, #tpu.memory_space<hbm>> -> memref<16x2048xf32, #tpu.memory_space<hbm>>
    %dma_wait3A_448 = tpu.memref_slice %arg8[%dma_wait3A_440] : memref<3x!tpu.dma_semaphore, #tpu.memory_space<semaphore_mem>> -> memref<1x!tpu.dma_semaphore, #tpu.memory_space<semaphore_mem>>
    %dma_wait3A_449 = tpu.memref_squeeze %dma_wait3A_448 : memref<1x!tpu.dma_semaphore, #tpu.memory_space<semaphore_mem>> -> memref<!tpu.dma_semaphore, #tpu.memory_space<semaphore_mem>>
    %dma_wait3A_450 = arith.constant 0 : i32
    %dma_wait3A_451 = tpu.memref_slice %arg4[%add3A_352, %dma_wait3A_439, %dma_wait3A_450] : memref<8192x1x2048xf32, #tpu.memory_space<hbm>> -> memref<16x1x2048xf32, #tpu.memory_space<hbm>>
    %dma_wait3A_452 = tpu.memref_squeeze %dma_wait3A_451 : memref<16x1x2048xf32, #tpu.memory_space<hbm>> -> memref<16x2048xf32, #tpu.memory_space<hbm>>
    %dma_wait3A_453 = arith.constant 0 : i32
    %dma_wait3A_454 = arith.constant 0 : i32
    %dma_wait3A_455 = tpu.memref_slice %arg6[%dma_wait3A_438, %dma_wait3A_453, %dma_wait3A_454] : memref<3x16x2048xf32, #tpu.memory_space<vmem>> -> memref<1x16x2048xf32, #tpu.memory_space<vmem>>
    %dma_wait3A_456 = tpu.memref_squeeze %dma_wait3A_455 : memref<1x16x2048xf32, #tpu.memory_space<vmem>> -> memref<16x2048xf32, #tpu.memory_space<vmem>>
    tpu.wait_dma2 semaphore(%dma_wait3A_449 : memref<!tpu.dma_semaphore, #tpu.memory_space<semaphore_mem>>) src(%dma_wait3A_456 : memref<16x2048xf32, #tpu.memory_space<vmem>>) dst(%dma_wait3A_452 : memref<16x2048xf32, #tpu.memory_space<hbm>>)
    %dma_start3A_457 = arith.constant 2 : i32
    %dma_start3A_458 = arith.constant 2 : i32
    %dma_start3A_459 = arith.constant 0 : i32
    %dma_start3A_460 = arith.constant 0 : i32
    %dma_start3A_461 = tpu.memref_slice %arg6[%dma_start3A_457, %dma_start3A_459, %dma_start3A_460] : memref<3x16x2048xf32, #tpu.memory_space<vmem>> -> memref<1x16x2048xf32, #tpu.memory_space<vmem>>
    %dma_start3A_462 = tpu.memref_squeeze %dma_start3A_461 : memref<1x16x2048xf32, #tpu.memory_space<vmem>> -> memref<16x2048xf32, #tpu.memory_space<vmem>>
    %dma_start3A_463 = arith.constant 128 : i32
    %dma_start3A_464 = tpu.memref_slice %arg5[%dma_start3A_463] : memref<256xi32, #tpu.memory_space<vmem>> -> memref<16xi32, #tpu.memory_space<vmem>>
    %dma_start3A_465 = arith.constant 0 : i32
    %dma_start3A_466 = arith.constant 0 : i32
    %dma_start3A_467 = tpu.memref_slice %arg3[%dma_start3A_465, %dma_start3A_466] : memref<8192x2048xf32, #tpu.memory_space<hbm>> -> memref<8192x2048xf32, #tpu.memory_space<hbm>>
    %dma_start3A_468 = tpu.memref_slice %arg7[%dma_start3A_458] : memref<3x!tpu.dma_semaphore, #tpu.memory_space<semaphore_mem>> -> memref<1x!tpu.dma_semaphore, #tpu.memory_space<semaphore_mem>>
    %dma_start3A_469 = tpu.memref_squeeze %dma_start3A_468 : memref<1x!tpu.dma_semaphore, #tpu.memory_space<semaphore_mem>> -> memref<!tpu.dma_semaphore, #tpu.memory_space<semaphore_mem>>
    tpu.enqueue_indirect_dma source(%dma_start3A_467 : memref<8192x2048xf32, #tpu.memory_space<hbm>>) target(%dma_start3A_462 : memref<16x2048xf32, #tpu.memory_space<vmem>>) offsets(%dma_start3A_464 : memref<16xi32, #tpu.memory_space<vmem>>) semaphore(%dma_start3A_469 : memref<!tpu.dma_semaphore, #tpu.memory_space<semaphore_mem>>)
    %dma_wait3A_470 = arith.constant 1 : i32
    %dma_wait3A_471 = arith.constant 1 : i32
    %dma_wait3A_472 = arith.constant 0 : i32
    %dma_wait3A_473 = arith.constant 0 : i32
    %dma_wait3A_474 = tpu.memref_slice %arg6[%dma_wait3A_470, %dma_wait3A_472, %dma_wait3A_473] : memref<3x16x2048xf32, #tpu.memory_space<vmem>> -> memref<1x16x2048xf32, #tpu.memory_space<vmem>>
    %dma_wait3A_475 = tpu.memref_squeeze %dma_wait3A_474 : memref<1x16x2048xf32, #tpu.memory_space<vmem>> -> memref<16x2048xf32, #tpu.memory_space<vmem>>
    %dma_wait3A_476 = arith.constant 112 : i32
    %dma_wait3A_477 = tpu.memref_slice %arg5[%dma_wait3A_476] : memref<256xi32, #tpu.memory_space<vmem>> -> memref<16xi32, #tpu.memory_space<vmem>>
    %dma_wait3A_478 = arith.constant 0 : i32
    %dma_wait3A_479 = arith.constant 0 : i32
    %dma_wait3A_480 = tpu.memref_slice %arg3[%dma_wait3A_478, %dma_wait3A_479] : memref<8192x2048xf32, #tpu.memory_space<hbm>> -> memref<8192x2048xf32, #tpu.memory_space<hbm>>
    %dma_wait3A_481 = tpu.memref_slice %arg7[%dma_wait3A_471] : memref<3x!tpu.dma_semaphore, #tpu.memory_space<semaphore_mem>> -> memref<1x!tpu.dma_semaphore, #tpu.memory_space<semaphore_mem>>
    %dma_wait3A_482 = tpu.memref_squeeze %dma_wait3A_481 : memref<1x!tpu.dma_semaphore, #tpu.memory_space<semaphore_mem>> -> memref<!tpu.dma_semaphore, #tpu.memory_space<semaphore_mem>>
    tpu.wait_indirect_dma semaphore(%dma_wait3A_482 : memref<!tpu.dma_semaphore, #tpu.memory_space<semaphore_mem>>) src(%dma_wait3A_480 : memref<8192x2048xf32, #tpu.memory_space<hbm>>) dst(%dma_wait3A_475 : memref<16x2048xf32, #tpu.memory_space<vmem>>)
    %add3A_483 = arith.constant 112 : i32
    %add3A_484 = arith.addi %mul3A_2, %add3A_483 : i32
    %dma_start3A_485 = arith.constant 1 : i32
    %dma_start3A_486 = arith.constant 0 : i32
    %dma_start3A_487 = arith.constant 1 : i32
    %dma_start3A_488 = arith.constant 0 : i32
    %dma_start3A_489 = arith.constant 0 : i32
    %dma_start3A_490 = tpu.memref_slice %arg6[%dma_start3A_485, %dma_start3A_488, %dma_start3A_489] : memref<3x16x2048xf32, #tpu.memory_space<vmem>> -> memref<1x16x2048xf32, #tpu.memory_space<vmem>>
    %dma_start3A_491 = tpu.memref_squeeze %dma_start3A_490 : memref<1x16x2048xf32, #tpu.memory_space<vmem>> -> memref<16x2048xf32, #tpu.memory_space<vmem>>
    %dma_start3A_492 = arith.constant 0 : i32
    %dma_start3A_493 = tpu.memref_slice %arg4[%add3A_484, %dma_start3A_486, %dma_start3A_492] : memref<8192x1x2048xf32, #tpu.memory_space<hbm>> -> memref<16x1x2048xf32, #tpu.memory_space<hbm>>
    %dma_start3A_494 = tpu.memref_squeeze %dma_start3A_493 : memref<16x1x2048xf32, #tpu.memory_space<hbm>> -> memref<16x2048xf32, #tpu.memory_space<hbm>>
    %dma_start3A_495 = tpu.memref_slice %arg8[%dma_start3A_487] : memref<3x!tpu.dma_semaphore, #tpu.memory_space<semaphore_mem>> -> memref<1x!tpu.dma_semaphore, #tpu.memory_space<semaphore_mem>>
    %dma_start3A_496 = tpu.memref_squeeze %dma_start3A_495 : memref<1x!tpu.dma_semaphore, #tpu.memory_space<semaphore_mem>> -> memref<!tpu.dma_semaphore, #tpu.memory_space<semaphore_mem>>
    %dma_start3A_497 = arith.constant 0 : i32
    %dma_start3A_498 = tpu.memref_slice %arg4[%add3A_484, %dma_start3A_486, %dma_start3A_497] : memref<8192x1x2048xf32, #tpu.memory_space<hbm>> -> memref<16x1x2048xf32, #tpu.memory_space<hbm>>
    %dma_start3A_499 = tpu.memref_squeeze %dma_start3A_498 : memref<16x1x2048xf32, #tpu.memory_space<hbm>> -> memref<16x2048xf32, #tpu.memory_space<hbm>>
    %dma_start3A_500 = arith.constant 0 : i32
    %dma_start3A_501 = arith.constant 0 : i32
    %dma_start3A_502 = tpu.memref_slice %arg6[%dma_start3A_485, %dma_start3A_500, %dma_start3A_501] : memref<3x16x2048xf32, #tpu.memory_space<vmem>> -> memref<1x16x2048xf32, #tpu.memory_space<vmem>>
    %dma_start3A_503 = tpu.memref_squeeze %dma_start3A_502 : memref<1x16x2048xf32, #tpu.memory_space<vmem>> -> memref<16x2048xf32, #tpu.memory_space<vmem>>
    tpu.enqueue_dma source(%dma_start3A_503 : memref<16x2048xf32, #tpu.memory_space<vmem>>) target(%dma_start3A_499 : memref<16x2048xf32, #tpu.memory_space<hbm>>) target_semaphore(%dma_start3A_496 : memref<!tpu.dma_semaphore, #tpu.memory_space<semaphore_mem>>)
    %dma_wait3A_504 = arith.constant 0 : i32
    %dma_wait3A_505 = arith.constant 0 : i32
    %dma_wait3A_506 = arith.constant 0 : i32
    %dma_wait3A_507 = arith.constant 0 : i32
    %dma_wait3A_508 = arith.constant 0 : i32
    %dma_wait3A_509 = tpu.memref_slice %arg6[%dma_wait3A_504, %dma_wait3A_507, %dma_wait3A_508] : memref<3x16x2048xf32, #tpu.memory_space<vmem>> -> memref<1x16x2048xf32, #tpu.memory_space<vmem>>
    %dma_wait3A_510 = tpu.memref_squeeze %dma_wait3A_509 : memref<1x16x2048xf32, #tpu.memory_space<vmem>> -> memref<16x2048xf32, #tpu.memory_space<vmem>>
    %dma_wait3A_511 = arith.constant 0 : i32
    %dma_wait3A_512 = tpu.memref_slice %arg4[%add3A_418, %dma_wait3A_505, %dma_wait3A_511] : memref<8192x1x2048xf32, #tpu.memory_space<hbm>> -> memref<16x1x2048xf32, #tpu.memory_space<hbm>>
    %dma_wait3A_513 = tpu.memref_squeeze %dma_wait3A_512 : memref<16x1x2048xf32, #tpu.memory_space<hbm>> -> memref<16x2048xf32, #tpu.memory_space<hbm>>
    %dma_wait3A_514 = tpu.memref_slice %arg8[%dma_wait3A_506] : memref<3x!tpu.dma_semaphore, #tpu.memory_space<semaphore_mem>> -> memref<1x!tpu.dma_semaphore, #tpu.memory_space<semaphore_mem>>
    %dma_wait3A_515 = tpu.memref_squeeze %dma_wait3A_514 : memref<1x!tpu.dma_semaphore, #tpu.memory_space<semaphore_mem>> -> memref<!tpu.dma_semaphore, #tpu.memory_space<semaphore_mem>>
    %dma_wait3A_516 = arith.constant 0 : i32
    %dma_wait3A_517 = tpu.memref_slice %arg4[%add3A_418, %dma_wait3A_505, %dma_wait3A_516] : memref<8192x1x2048xf32, #tpu.memory_space<hbm>> -> memref<16x1x2048xf32, #tpu.memory_space<hbm>>
    %dma_wait3A_518 = tpu.memref_squeeze %dma_wait3A_517 : memref<16x1x2048xf32, #tpu.memory_space<hbm>> -> memref<16x2048xf32, #tpu.memory_space<hbm>>
    %dma_wait3A_519 = arith.constant 0 : i32
    %dma_wait3A_520 = arith.constant 0 : i32
    %dma_wait3A_521 = tpu.memref_slice %arg6[%dma_wait3A_504, %dma_wait3A_519, %dma_wait3A_520] : memref<3x16x2048xf32, #tpu.memory_space<vmem>> -> memref<1x16x2048xf32, #tpu.memory_space<vmem>>
    %dma_wait3A_522 = tpu.memref_squeeze %dma_wait3A_521 : memref<1x16x2048xf32, #tpu.memory_space<vmem>> -> memref<16x2048xf32, #tpu.memory_space<vmem>>
    tpu.wait_dma2 semaphore(%dma_wait3A_515 : memref<!tpu.dma_semaphore, #tpu.memory_space<semaphore_mem>>) src(%dma_wait3A_522 : memref<16x2048xf32, #tpu.memory_space<vmem>>) dst(%dma_wait3A_518 : memref<16x2048xf32, #tpu.memory_space<hbm>>)
    %dma_start3A_523 = arith.constant 0 : i32
    %dma_start3A_524 = arith.constant 0 : i32
    %dma_start3A_525 = arith.constant 0 : i32
    %dma_start3A_526 = arith.constant 0 : i32
    %dma_start3A_527 = tpu.memref_slice %arg6[%dma_start3A_523, %dma_start3A_525, %dma_start3A_526] : memref<3x16x2048xf32, #tpu.memory_space<vmem>> -> memref<1x16x2048xf32, #tpu.memory_space<vmem>>
    %dma_start3A_528 = tpu.memref_squeeze %dma_start3A_527 : memref<1x16x2048xf32, #tpu.memory_space<vmem>> -> memref<16x2048xf32, #tpu.memory_space<vmem>>
    %dma_start3A_529 = arith.constant 144 : i32
    %dma_start3A_530 = tpu.memref_slice %arg5[%dma_start3A_529] : memref<256xi32, #tpu.memory_space<vmem>> -> memref<16xi32, #tpu.memory_space<vmem>>
    %dma_start3A_531 = arith.constant 0 : i32
    %dma_start3A_532 = arith.constant 0 : i32
    %dma_start3A_533 = tpu.memref_slice %arg3[%dma_start3A_531, %dma_start3A_532] : memref<8192x2048xf32, #tpu.memory_space<hbm>> -> memref<8192x2048xf32, #tpu.memory_space<hbm>>
    %dma_start3A_534 = tpu.memref_slice %arg7[%dma_start3A_524] : memref<3x!tpu.dma_semaphore, #tpu.memory_space<semaphore_mem>> -> memref<1x!tpu.dma_semaphore, #tpu.memory_space<semaphore_mem>>
    %dma_start3A_535 = tpu.memref_squeeze %dma_start3A_534 : memref<1x!tpu.dma_semaphore, #tpu.memory_space<semaphore_mem>> -> memref<!tpu.dma_semaphore, #tpu.memory_space<semaphore_mem>>
    tpu.enqueue_indirect_dma source(%dma_start3A_533 : memref<8192x2048xf32, #tpu.memory_space<hbm>>) target(%dma_start3A_528 : memref<16x2048xf32, #tpu.memory_space<vmem>>) offsets(%dma_start3A_530 : memref<16xi32, #tpu.memory_space<vmem>>) semaphore(%dma_start3A_535 : memref<!tpu.dma_semaphore, #tpu.memory_space<semaphore_mem>>)
    %dma_wait3A_536 = arith.constant 2 : i32
    %dma_wait3A_537 = arith.constant 2 : i32
    %dma_wait3A_538 = arith.constant 0 : i32
    %dma_wait3A_539 = arith.constant 0 : i32
    %dma_wait3A_540 = tpu.memref_slice %arg6[%dma_wait3A_536, %dma_wait3A_538, %dma_wait3A_539] : memref<3x16x2048xf32, #tpu.memory_space<vmem>> -> memref<1x16x2048xf32, #tpu.memory_space<vmem>>
    %dma_wait3A_541 = tpu.memref_squeeze %dma_wait3A_540 : memref<1x16x2048xf32, #tpu.memory_space<vmem>> -> memref<16x2048xf32, #tpu.memory_space<vmem>>
    %dma_wait3A_542 = arith.constant 128 : i32
    %dma_wait3A_543 = tpu.memref_slice %arg5[%dma_wait3A_542] : memref<256xi32, #tpu.memory_space<vmem>> -> memref<16xi32, #tpu.memory_space<vmem>>
    %dma_wait3A_544 = arith.constant 0 : i32
    %dma_wait3A_545 = arith.constant 0 : i32
    %dma_wait3A_546 = tpu.memref_slice %arg3[%dma_wait3A_544, %dma_wait3A_545] : memref<8192x2048xf32, #tpu.memory_space<hbm>> -> memref<8192x2048xf32, #tpu.memory_space<hbm>>
    %dma_wait3A_547 = tpu.memref_slice %arg7[%dma_wait3A_537] : memref<3x!tpu.dma_semaphore, #tpu.memory_space<semaphore_mem>> -> memref<1x!tpu.dma_semaphore, #tpu.memory_space<semaphore_mem>>
    %dma_wait3A_548 = tpu.memref_squeeze %dma_wait3A_547 : memref<1x!tpu.dma_semaphore, #tpu.memory_space<semaphore_mem>> -> memref<!tpu.dma_semaphore, #tpu.memory_space<semaphore_mem>>
    tpu.wait_indirect_dma semaphore(%dma_wait3A_548 : memref<!tpu.dma_semaphore, #tpu.memory_space<semaphore_mem>>) src(%dma_wait3A_546 : memref<8192x2048xf32, #tpu.memory_space<hbm>>) dst(%dma_wait3A_541 : memref<16x2048xf32, #tpu.memory_space<vmem>>)
    %add3A_549 = arith.constant 128 : i32
    %add3A_550 = arith.addi %mul3A_2, %add3A_549 : i32
    %dma_start3A_551 = arith.constant 2 : i32
    %dma_start3A_552 = arith.constant 0 : i32
    %dma_start3A_553 = arith.constant 2 : i32
    %dma_start3A_554 = arith.constant 0 : i32
    %dma_start3A_555 = arith.constant 0 : i32
    %dma_start3A_556 = tpu.memref_slice %arg6[%dma_start3A_551, %dma_start3A_554, %dma_start3A_555] : memref<3x16x2048xf32, #tpu.memory_space<vmem>> -> memref<1x16x2048xf32, #tpu.memory_space<vmem>>
    %dma_start3A_557 = tpu.memref_squeeze %dma_start3A_556 : memref<1x16x2048xf32, #tpu.memory_space<vmem>> -> memref<16x2048xf32, #tpu.memory_space<vmem>>
    %dma_start3A_558 = arith.constant 0 : i32
    %dma_start3A_559 = tpu.memref_slice %arg4[%add3A_550, %dma_start3A_552, %dma_start3A_558] : memref<8192x1x2048xf32, #tpu.memory_space<hbm>> -> memref<16x1x2048xf32, #tpu.memory_space<hbm>>
    %dma_start3A_560 = tpu.memref_squeeze %dma_start3A_559 : memref<16x1x2048xf32, #tpu.memory_space<hbm>> -> memref<16x2048xf32, #tpu.memory_space<hbm>>
    %dma_start3A_561 = tpu.memref_slice %arg8[%dma_start3A_553] : memref<3x!tpu.dma_semaphore, #tpu.memory_space<semaphore_mem>> -> memref<1x!tpu.dma_semaphore, #tpu.memory_space<semaphore_mem>>
    %dma_start3A_562 = tpu.memref_squeeze %dma_start3A_561 : memref<1x!tpu.dma_semaphore, #tpu.memory_space<semaphore_mem>> -> memref<!tpu.dma_semaphore, #tpu.memory_space<semaphore_mem>>
    %dma_start3A_563 = arith.constant 0 : i32
    %dma_start3A_564 = tpu.memref_slice %arg4[%add3A_550, %dma_start3A_552, %dma_start3A_563] : memref<8192x1x2048xf32, #tpu.memory_space<hbm>> -> memref<16x1x2048xf32, #tpu.memory_space<hbm>>
    %dma_start3A_565 = tpu.memref_squeeze %dma_start3A_564 : memref<16x1x2048xf32, #tpu.memory_space<hbm>> -> memref<16x2048xf32, #tpu.memory_space<hbm>>
    %dma_start3A_566 = arith.constant 0 : i32
    %dma_start3A_567 = arith.constant 0 : i32
    %dma_start3A_568 = tpu.memref_slice %arg6[%dma_start3A_551, %dma_start3A_566, %dma_start3A_567] : memref<3x16x2048xf32, #tpu.memory_space<vmem>> -> memref<1x16x2048xf32, #tpu.memory_space<vmem>>
    %dma_start3A_569 = tpu.memref_squeeze %dma_start3A_568 : memref<1x16x2048xf32, #tpu.memory_space<vmem>> -> memref<16x2048xf32, #tpu.memory_space<vmem>>
    tpu.enqueue_dma source(%dma_start3A_569 : memref<16x2048xf32, #tpu.memory_space<vmem>>) target(%dma_start3A_565 : memref<16x2048xf32, #tpu.memory_space<hbm>>) target_semaphore(%dma_start3A_562 : memref<!tpu.dma_semaphore, #tpu.memory_space<semaphore_mem>>)
    %dma_wait3A_570 = arith.constant 1 : i32
    %dma_wait3A_571 = arith.constant 0 : i32
    %dma_wait3A_572 = arith.constant 1 : i32
    %dma_wait3A_573 = arith.constant 0 : i32
    %dma_wait3A_574 = arith.constant 0 : i32
    %dma_wait3A_575 = tpu.memref_slice %arg6[%dma_wait3A_570, %dma_wait3A_573, %dma_wait3A_574] : memref<3x16x2048xf32, #tpu.memory_space<vmem>> -> memref<1x16x2048xf32, #tpu.memory_space<vmem>>
    %dma_wait3A_576 = tpu.memref_squeeze %dma_wait3A_575 : memref<1x16x2048xf32, #tpu.memory_space<vmem>> -> memref<16x2048xf32, #tpu.memory_space<vmem>>
    %dma_wait3A_577 = arith.constant 0 : i32
    %dma_wait3A_578 = tpu.memref_slice %arg4[%add3A_484, %dma_wait3A_571, %dma_wait3A_577] : memref<8192x1x2048xf32, #tpu.memory_space<hbm>> -> memref<16x1x2048xf32, #tpu.memory_space<hbm>>
    %dma_wait3A_579 = tpu.memref_squeeze %dma_wait3A_578 : memref<16x1x2048xf32, #tpu.memory_space<hbm>> -> memref<16x2048xf32, #tpu.memory_space<hbm>>
    %dma_wait3A_580 = tpu.memref_slice %arg8[%dma_wait3A_572] : memref<3x!tpu.dma_semaphore, #tpu.memory_space<semaphore_mem>> -> memref<1x!tpu.dma_semaphore, #tpu.memory_space<semaphore_mem>>
    %dma_wait3A_581 = tpu.memref_squeeze %dma_wait3A_580 : memref<1x!tpu.dma_semaphore, #tpu.memory_space<semaphore_mem>> -> memref<!tpu.dma_semaphore, #tpu.memory_space<semaphore_mem>>
    %dma_wait3A_582 = arith.constant 0 : i32
    %dma_wait3A_583 = tpu.memref_slice %arg4[%add3A_484, %dma_wait3A_571, %dma_wait3A_582] : memref<8192x1x2048xf32, #tpu.memory_space<hbm>> -> memref<16x1x2048xf32, #tpu.memory_space<hbm>>
    %dma_wait3A_584 = tpu.memref_squeeze %dma_wait3A_583 : memref<16x1x2048xf32, #tpu.memory_space<hbm>> -> memref<16x2048xf32, #tpu.memory_space<hbm>>
    %dma_wait3A_585 = arith.constant 0 : i32
    %dma_wait3A_586 = arith.constant 0 : i32
    %dma_wait3A_587 = tpu.memref_slice %arg6[%dma_wait3A_570, %dma_wait3A_585, %dma_wait3A_586] : memref<3x16x2048xf32, #tpu.memory_space<vmem>> -> memref<1x16x2048xf32, #tpu.memory_space<vmem>>
    %dma_wait3A_588 = tpu.memref_squeeze %dma_wait3A_587 : memref<1x16x2048xf32, #tpu.memory_space<vmem>> -> memref<16x2048xf32, #tpu.memory_space<vmem>>
    tpu.wait_dma2 semaphore(%dma_wait3A_581 : memref<!tpu.dma_semaphore, #tpu.memory_space<semaphore_mem>>) src(%dma_wait3A_588 : memref<16x2048xf32, #tpu.memory_space<vmem>>) dst(%dma_wait3A_584 : memref<16x2048xf32, #tpu.memory_space<hbm>>)
    %dma_start3A_589 = arith.constant 1 : i32
    %dma_start3A_590 = arith.constant 1 : i32
    %dma_start3A_591 = arith.constant 0 : i32
    %dma_start3A_592 = arith.constant 0 : i32
    %dma_start3A_593 = tpu.memref_slice %arg6[%dma_start3A_589, %dma_start3A_591, %dma_start3A_592] : memref<3x16x2048xf32, #tpu.memory_space<vmem>> -> memref<1x16x2048xf32, #tpu.memory_space<vmem>>
    %dma_start3A_594 = tpu.memref_squeeze %dma_start3A_593 : memref<1x16x2048xf32, #tpu.memory_space<vmem>> -> memref<16x2048xf32, #tpu.memory_space<vmem>>
    %dma_start3A_595 = arith.constant 160 : i32
    %dma_start3A_596 = tpu.memref_slice %arg5[%dma_start3A_595] : memref<256xi32, #tpu.memory_space<vmem>> -> memref<16xi32, #tpu.memory_space<vmem>>
    %dma_start3A_597 = arith.constant 0 : i32
    %dma_start3A_598 = arith.constant 0 : i32
    %dma_start3A_599 = tpu.memref_slice %arg3[%dma_start3A_597, %dma_start3A_598] : memref<8192x2048xf32, #tpu.memory_space<hbm>> -> memref<8192x2048xf32, #tpu.memory_space<hbm>>
    %dma_start3A_600 = tpu.memref_slice %arg7[%dma_start3A_590] : memref<3x!tpu.dma_semaphore, #tpu.memory_space<semaphore_mem>> -> memref<1x!tpu.dma_semaphore, #tpu.memory_space<semaphore_mem>>
    %dma_start3A_601 = tpu.memref_squeeze %dma_start3A_600 : memref<1x!tpu.dma_semaphore, #tpu.memory_space<semaphore_mem>> -> memref<!tpu.dma_semaphore, #tpu.memory_space<semaphore_mem>>
    tpu.enqueue_indirect_dma source(%dma_start3A_599 : memref<8192x2048xf32, #tpu.memory_space<hbm>>) target(%dma_start3A_594 : memref<16x2048xf32, #tpu.memory_space<vmem>>) offsets(%dma_start3A_596 : memref<16xi32, #tpu.memory_space<vmem>>) semaphore(%dma_start3A_601 : memref<!tpu.dma_semaphore, #tpu.memory_space<semaphore_mem>>)
    %dma_wait3A_602 = arith.constant 0 : i32
    %dma_wait3A_603 = arith.constant 0 : i32
    %dma_wait3A_604 = arith.constant 0 : i32
    %dma_wait3A_605 = arith.constant 0 : i32
    %dma_wait3A_606 = tpu.memref_slice %arg6[%dma_wait3A_602, %dma_wait3A_604, %dma_wait3A_605] : memref<3x16x2048xf32, #tpu.memory_space<vmem>> -> memref<1x16x2048xf32, #tpu.memory_space<vmem>>
    %dma_wait3A_607 = tpu.memref_squeeze %dma_wait3A_606 : memref<1x16x2048xf32, #tpu.memory_space<vmem>> -> memref<16x2048xf32, #tpu.memory_space<vmem>>
    %dma_wait3A_608 = arith.constant 144 : i32
    %dma_wait3A_609 = tpu.memref_slice %arg5[%dma_wait3A_608] : memref<256xi32, #tpu.memory_space<vmem>> -> memref<16xi32, #tpu.memory_space<vmem>>
    %dma_wait3A_610 = arith.constant 0 : i32
    %dma_wait3A_611 = arith.constant 0 : i32
    %dma_wait3A_612 = tpu.memref_slice %arg3[%dma_wait3A_610, %dma_wait3A_611] : memref<8192x2048xf32, #tpu.memory_space<hbm>> -> memref<8192x2048xf32, #tpu.memory_space<hbm>>
    %dma_wait3A_613 = tpu.memref_slice %arg7[%dma_wait3A_603] : memref<3x!tpu.dma_semaphore, #tpu.memory_space<semaphore_mem>> -> memref<1x!tpu.dma_semaphore, #tpu.memory_space<semaphore_mem>>
    %dma_wait3A_614 = tpu.memref_squeeze %dma_wait3A_613 : memref<1x!tpu.dma_semaphore, #tpu.memory_space<semaphore_mem>> -> memref<!tpu.dma_semaphore, #tpu.memory_space<semaphore_mem>>
    tpu.wait_indirect_dma semaphore(%dma_wait3A_614 : memref<!tpu.dma_semaphore, #tpu.memory_space<semaphore_mem>>) src(%dma_wait3A_612 : memref<8192x2048xf32, #tpu.memory_space<hbm>>) dst(%dma_wait3A_607 : memref<16x2048xf32, #tpu.memory_space<vmem>>)
    %add3A_615 = arith.constant 144 : i32
    %add3A_616 = arith.addi %mul3A_2, %add3A_615 : i32
    %dma_start3A_617 = arith.constant 0 : i32
    %dma_start3A_618 = arith.constant 0 : i32
    %dma_start3A_619 = arith.constant 0 : i32
    %dma_start3A_620 = arith.constant 0 : i32
    %dma_start3A_621 = arith.constant 0 : i32
    %dma_start3A_622 = tpu.memref_slice %arg6[%dma_start3A_617, %dma_start3A_620, %dma_start3A_621] : memref<3x16x2048xf32, #tpu.memory_space<vmem>> -> memref<1x16x2048xf32, #tpu.memory_space<vmem>>
    %dma_start3A_623 = tpu.memref_squeeze %dma_start3A_622 : memref<1x16x2048xf32, #tpu.memory_space<vmem>> -> memref<16x2048xf32, #tpu.memory_space<vmem>>
    %dma_start3A_624 = arith.constant 0 : i32
    %dma_start3A_625 = tpu.memref_slice %arg4[%add3A_616, %dma_start3A_618, %dma_start3A_624] : memref<8192x1x2048xf32, #tpu.memory_space<hbm>> -> memref<16x1x2048xf32, #tpu.memory_space<hbm>>
    %dma_start3A_626 = tpu.memref_squeeze %dma_start3A_625 : memref<16x1x2048xf32, #tpu.memory_space<hbm>> -> memref<16x2048xf32, #tpu.memory_space<hbm>>
    %dma_start3A_627 = tpu.memref_slice %arg8[%dma_start3A_619] : memref<3x!tpu.dma_semaphore, #tpu.memory_space<semaphore_mem>> -> memref<1x!tpu.dma_semaphore, #tpu.memory_space<semaphore_mem>>
    %dma_start3A_628 = tpu.memref_squeeze %dma_start3A_627 : memref<1x!tpu.dma_semaphore, #tpu.memory_space<semaphore_mem>> -> memref<!tpu.dma_semaphore, #tpu.memory_space<semaphore_mem>>
    %dma_start3A_629 = arith.constant 0 : i32
    %dma_start3A_630 = tpu.memref_slice %arg4[%add3A_616, %dma_start3A_618, %dma_start3A_629] : memref<8192x1x2048xf32, #tpu.memory_space<hbm>> -> memref<16x1x2048xf32, #tpu.memory_space<hbm>>
    %dma_start3A_631 = tpu.memref_squeeze %dma_start3A_630 : memref<16x1x2048xf32, #tpu.memory_space<hbm>> -> memref<16x2048xf32, #tpu.memory_space<hbm>>
    %dma_start3A_632 = arith.constant 0 : i32
    %dma_start3A_633 = arith.constant 0 : i32
    %dma_start3A_634 = tpu.memref_slice %arg6[%dma_start3A_617, %dma_start3A_632, %dma_start3A_633] : memref<3x16x2048xf32, #tpu.memory_space<vmem>> -> memref<1x16x2048xf32, #tpu.memory_space<vmem>>
    %dma_start3A_635 = tpu.memref_squeeze %dma_start3A_634 : memref<1x16x2048xf32, #tpu.memory_space<vmem>> -> memref<16x2048xf32, #tpu.memory_space<vmem>>
    tpu.enqueue_dma source(%dma_start3A_635 : memref<16x2048xf32, #tpu.memory_space<vmem>>) target(%dma_start3A_631 : memref<16x2048xf32, #tpu.memory_space<hbm>>) target_semaphore(%dma_start3A_628 : memref<!tpu.dma_semaphore, #tpu.memory_space<semaphore_mem>>)
    %dma_wait3A_636 = arith.constant 2 : i32
    %dma_wait3A_637 = arith.constant 0 : i32
    %dma_wait3A_638 = arith.constant 2 : i32
    %dma_wait3A_639 = arith.constant 0 : i32
    %dma_wait3A_640 = arith.constant 0 : i32
    %dma_wait3A_641 = tpu.memref_slice %arg6[%dma_wait3A_636, %dma_wait3A_639, %dma_wait3A_640] : memref<3x16x2048xf32, #tpu.memory_space<vmem>> -> memref<1x16x2048xf32, #tpu.memory_space<vmem>>
    %dma_wait3A_642 = tpu.memref_squeeze %dma_wait3A_641 : memref<1x16x2048xf32, #tpu.memory_space<vmem>> -> memref<16x2048xf32, #tpu.memory_space<vmem>>
    %dma_wait3A_643 = arith.constant 0 : i32
    %dma_wait3A_644 = tpu.memref_slice %arg4[%add3A_550, %dma_wait3A_637, %dma_wait3A_643] : memref<8192x1x2048xf32, #tpu.memory_space<hbm>> -> memref<16x1x2048xf32, #tpu.memory_space<hbm>>
    %dma_wait3A_645 = tpu.memref_squeeze %dma_wait3A_644 : memref<16x1x2048xf32, #tpu.memory_space<hbm>> -> memref<16x2048xf32, #tpu.memory_space<hbm>>
    %dma_wait3A_646 = tpu.memref_slice %arg8[%dma_wait3A_638] : memref<3x!tpu.dma_semaphore, #tpu.memory_space<semaphore_mem>> -> memref<1x!tpu.dma_semaphore, #tpu.memory_space<semaphore_mem>>
    %dma_wait3A_647 = tpu.memref_squeeze %dma_wait3A_646 : memref<1x!tpu.dma_semaphore, #tpu.memory_space<semaphore_mem>> -> memref<!tpu.dma_semaphore, #tpu.memory_space<semaphore_mem>>
    %dma_wait3A_648 = arith.constant 0 : i32
    %dma_wait3A_649 = tpu.memref_slice %arg4[%add3A_550, %dma_wait3A_637, %dma_wait3A_648] : memref<8192x1x2048xf32, #tpu.memory_space<hbm>> -> memref<16x1x2048xf32, #tpu.memory_space<hbm>>
    %dma_wait3A_650 = tpu.memref_squeeze %dma_wait3A_649 : memref<16x1x2048xf32, #tpu.memory_space<hbm>> -> memref<16x2048xf32, #tpu.memory_space<hbm>>
    %dma_wait3A_651 = arith.constant 0 : i32
    %dma_wait3A_652 = arith.constant 0 : i32
    %dma_wait3A_653 = tpu.memref_slice %arg6[%dma_wait3A_636, %dma_wait3A_651, %dma_wait3A_652] : memref<3x16x2048xf32, #tpu.memory_space<vmem>> -> memref<1x16x2048xf32, #tpu.memory_space<vmem>>
    %dma_wait3A_654 = tpu.memref_squeeze %dma_wait3A_653 : memref<1x16x2048xf32, #tpu.memory_space<vmem>> -> memref<16x2048xf32, #tpu.memory_space<vmem>>
    tpu.wait_dma2 semaphore(%dma_wait3A_647 : memref<!tpu.dma_semaphore, #tpu.memory_space<semaphore_mem>>) src(%dma_wait3A_654 : memref<16x2048xf32, #tpu.memory_space<vmem>>) dst(%dma_wait3A_650 : memref<16x2048xf32, #tpu.memory_space<hbm>>)
    %dma_start3A_655 = arith.constant 2 : i32
    %dma_start3A_656 = arith.constant 2 : i32
    %dma_start3A_657 = arith.constant 0 : i32
    %dma_start3A_658 = arith.constant 0 : i32
    %dma_start3A_659 = tpu.memref_slice %arg6[%dma_start3A_655, %dma_start3A_657, %dma_start3A_658] : memref<3x16x2048xf32, #tpu.memory_space<vmem>> -> memref<1x16x2048xf32, #tpu.memory_space<vmem>>
    %dma_start3A_660 = tpu.memref_squeeze %dma_start3A_659 : memref<1x16x2048xf32, #tpu.memory_space<vmem>> -> memref<16x2048xf32, #tpu.memory_space<vmem>>
    %dma_start3A_661 = arith.constant 176 : i32
    %dma_start3A_662 = tpu.memref_slice %arg5[%dma_start3A_661] : memref<256xi32, #tpu.memory_space<vmem>> -> memref<16xi32, #tpu.memory_space<vmem>>
    %dma_start3A_663 = arith.constant 0 : i32
    %dma_start3A_664 = arith.constant 0 : i32
    %dma_start3A_665 = tpu.memref_slice %arg3[%dma_start3A_663, %dma_start3A_664] : memref<8192x2048xf32, #tpu.memory_space<hbm>> -> memref<8192x2048xf32, #tpu.memory_space<hbm>>
    %dma_start3A_666 = tpu.memref_slice %arg7[%dma_start3A_656] : memref<3x!tpu.dma_semaphore, #tpu.memory_space<semaphore_mem>> -> memref<1x!tpu.dma_semaphore, #tpu.memory_space<semaphore_mem>>
    %dma_start3A_667 = tpu.memref_squeeze %dma_start3A_666 : memref<1x!tpu.dma_semaphore, #tpu.memory_space<semaphore_mem>> -> memref<!tpu.dma_semaphore, #tpu.memory_space<semaphore_mem>>
    tpu.enqueue_indirect_dma source(%dma_start3A_665 : memref<8192x2048xf32, #tpu.memory_space<hbm>>) target(%dma_start3A_660 : memref<16x2048xf32, #tpu.memory_space<vmem>>) offsets(%dma_start3A_662 : memref<16xi32, #tpu.memory_space<vmem>>) semaphore(%dma_start3A_667 : memref<!tpu.dma_semaphore, #tpu.memory_space<semaphore_mem>>)
    %dma_wait3A_668 = arith.constant 1 : i32
    %dma_wait3A_669 = arith.constant 1 : i32
    %dma_wait3A_670 = arith.constant 0 : i32
    %dma_wait3A_671 = arith.constant 0 : i32
    %dma_wait3A_672 = tpu.memref_slice %arg6[%dma_wait3A_668, %dma_wait3A_670, %dma_wait3A_671] : memref<3x16x2048xf32, #tpu.memory_space<vmem>> -> memref<1x16x2048xf32, #tpu.memory_space<vmem>>
    %dma_wait3A_673 = tpu.memref_squeeze %dma_wait3A_672 : memref<1x16x2048xf32, #tpu.memory_space<vmem>> -> memref<16x2048xf32, #tpu.memory_space<vmem>>
    %dma_wait3A_674 = arith.constant 160 : i32
    %dma_wait3A_675 = tpu.memref_slice %arg5[%dma_wait3A_674] : memref<256xi32, #tpu.memory_space<vmem>> -> memref<16xi32, #tpu.memory_space<vmem>>
    %dma_wait3A_676 = arith.constant 0 : i32
    %dma_wait3A_677 = arith.constant 0 : i32
    %dma_wait3A_678 = tpu.memref_slice %arg3[%dma_wait3A_676, %dma_wait3A_677] : memref<8192x2048xf32, #tpu.memory_space<hbm>> -> memref<8192x2048xf32, #tpu.memory_space<hbm>>
    %dma_wait3A_679 = tpu.memref_slice %arg7[%dma_wait3A_669] : memref<3x!tpu.dma_semaphore, #tpu.memory_space<semaphore_mem>> -> memref<1x!tpu.dma_semaphore, #tpu.memory_space<semaphore_mem>>
    %dma_wait3A_680 = tpu.memref_squeeze %dma_wait3A_679 : memref<1x!tpu.dma_semaphore, #tpu.memory_space<semaphore_mem>> -> memref<!tpu.dma_semaphore, #tpu.memory_space<semaphore_mem>>
    tpu.wait_indirect_dma semaphore(%dma_wait3A_680 : memref<!tpu.dma_semaphore, #tpu.memory_space<semaphore_mem>>) src(%dma_wait3A_678 : memref<8192x2048xf32, #tpu.memory_space<hbm>>) dst(%dma_wait3A_673 : memref<16x2048xf32, #tpu.memory_space<vmem>>)
    %add3A_681 = arith.constant 160 : i32
    %add3A_682 = arith.addi %mul3A_2, %add3A_681 : i32
    %dma_start3A_683 = arith.constant 1 : i32
    %dma_start3A_684 = arith.constant 0 : i32
    %dma_start3A_685 = arith.constant 1 : i32
    %dma_start3A_686 = arith.constant 0 : i32
    %dma_start3A_687 = arith.constant 0 : i32
    %dma_start3A_688 = tpu.memref_slice %arg6[%dma_start3A_683, %dma_start3A_686, %dma_start3A_687] : memref<3x16x2048xf32, #tpu.memory_space<vmem>> -> memref<1x16x2048xf32, #tpu.memory_space<vmem>>
    %dma_start3A_689 = tpu.memref_squeeze %dma_start3A_688 : memref<1x16x2048xf32, #tpu.memory_space<vmem>> -> memref<16x2048xf32, #tpu.memory_space<vmem>>
    %dma_start3A_690 = arith.constant 0 : i32
    %dma_start3A_691 = tpu.memref_slice %arg4[%add3A_682, %dma_start3A_684, %dma_start3A_690] : memref<8192x1x2048xf32, #tpu.memory_space<hbm>> -> memref<16x1x2048xf32, #tpu.memory_space<hbm>>
    %dma_start3A_692 = tpu.memref_squeeze %dma_start3A_691 : memref<16x1x2048xf32, #tpu.memory_space<hbm>> -> memref<16x2048xf32, #tpu.memory_space<hbm>>
    %dma_start3A_693 = tpu.memref_slice %arg8[%dma_start3A_685] : memref<3x!tpu.dma_semaphore, #tpu.memory_space<semaphore_mem>> -> memref<1x!tpu.dma_semaphore, #tpu.memory_space<semaphore_mem>>
    %dma_start3A_694 = tpu.memref_squeeze %dma_start3A_693 : memref<1x!tpu.dma_semaphore, #tpu.memory_space<semaphore_mem>> -> memref<!tpu.dma_semaphore, #tpu.memory_space<semaphore_mem>>
    %dma_start3A_695 = arith.constant 0 : i32
    %dma_start3A_696 = tpu.memref_slice %arg4[%add3A_682, %dma_start3A_684, %dma_start3A_695] : memref<8192x1x2048xf32, #tpu.memory_space<hbm>> -> memref<16x1x2048xf32, #tpu.memory_space<hbm>>
    %dma_start3A_697 = tpu.memref_squeeze %dma_start3A_696 : memref<16x1x2048xf32, #tpu.memory_space<hbm>> -> memref<16x2048xf32, #tpu.memory_space<hbm>>
    %dma_start3A_698 = arith.constant 0 : i32
    %dma_start3A_699 = arith.constant 0 : i32
    %dma_start3A_700 = tpu.memref_slice %arg6[%dma_start3A_683, %dma_start3A_698, %dma_start3A_699] : memref<3x16x2048xf32, #tpu.memory_space<vmem>> -> memref<1x16x2048xf32, #tpu.memory_space<vmem>>
    %dma_start3A_701 = tpu.memref_squeeze %dma_start3A_700 : memref<1x16x2048xf32, #tpu.memory_space<vmem>> -> memref<16x2048xf32, #tpu.memory_space<vmem>>
    tpu.enqueue_dma source(%dma_start3A_701 : memref<16x2048xf32, #tpu.memory_space<vmem>>) target(%dma_start3A_697 : memref<16x2048xf32, #tpu.memory_space<hbm>>) target_semaphore(%dma_start3A_694 : memref<!tpu.dma_semaphore, #tpu.memory_space<semaphore_mem>>)
    %dma_wait3A_702 = arith.constant 0 : i32
    %dma_wait3A_703 = arith.constant 0 : i32
    %dma_wait3A_704 = arith.constant 0 : i32
    %dma_wait3A_705 = arith.constant 0 : i32
    %dma_wait3A_706 = arith.constant 0 : i32
    %dma_wait3A_707 = tpu.memref_slice %arg6[%dma_wait3A_702, %dma_wait3A_705, %dma_wait3A_706] : memref<3x16x2048xf32, #tpu.memory_space<vmem>> -> memref<1x16x2048xf32, #tpu.memory_space<vmem>>
    %dma_wait3A_708 = tpu.memref_squeeze %dma_wait3A_707 : memref<1x16x2048xf32, #tpu.memory_space<vmem>> -> memref<16x2048xf32, #tpu.memory_space<vmem>>
    %dma_wait3A_709 = arith.constant 0 : i32
    %dma_wait3A_710 = tpu.memref_slice %arg4[%add3A_616, %dma_wait3A_703, %dma_wait3A_709] : memref<8192x1x2048xf32, #tpu.memory_space<hbm>> -> memref<16x1x2048xf32, #tpu.memory_space<hbm>>
    %dma_wait3A_711 = tpu.memref_squeeze %dma_wait3A_710 : memref<16x1x2048xf32, #tpu.memory_space<hbm>> -> memref<16x2048xf32, #tpu.memory_space<hbm>>
    %dma_wait3A_712 = tpu.memref_slice %arg8[%dma_wait3A_704] : memref<3x!tpu.dma_semaphore, #tpu.memory_space<semaphore_mem>> -> memref<1x!tpu.dma_semaphore, #tpu.memory_space<semaphore_mem>>
    %dma_wait3A_713 = tpu.memref_squeeze %dma_wait3A_712 : memref<1x!tpu.dma_semaphore, #tpu.memory_space<semaphore_mem>> -> memref<!tpu.dma_semaphore, #tpu.memory_space<semaphore_mem>>
    %dma_wait3A_714 = arith.constant 0 : i32
    %dma_wait3A_715 = tpu.memref_slice %arg4[%add3A_616, %dma_wait3A_703, %dma_wait3A_714] : memref<8192x1x2048xf32, #tpu.memory_space<hbm>> -> memref<16x1x2048xf32, #tpu.memory_space<hbm>>
    %dma_wait3A_716 = tpu.memref_squeeze %dma_wait3A_715 : memref<16x1x2048xf32, #tpu.memory_space<hbm>> -> memref<16x2048xf32, #tpu.memory_space<hbm>>
    %dma_wait3A_717 = arith.constant 0 : i32
    %dma_wait3A_718 = arith.constant 0 : i32
    %dma_wait3A_719 = tpu.memref_slice %arg6[%dma_wait3A_702, %dma_wait3A_717, %dma_wait3A_718] : memref<3x16x2048xf32, #tpu.memory_space<vmem>> -> memref<1x16x2048xf32, #tpu.memory_space<vmem>>
    %dma_wait3A_720 = tpu.memref_squeeze %dma_wait3A_719 : memref<1x16x2048xf32, #tpu.memory_space<vmem>> -> memref<16x2048xf32, #tpu.memory_space<vmem>>
    tpu.wait_dma2 semaphore(%dma_wait3A_713 : memref<!tpu.dma_semaphore, #tpu.memory_space<semaphore_mem>>) src(%dma_wait3A_720 : memref<16x2048xf32, #tpu.memory_space<vmem>>) dst(%dma_wait3A_716 : memref<16x2048xf32, #tpu.memory_space<hbm>>)
    %dma_start3A_721 = arith.constant 0 : i32
    %dma_start3A_722 = arith.constant 0 : i32
    %dma_start3A_723 = arith.constant 0 : i32
    %dma_start3A_724 = arith.constant 0 : i32
    %dma_start3A_725 = tpu.memref_slice %arg6[%dma_start3A_721, %dma_start3A_723, %dma_start3A_724] : memref<3x16x2048xf32, #tpu.memory_space<vmem>> -> memref<1x16x2048xf32, #tpu.memory_space<vmem>>
    %dma_start3A_726 = tpu.memref_squeeze %dma_start3A_725 : memref<1x16x2048xf32, #tpu.memory_space<vmem>> -> memref<16x2048xf32, #tpu.memory_space<vmem>>
    %dma_start3A_727 = arith.constant 192 : i32
    %dma_start3A_728 = tpu.memref_slice %arg5[%dma_start3A_727] : memref<256xi32, #tpu.memory_space<vmem>> -> memref<16xi32, #tpu.memory_space<vmem>>
    %dma_start3A_729 = arith.constant 0 : i32
    %dma_start3A_730 = arith.constant 0 : i32
    %dma_start3A_731 = tpu.memref_slice %arg3[%dma_start3A_729, %dma_start3A_730] : memref<8192x2048xf32, #tpu.memory_space<hbm>> -> memref<8192x2048xf32, #tpu.memory_space<hbm>>
    %dma_start3A_732 = tpu.memref_slice %arg7[%dma_start3A_722] : memref<3x!tpu.dma_semaphore, #tpu.memory_space<semaphore_mem>> -> memref<1x!tpu.dma_semaphore, #tpu.memory_space<semaphore_mem>>
    %dma_start3A_733 = tpu.memref_squeeze %dma_start3A_732 : memref<1x!tpu.dma_semaphore, #tpu.memory_space<semaphore_mem>> -> memref<!tpu.dma_semaphore, #tpu.memory_space<semaphore_mem>>
    tpu.enqueue_indirect_dma source(%dma_start3A_731 : memref<8192x2048xf32, #tpu.memory_space<hbm>>) target(%dma_start3A_726 : memref<16x2048xf32, #tpu.memory_space<vmem>>) offsets(%dma_start3A_728 : memref<16xi32, #tpu.memory_space<vmem>>) semaphore(%dma_start3A_733 : memref<!tpu.dma_semaphore, #tpu.memory_space<semaphore_mem>>)
    %dma_wait3A_734 = arith.constant 2 : i32
    %dma_wait3A_735 = arith.constant 2 : i32
    %dma_wait3A_736 = arith.constant 0 : i32
    %dma_wait3A_737 = arith.constant 0 : i32
    %dma_wait3A_738 = tpu.memref_slice %arg6[%dma_wait3A_734, %dma_wait3A_736, %dma_wait3A_737] : memref<3x16x2048xf32, #tpu.memory_space<vmem>> -> memref<1x16x2048xf32, #tpu.memory_space<vmem>>
    %dma_wait3A_739 = tpu.memref_squeeze %dma_wait3A_738 : memref<1x16x2048xf32, #tpu.memory_space<vmem>> -> memref<16x2048xf32, #tpu.memory_space<vmem>>
    %dma_wait3A_740 = arith.constant 176 : i32
    %dma_wait3A_741 = tpu.memref_slice %arg5[%dma_wait3A_740] : memref<256xi32, #tpu.memory_space<vmem>> -> memref<16xi32, #tpu.memory_space<vmem>>
    %dma_wait3A_742 = arith.constant 0 : i32
    %dma_wait3A_743 = arith.constant 0 : i32
    %dma_wait3A_744 = tpu.memref_slice %arg3[%dma_wait3A_742, %dma_wait3A_743] : memref<8192x2048xf32, #tpu.memory_space<hbm>> -> memref<8192x2048xf32, #tpu.memory_space<hbm>>
    %dma_wait3A_745 = tpu.memref_slice %arg7[%dma_wait3A_735] : memref<3x!tpu.dma_semaphore, #tpu.memory_space<semaphore_mem>> -> memref<1x!tpu.dma_semaphore, #tpu.memory_space<semaphore_mem>>
    %dma_wait3A_746 = tpu.memref_squeeze %dma_wait3A_745 : memref<1x!tpu.dma_semaphore, #tpu.memory_space<semaphore_mem>> -> memref<!tpu.dma_semaphore, #tpu.memory_space<semaphore_mem>>
    tpu.wait_indirect_dma semaphore(%dma_wait3A_746 : memref<!tpu.dma_semaphore, #tpu.memory_space<semaphore_mem>>) src(%dma_wait3A_744 : memref<8192x2048xf32, #tpu.memory_space<hbm>>) dst(%dma_wait3A_739 : memref<16x2048xf32, #tpu.memory_space<vmem>>)
    %add3A_747 = arith.constant 176 : i32
    %add3A_748 = arith.addi %mul3A_2, %add3A_747 : i32
    %dma_start3A_749 = arith.constant 2 : i32
    %dma_start3A_750 = arith.constant 0 : i32
    %dma_start3A_751 = arith.constant 2 : i32
    %dma_start3A_752 = arith.constant 0 : i32
    %dma_start3A_753 = arith.constant 0 : i32
    %dma_start3A_754 = tpu.memref_slice %arg6[%dma_start3A_749, %dma_start3A_752, %dma_start3A_753] : memref<3x16x2048xf32, #tpu.memory_space<vmem>> -> memref<1x16x2048xf32, #tpu.memory_space<vmem>>
    %dma_start3A_755 = tpu.memref_squeeze %dma_start3A_754 : memref<1x16x2048xf32, #tpu.memory_space<vmem>> -> memref<16x2048xf32, #tpu.memory_space<vmem>>
    %dma_start3A_756 = arith.constant 0 : i32
    %dma_start3A_757 = tpu.memref_slice %arg4[%add3A_748, %dma_start3A_750, %dma_start3A_756] : memref<8192x1x2048xf32, #tpu.memory_space<hbm>> -> memref<16x1x2048xf32, #tpu.memory_space<hbm>>
    %dma_start3A_758 = tpu.memref_squeeze %dma_start3A_757 : memref<16x1x2048xf32, #tpu.memory_space<hbm>> -> memref<16x2048xf32, #tpu.memory_space<hbm>>
    %dma_start3A_759 = tpu.memref_slice %arg8[%dma_start3A_751] : memref<3x!tpu.dma_semaphore, #tpu.memory_space<semaphore_mem>> -> memref<1x!tpu.dma_semaphore, #tpu.memory_space<semaphore_mem>>
    %dma_start3A_760 = tpu.memref_squeeze %dma_start3A_759 : memref<1x!tpu.dma_semaphore, #tpu.memory_space<semaphore_mem>> -> memref<!tpu.dma_semaphore, #tpu.memory_space<semaphore_mem>>
    %dma_start3A_761 = arith.constant 0 : i32
    %dma_start3A_762 = tpu.memref_slice %arg4[%add3A_748, %dma_start3A_750, %dma_start3A_761] : memref<8192x1x2048xf32, #tpu.memory_space<hbm>> -> memref<16x1x2048xf32, #tpu.memory_space<hbm>>
    %dma_start3A_763 = tpu.memref_squeeze %dma_start3A_762 : memref<16x1x2048xf32, #tpu.memory_space<hbm>> -> memref<16x2048xf32, #tpu.memory_space<hbm>>
    %dma_start3A_764 = arith.constant 0 : i32
    %dma_start3A_765 = arith.constant 0 : i32
    %dma_start3A_766 = tpu.memref_slice %arg6[%dma_start3A_749, %dma_start3A_764, %dma_start3A_765] : memref<3x16x2048xf32, #tpu.memory_space<vmem>> -> memref<1x16x2048xf32, #tpu.memory_space<vmem>>
    %dma_start3A_767 = tpu.memref_squeeze %dma_start3A_766 : memref<1x16x2048xf32, #tpu.memory_space<vmem>> -> memref<16x2048xf32, #tpu.memory_space<vmem>>
    tpu.enqueue_dma source(%dma_start3A_767 : memref<16x2048xf32, #tpu.memory_space<vmem>>) target(%dma_start3A_763 : memref<16x2048xf32, #tpu.memory_space<hbm>>) target_semaphore(%dma_start3A_760 : memref<!tpu.dma_semaphore, #tpu.memory_space<semaphore_mem>>)
    %dma_wait3A_768 = arith.constant 1 : i32
    %dma_wait3A_769 = arith.constant 0 : i32
    %dma_wait3A_770 = arith.constant 1 : i32
    %dma_wait3A_771 = arith.constant 0 : i32
    %dma_wait3A_772 = arith.constant 0 : i32
    %dma_wait3A_773 = tpu.memref_slice %arg6[%dma_wait3A_768, %dma_wait3A_771, %dma_wait3A_772] : memref<3x16x2048xf32, #tpu.memory_space<vmem>> -> memref<1x16x2048xf32, #tpu.memory_space<vmem>>
    %dma_wait3A_774 = tpu.memref_squeeze %dma_wait3A_773 : memref<1x16x2048xf32, #tpu.memory_space<vmem>> -> memref<16x2048xf32, #tpu.memory_space<vmem>>
    %dma_wait3A_775 = arith.constant 0 : i32
    %dma_wait3A_776 = tpu.memref_slice %arg4[%add3A_682, %dma_wait3A_769, %dma_wait3A_775] : memref<8192x1x2048xf32, #tpu.memory_space<hbm>> -> memref<16x1x2048xf32, #tpu.memory_space<hbm>>
    %dma_wait3A_777 = tpu.memref_squeeze %dma_wait3A_776 : memref<16x1x2048xf32, #tpu.memory_space<hbm>> -> memref<16x2048xf32, #tpu.memory_space<hbm>>
    %dma_wait3A_778 = tpu.memref_slice %arg8[%dma_wait3A_770] : memref<3x!tpu.dma_semaphore, #tpu.memory_space<semaphore_mem>> -> memref<1x!tpu.dma_semaphore, #tpu.memory_space<semaphore_mem>>
    %dma_wait3A_779 = tpu.memref_squeeze %dma_wait3A_778 : memref<1x!tpu.dma_semaphore, #tpu.memory_space<semaphore_mem>> -> memref<!tpu.dma_semaphore, #tpu.memory_space<semaphore_mem>>
    %dma_wait3A_780 = arith.constant 0 : i32
    %dma_wait3A_781 = tpu.memref_slice %arg4[%add3A_682, %dma_wait3A_769, %dma_wait3A_780] : memref<8192x1x2048xf32, #tpu.memory_space<hbm>> -> memref<16x1x2048xf32, #tpu.memory_space<hbm>>
    %dma_wait3A_782 = tpu.memref_squeeze %dma_wait3A_781 : memref<16x1x2048xf32, #tpu.memory_space<hbm>> -> memref<16x2048xf32, #tpu.memory_space<hbm>>
    %dma_wait3A_783 = arith.constant 0 : i32
    %dma_wait3A_784 = arith.constant 0 : i32
    %dma_wait3A_785 = tpu.memref_slice %arg6[%dma_wait3A_768, %dma_wait3A_783, %dma_wait3A_784] : memref<3x16x2048xf32, #tpu.memory_space<vmem>> -> memref<1x16x2048xf32, #tpu.memory_space<vmem>>
    %dma_wait3A_786 = tpu.memref_squeeze %dma_wait3A_785 : memref<1x16x2048xf32, #tpu.memory_space<vmem>> -> memref<16x2048xf32, #tpu.memory_space<vmem>>
    tpu.wait_dma2 semaphore(%dma_wait3A_779 : memref<!tpu.dma_semaphore, #tpu.memory_space<semaphore_mem>>) src(%dma_wait3A_786 : memref<16x2048xf32, #tpu.memory_space<vmem>>) dst(%dma_wait3A_782 : memref<16x2048xf32, #tpu.memory_space<hbm>>)
    %dma_start3A_787 = arith.constant 1 : i32
    %dma_start3A_788 = arith.constant 1 : i32
    %dma_start3A_789 = arith.constant 0 : i32
    %dma_start3A_790 = arith.constant 0 : i32
    %dma_start3A_791 = tpu.memref_slice %arg6[%dma_start3A_787, %dma_start3A_789, %dma_start3A_790] : memref<3x16x2048xf32, #tpu.memory_space<vmem>> -> memref<1x16x2048xf32, #tpu.memory_space<vmem>>
    %dma_start3A_792 = tpu.memref_squeeze %dma_start3A_791 : memref<1x16x2048xf32, #tpu.memory_space<vmem>> -> memref<16x2048xf32, #tpu.memory_space<vmem>>
    %dma_start3A_793 = arith.constant 208 : i32
    %dma_start3A_794 = tpu.memref_slice %arg5[%dma_start3A_793] : memref<256xi32, #tpu.memory_space<vmem>> -> memref<16xi32, #tpu.memory_space<vmem>>
    %dma_start3A_795 = arith.constant 0 : i32
    %dma_start3A_796 = arith.constant 0 : i32
    %dma_start3A_797 = tpu.memref_slice %arg3[%dma_start3A_795, %dma_start3A_796] : memref<8192x2048xf32, #tpu.memory_space<hbm>> -> memref<8192x2048xf32, #tpu.memory_space<hbm>>
    %dma_start3A_798 = tpu.memref_slice %arg7[%dma_start3A_788] : memref<3x!tpu.dma_semaphore, #tpu.memory_space<semaphore_mem>> -> memref<1x!tpu.dma_semaphore, #tpu.memory_space<semaphore_mem>>
    %dma_start3A_799 = tpu.memref_squeeze %dma_start3A_798 : memref<1x!tpu.dma_semaphore, #tpu.memory_space<semaphore_mem>> -> memref<!tpu.dma_semaphore, #tpu.memory_space<semaphore_mem>>
    tpu.enqueue_indirect_dma source(%dma_start3A_797 : memref<8192x2048xf32, #tpu.memory_space<hbm>>) target(%dma_start3A_792 : memref<16x2048xf32, #tpu.memory_space<vmem>>) offsets(%dma_start3A_794 : memref<16xi32, #tpu.memory_space<vmem>>) semaphore(%dma_start3A_799 : memref<!tpu.dma_semaphore, #tpu.memory_space<semaphore_mem>>)
    %dma_wait3A_800 = arith.constant 0 : i32
    %dma_wait3A_801 = arith.constant 0 : i32
    %dma_wait3A_802 = arith.constant 0 : i32
    %dma_wait3A_803 = arith.constant 0 : i32
    %dma_wait3A_804 = tpu.memref_slice %arg6[%dma_wait3A_800, %dma_wait3A_802, %dma_wait3A_803] : memref<3x16x2048xf32, #tpu.memory_space<vmem>> -> memref<1x16x2048xf32, #tpu.memory_space<vmem>>
    %dma_wait3A_805 = tpu.memref_squeeze %dma_wait3A_804 : memref<1x16x2048xf32, #tpu.memory_space<vmem>> -> memref<16x2048xf32, #tpu.memory_space<vmem>>
    %dma_wait3A_806 = arith.constant 192 : i32
    %dma_wait3A_807 = tpu.memref_slice %arg5[%dma_wait3A_806] : memref<256xi32, #tpu.memory_space<vmem>> -> memref<16xi32, #tpu.memory_space<vmem>>
    %dma_wait3A_808 = arith.constant 0 : i32
    %dma_wait3A_809 = arith.constant 0 : i32
    %dma_wait3A_810 = tpu.memref_slice %arg3[%dma_wait3A_808, %dma_wait3A_809] : memref<8192x2048xf32, #tpu.memory_space<hbm>> -> memref<8192x2048xf32, #tpu.memory_space<hbm>>
    %dma_wait3A_811 = tpu.memref_slice %arg7[%dma_wait3A_801] : memref<3x!tpu.dma_semaphore, #tpu.memory_space<semaphore_mem>> -> memref<1x!tpu.dma_semaphore, #tpu.memory_space<semaphore_mem>>
    %dma_wait3A_812 = tpu.memref_squeeze %dma_wait3A_811 : memref<1x!tpu.dma_semaphore, #tpu.memory_space<semaphore_mem>> -> memref<!tpu.dma_semaphore, #tpu.memory_space<semaphore_mem>>
    tpu.wait_indirect_dma semaphore(%dma_wait3A_812 : memref<!tpu.dma_semaphore, #tpu.memory_space<semaphore_mem>>) src(%dma_wait3A_810 : memref<8192x2048xf32, #tpu.memory_space<hbm>>) dst(%dma_wait3A_805 : memref<16x2048xf32, #tpu.memory_space<vmem>>)
    %add3A_813 = arith.constant 192 : i32
    %add3A_814 = arith.addi %mul3A_2, %add3A_813 : i32
    %dma_start3A_815 = arith.constant 0 : i32
    %dma_start3A_816 = arith.constant 0 : i32
    %dma_start3A_817 = arith.constant 0 : i32
    %dma_start3A_818 = arith.constant 0 : i32
    %dma_start3A_819 = arith.constant 0 : i32
    %dma_start3A_820 = tpu.memref_slice %arg6[%dma_start3A_815, %dma_start3A_818, %dma_start3A_819] : memref<3x16x2048xf32, #tpu.memory_space<vmem>> -> memref<1x16x2048xf32, #tpu.memory_space<vmem>>
    %dma_start3A_821 = tpu.memref_squeeze %dma_start3A_820 : memref<1x16x2048xf32, #tpu.memory_space<vmem>> -> memref<16x2048xf32, #tpu.memory_space<vmem>>
    %dma_start3A_822 = arith.constant 0 : i32
    %dma_start3A_823 = tpu.memref_slice %arg4[%add3A_814, %dma_start3A_816, %dma_start3A_822] : memref<8192x1x2048xf32, #tpu.memory_space<hbm>> -> memref<16x1x2048xf32, #tpu.memory_space<hbm>>
    %dma_start3A_824 = tpu.memref_squeeze %dma_start3A_823 : memref<16x1x2048xf32, #tpu.memory_space<hbm>> -> memref<16x2048xf32, #tpu.memory_space<hbm>>
    %dma_start3A_825 = tpu.memref_slice %arg8[%dma_start3A_817] : memref<3x!tpu.dma_semaphore, #tpu.memory_space<semaphore_mem>> -> memref<1x!tpu.dma_semaphore, #tpu.memory_space<semaphore_mem>>
    %dma_start3A_826 = tpu.memref_squeeze %dma_start3A_825 : memref<1x!tpu.dma_semaphore, #tpu.memory_space<semaphore_mem>> -> memref<!tpu.dma_semaphore, #tpu.memory_space<semaphore_mem>>
    %dma_start3A_827 = arith.constant 0 : i32
    %dma_start3A_828 = tpu.memref_slice %arg4[%add3A_814, %dma_start3A_816, %dma_start3A_827] : memref<8192x1x2048xf32, #tpu.memory_space<hbm>> -> memref<16x1x2048xf32, #tpu.memory_space<hbm>>
    %dma_start3A_829 = tpu.memref_squeeze %dma_start3A_828 : memref<16x1x2048xf32, #tpu.memory_space<hbm>> -> memref<16x2048xf32, #tpu.memory_space<hbm>>
    %dma_start3A_830 = arith.constant 0 : i32
    %dma_start3A_831 = arith.constant 0 : i32
    %dma_start3A_832 = tpu.memref_slice %arg6[%dma_start3A_815, %dma_start3A_830, %dma_start3A_831] : memref<3x16x2048xf32, #tpu.memory_space<vmem>> -> memref<1x16x2048xf32, #tpu.memory_space<vmem>>
    %dma_start3A_833 = tpu.memref_squeeze %dma_start3A_832 : memref<1x16x2048xf32, #tpu.memory_space<vmem>> -> memref<16x2048xf32, #tpu.memory_space<vmem>>
    tpu.enqueue_dma source(%dma_start3A_833 : memref<16x2048xf32, #tpu.memory_space<vmem>>) target(%dma_start3A_829 : memref<16x2048xf32, #tpu.memory_space<hbm>>) target_semaphore(%dma_start3A_826 : memref<!tpu.dma_semaphore, #tpu.memory_space<semaphore_mem>>)
    %dma_wait3A_834 = arith.constant 2 : i32
    %dma_wait3A_835 = arith.constant 0 : i32
    %dma_wait3A_836 = arith.constant 2 : i32
    %dma_wait3A_837 = arith.constant 0 : i32
    %dma_wait3A_838 = arith.constant 0 : i32
    %dma_wait3A_839 = tpu.memref_slice %arg6[%dma_wait3A_834, %dma_wait3A_837, %dma_wait3A_838] : memref<3x16x2048xf32, #tpu.memory_space<vmem>> -> memref<1x16x2048xf32, #tpu.memory_space<vmem>>
    %dma_wait3A_840 = tpu.memref_squeeze %dma_wait3A_839 : memref<1x16x2048xf32, #tpu.memory_space<vmem>> -> memref<16x2048xf32, #tpu.memory_space<vmem>>
    %dma_wait3A_841 = arith.constant 0 : i32
    %dma_wait3A_842 = tpu.memref_slice %arg4[%add3A_748, %dma_wait3A_835, %dma_wait3A_841] : memref<8192x1x2048xf32, #tpu.memory_space<hbm>> -> memref<16x1x2048xf32, #tpu.memory_space<hbm>>
    %dma_wait3A_843 = tpu.memref_squeeze %dma_wait3A_842 : memref<16x1x2048xf32, #tpu.memory_space<hbm>> -> memref<16x2048xf32, #tpu.memory_space<hbm>>
    %dma_wait3A_844 = tpu.memref_slice %arg8[%dma_wait3A_836] : memref<3x!tpu.dma_semaphore, #tpu.memory_space<semaphore_mem>> -> memref<1x!tpu.dma_semaphore, #tpu.memory_space<semaphore_mem>>
    %dma_wait3A_845 = tpu.memref_squeeze %dma_wait3A_844 : memref<1x!tpu.dma_semaphore, #tpu.memory_space<semaphore_mem>> -> memref<!tpu.dma_semaphore, #tpu.memory_space<semaphore_mem>>
    %dma_wait3A_846 = arith.constant 0 : i32
    %dma_wait3A_847 = tpu.memref_slice %arg4[%add3A_748, %dma_wait3A_835, %dma_wait3A_846] : memref<8192x1x2048xf32, #tpu.memory_space<hbm>> -> memref<16x1x2048xf32, #tpu.memory_space<hbm>>
    %dma_wait3A_848 = tpu.memref_squeeze %dma_wait3A_847 : memref<16x1x2048xf32, #tpu.memory_space<hbm>> -> memref<16x2048xf32, #tpu.memory_space<hbm>>
    %dma_wait3A_849 = arith.constant 0 : i32
    %dma_wait3A_850 = arith.constant 0 : i32
    %dma_wait3A_851 = tpu.memref_slice %arg6[%dma_wait3A_834, %dma_wait3A_849, %dma_wait3A_850] : memref<3x16x2048xf32, #tpu.memory_space<vmem>> -> memref<1x16x2048xf32, #tpu.memory_space<vmem>>
    %dma_wait3A_852 = tpu.memref_squeeze %dma_wait3A_851 : memref<1x16x2048xf32, #tpu.memory_space<vmem>> -> memref<16x2048xf32, #tpu.memory_space<vmem>>
    tpu.wait_dma2 semaphore(%dma_wait3A_845 : memref<!tpu.dma_semaphore, #tpu.memory_space<semaphore_mem>>) src(%dma_wait3A_852 : memref<16x2048xf32, #tpu.memory_space<vmem>>) dst(%dma_wait3A_848 : memref<16x2048xf32, #tpu.memory_space<hbm>>)
    %dma_start3A_853 = arith.constant 2 : i32
    %dma_start3A_854 = arith.constant 2 : i32
    %dma_start3A_855 = arith.constant 0 : i32
    %dma_start3A_856 = arith.constant 0 : i32
    %dma_start3A_857 = tpu.memref_slice %arg6[%dma_start3A_853, %dma_start3A_855, %dma_start3A_856] : memref<3x16x2048xf32, #tpu.memory_space<vmem>> -> memref<1x16x2048xf32, #tpu.memory_space<vmem>>
    %dma_start3A_858 = tpu.memref_squeeze %dma_start3A_857 : memref<1x16x2048xf32, #tpu.memory_space<vmem>> -> memref<16x2048xf32, #tpu.memory_space<vmem>>
    %dma_start3A_859 = arith.constant 224 : i32
    %dma_start3A_860 = tpu.memref_slice %arg5[%dma_start3A_859] : memref<256xi32, #tpu.memory_space<vmem>> -> memref<16xi32, #tpu.memory_space<vmem>>
    %dma_start3A_861 = arith.constant 0 : i32
    %dma_start3A_862 = arith.constant 0 : i32
    %dma_start3A_863 = tpu.memref_slice %arg3[%dma_start3A_861, %dma_start3A_862] : memref<8192x2048xf32, #tpu.memory_space<hbm>> -> memref<8192x2048xf32, #tpu.memory_space<hbm>>
    %dma_start3A_864 = tpu.memref_slice %arg7[%dma_start3A_854] : memref<3x!tpu.dma_semaphore, #tpu.memory_space<semaphore_mem>> -> memref<1x!tpu.dma_semaphore, #tpu.memory_space<semaphore_mem>>
    %dma_start3A_865 = tpu.memref_squeeze %dma_start3A_864 : memref<1x!tpu.dma_semaphore, #tpu.memory_space<semaphore_mem>> -> memref<!tpu.dma_semaphore, #tpu.memory_space<semaphore_mem>>
    tpu.enqueue_indirect_dma source(%dma_start3A_863 : memref<8192x2048xf32, #tpu.memory_space<hbm>>) target(%dma_start3A_858 : memref<16x2048xf32, #tpu.memory_space<vmem>>) offsets(%dma_start3A_860 : memref<16xi32, #tpu.memory_space<vmem>>) semaphore(%dma_start3A_865 : memref<!tpu.dma_semaphore, #tpu.memory_space<semaphore_mem>>)
    %dma_wait3A_866 = arith.constant 1 : i32
    %dma_wait3A_867 = arith.constant 1 : i32
    %dma_wait3A_868 = arith.constant 0 : i32
    %dma_wait3A_869 = arith.constant 0 : i32
    %dma_wait3A_870 = tpu.memref_slice %arg6[%dma_wait3A_866, %dma_wait3A_868, %dma_wait3A_869] : memref<3x16x2048xf32, #tpu.memory_space<vmem>> -> memref<1x16x2048xf32, #tpu.memory_space<vmem>>
    %dma_wait3A_871 = tpu.memref_squeeze %dma_wait3A_870 : memref<1x16x2048xf32, #tpu.memory_space<vmem>> -> memref<16x2048xf32, #tpu.memory_space<vmem>>
    %dma_wait3A_872 = arith.constant 208 : i32
    %dma_wait3A_873 = tpu.memref_slice %arg5[%dma_wait3A_872] : memref<256xi32, #tpu.memory_space<vmem>> -> memref<16xi32, #tpu.memory_space<vmem>>
    %dma_wait3A_874 = arith.constant 0 : i32
    %dma_wait3A_875 = arith.constant 0 : i32
    %dma_wait3A_876 = tpu.memref_slice %arg3[%dma_wait3A_874, %dma_wait3A_875] : memref<8192x2048xf32, #tpu.memory_space<hbm>> -> memref<8192x2048xf32, #tpu.memory_space<hbm>>
    %dma_wait3A_877 = tpu.memref_slice %arg7[%dma_wait3A_867] : memref<3x!tpu.dma_semaphore, #tpu.memory_space<semaphore_mem>> -> memref<1x!tpu.dma_semaphore, #tpu.memory_space<semaphore_mem>>
    %dma_wait3A_878 = tpu.memref_squeeze %dma_wait3A_877 : memref<1x!tpu.dma_semaphore, #tpu.memory_space<semaphore_mem>> -> memref<!tpu.dma_semaphore, #tpu.memory_space<semaphore_mem>>
    tpu.wait_indirect_dma semaphore(%dma_wait3A_878 : memref<!tpu.dma_semaphore, #tpu.memory_space<semaphore_mem>>) src(%dma_wait3A_876 : memref<8192x2048xf32, #tpu.memory_space<hbm>>) dst(%dma_wait3A_871 : memref<16x2048xf32, #tpu.memory_space<vmem>>)
    %add3A_879 = arith.constant 208 : i32
    %add3A_880 = arith.addi %mul3A_2, %add3A_879 : i32
    %dma_start3A_881 = arith.constant 1 : i32
    %dma_start3A_882 = arith.constant 0 : i32
    %dma_start3A_883 = arith.constant 1 : i32
    %dma_start3A_884 = arith.constant 0 : i32
    %dma_start3A_885 = arith.constant 0 : i32
    %dma_start3A_886 = tpu.memref_slice %arg6[%dma_start3A_881, %dma_start3A_884, %dma_start3A_885] : memref<3x16x2048xf32, #tpu.memory_space<vmem>> -> memref<1x16x2048xf32, #tpu.memory_space<vmem>>
    %dma_start3A_887 = tpu.memref_squeeze %dma_start3A_886 : memref<1x16x2048xf32, #tpu.memory_space<vmem>> -> memref<16x2048xf32, #tpu.memory_space<vmem>>
    %dma_start3A_888 = arith.constant 0 : i32
    %dma_start3A_889 = tpu.memref_slice %arg4[%add3A_880, %dma_start3A_882, %dma_start3A_888] : memref<8192x1x2048xf32, #tpu.memory_space<hbm>> -> memref<16x1x2048xf32, #tpu.memory_space<hbm>>
    %dma_start3A_890 = tpu.memref_squeeze %dma_start3A_889 : memref<16x1x2048xf32, #tpu.memory_space<hbm>> -> memref<16x2048xf32, #tpu.memory_space<hbm>>
    %dma_start3A_891 = tpu.memref_slice %arg8[%dma_start3A_883] : memref<3x!tpu.dma_semaphore, #tpu.memory_space<semaphore_mem>> -> memref<1x!tpu.dma_semaphore, #tpu.memory_space<semaphore_mem>>
    %dma_start3A_892 = tpu.memref_squeeze %dma_start3A_891 : memref<1x!tpu.dma_semaphore, #tpu.memory_space<semaphore_mem>> -> memref<!tpu.dma_semaphore, #tpu.memory_space<semaphore_mem>>
    %dma_start3A_893 = arith.constant 0 : i32
    %dma_start3A_894 = tpu.memref_slice %arg4[%add3A_880, %dma_start3A_882, %dma_start3A_893] : memref<8192x1x2048xf32, #tpu.memory_space<hbm>> -> memref<16x1x2048xf32, #tpu.memory_space<hbm>>
    %dma_start3A_895 = tpu.memref_squeeze %dma_start3A_894 : memref<16x1x2048xf32, #tpu.memory_space<hbm>> -> memref<16x2048xf32, #tpu.memory_space<hbm>>
    %dma_start3A_896 = arith.constant 0 : i32
    %dma_start3A_897 = arith.constant 0 : i32
    %dma_start3A_898 = tpu.memref_slice %arg6[%dma_start3A_881, %dma_start3A_896, %dma_start3A_897] : memref<3x16x2048xf32, #tpu.memory_space<vmem>> -> memref<1x16x2048xf32, #tpu.memory_space<vmem>>
    %dma_start3A_899 = tpu.memref_squeeze %dma_start3A_898 : memref<1x16x2048xf32, #tpu.memory_space<vmem>> -> memref<16x2048xf32, #tpu.memory_space<vmem>>
    tpu.enqueue_dma source(%dma_start3A_899 : memref<16x2048xf32, #tpu.memory_space<vmem>>) target(%dma_start3A_895 : memref<16x2048xf32, #tpu.memory_space<hbm>>) target_semaphore(%dma_start3A_892 : memref<!tpu.dma_semaphore, #tpu.memory_space<semaphore_mem>>)
    %dma_wait3A_900 = arith.constant 0 : i32
    %dma_wait3A_901 = arith.constant 0 : i32
    %dma_wait3A_902 = arith.constant 0 : i32
    %dma_wait3A_903 = arith.constant 0 : i32
    %dma_wait3A_904 = arith.constant 0 : i32
    %dma_wait3A_905 = tpu.memref_slice %arg6[%dma_wait3A_900, %dma_wait3A_903, %dma_wait3A_904] : memref<3x16x2048xf32, #tpu.memory_space<vmem>> -> memref<1x16x2048xf32, #tpu.memory_space<vmem>>
    %dma_wait3A_906 = tpu.memref_squeeze %dma_wait3A_905 : memref<1x16x2048xf32, #tpu.memory_space<vmem>> -> memref<16x2048xf32, #tpu.memory_space<vmem>>
    %dma_wait3A_907 = arith.constant 0 : i32
    %dma_wait3A_908 = tpu.memref_slice %arg4[%add3A_814, %dma_wait3A_901, %dma_wait3A_907] : memref<8192x1x2048xf32, #tpu.memory_space<hbm>> -> memref<16x1x2048xf32, #tpu.memory_space<hbm>>
    %dma_wait3A_909 = tpu.memref_squeeze %dma_wait3A_908 : memref<16x1x2048xf32, #tpu.memory_space<hbm>> -> memref<16x2048xf32, #tpu.memory_space<hbm>>
    %dma_wait3A_910 = tpu.memref_slice %arg8[%dma_wait3A_902] : memref<3x!tpu.dma_semaphore, #tpu.memory_space<semaphore_mem>> -> memref<1x!tpu.dma_semaphore, #tpu.memory_space<semaphore_mem>>
    %dma_wait3A_911 = tpu.memref_squeeze %dma_wait3A_910 : memref<1x!tpu.dma_semaphore, #tpu.memory_space<semaphore_mem>> -> memref<!tpu.dma_semaphore, #tpu.memory_space<semaphore_mem>>
    %dma_wait3A_912 = arith.constant 0 : i32
    %dma_wait3A_913 = tpu.memref_slice %arg4[%add3A_814, %dma_wait3A_901, %dma_wait3A_912] : memref<8192x1x2048xf32, #tpu.memory_space<hbm>> -> memref<16x1x2048xf32, #tpu.memory_space<hbm>>
    %dma_wait3A_914 = tpu.memref_squeeze %dma_wait3A_913 : memref<16x1x2048xf32, #tpu.memory_space<hbm>> -> memref<16x2048xf32, #tpu.memory_space<hbm>>
    %dma_wait3A_915 = arith.constant 0 : i32
    %dma_wait3A_916 = arith.constant 0 : i32
    %dma_wait3A_917 = tpu.memref_slice %arg6[%dma_wait3A_900, %dma_wait3A_915, %dma_wait3A_916] : memref<3x16x2048xf32, #tpu.memory_space<vmem>> -> memref<1x16x2048xf32, #tpu.memory_space<vmem>>
    %dma_wait3A_918 = tpu.memref_squeeze %dma_wait3A_917 : memref<1x16x2048xf32, #tpu.memory_space<vmem>> -> memref<16x2048xf32, #tpu.memory_space<vmem>>
    tpu.wait_dma2 semaphore(%dma_wait3A_911 : memref<!tpu.dma_semaphore, #tpu.memory_space<semaphore_mem>>) src(%dma_wait3A_918 : memref<16x2048xf32, #tpu.memory_space<vmem>>) dst(%dma_wait3A_914 : memref<16x2048xf32, #tpu.memory_space<hbm>>)
    %dma_start3A_919 = arith.constant 0 : i32
    %dma_start3A_920 = arith.constant 0 : i32
    %dma_start3A_921 = arith.constant 0 : i32
    %dma_start3A_922 = arith.constant 0 : i32
    %dma_start3A_923 = tpu.memref_slice %arg6[%dma_start3A_919, %dma_start3A_921, %dma_start3A_922] : memref<3x16x2048xf32, #tpu.memory_space<vmem>> -> memref<1x16x2048xf32, #tpu.memory_space<vmem>>
    %dma_start3A_924 = tpu.memref_squeeze %dma_start3A_923 : memref<1x16x2048xf32, #tpu.memory_space<vmem>> -> memref<16x2048xf32, #tpu.memory_space<vmem>>
    %dma_start3A_925 = arith.constant 240 : i32
    %dma_start3A_926 = tpu.memref_slice %arg5[%dma_start3A_925] : memref<256xi32, #tpu.memory_space<vmem>> -> memref<16xi32, #tpu.memory_space<vmem>>
    %dma_start3A_927 = arith.constant 0 : i32
    %dma_start3A_928 = arith.constant 0 : i32
    %dma_start3A_929 = tpu.memref_slice %arg3[%dma_start3A_927, %dma_start3A_928] : memref<8192x2048xf32, #tpu.memory_space<hbm>> -> memref<8192x2048xf32, #tpu.memory_space<hbm>>
    %dma_start3A_930 = tpu.memref_slice %arg7[%dma_start3A_920] : memref<3x!tpu.dma_semaphore, #tpu.memory_space<semaphore_mem>> -> memref<1x!tpu.dma_semaphore, #tpu.memory_space<semaphore_mem>>
    %dma_start3A_931 = tpu.memref_squeeze %dma_start3A_930 : memref<1x!tpu.dma_semaphore, #tpu.memory_space<semaphore_mem>> -> memref<!tpu.dma_semaphore, #tpu.memory_space<semaphore_mem>>
    tpu.enqueue_indirect_dma source(%dma_start3A_929 : memref<8192x2048xf32, #tpu.memory_space<hbm>>) target(%dma_start3A_924 : memref<16x2048xf32, #tpu.memory_space<vmem>>) offsets(%dma_start3A_926 : memref<16xi32, #tpu.memory_space<vmem>>) semaphore(%dma_start3A_931 : memref<!tpu.dma_semaphore, #tpu.memory_space<semaphore_mem>>)
    %dma_wait3A_932 = arith.constant 2 : i32
    %dma_wait3A_933 = arith.constant 2 : i32
    %dma_wait3A_934 = arith.constant 0 : i32
    %dma_wait3A_935 = arith.constant 0 : i32
    %dma_wait3A_936 = tpu.memref_slice %arg6[%dma_wait3A_932, %dma_wait3A_934, %dma_wait3A_935] : memref<3x16x2048xf32, #tpu.memory_space<vmem>> -> memref<1x16x2048xf32, #tpu.memory_space<vmem>>
    %dma_wait3A_937 = tpu.memref_squeeze %dma_wait3A_936 : memref<1x16x2048xf32, #tpu.memory_space<vmem>> -> memref<16x2048xf32, #tpu.memory_space<vmem>>
    %dma_wait3A_938 = arith.constant 224 : i32
    %dma_wait3A_939 = tpu.memref_slice %arg5[%dma_wait3A_938] : memref<256xi32, #tpu.memory_space<vmem>> -> memref<16xi32, #tpu.memory_space<vmem>>
    %dma_wait3A_940 = arith.constant 0 : i32
    %dma_wait3A_941 = arith.constant 0 : i32
    %dma_wait3A_942 = tpu.memref_slice %arg3[%dma_wait3A_940, %dma_wait3A_941] : memref<8192x2048xf32, #tpu.memory_space<hbm>> -> memref<8192x2048xf32, #tpu.memory_space<hbm>>
    %dma_wait3A_943 = tpu.memref_slice %arg7[%dma_wait3A_933] : memref<3x!tpu.dma_semaphore, #tpu.memory_space<semaphore_mem>> -> memref<1x!tpu.dma_semaphore, #tpu.memory_space<semaphore_mem>>
    %dma_wait3A_944 = tpu.memref_squeeze %dma_wait3A_943 : memref<1x!tpu.dma_semaphore, #tpu.memory_space<semaphore_mem>> -> memref<!tpu.dma_semaphore, #tpu.memory_space<semaphore_mem>>
    tpu.wait_indirect_dma semaphore(%dma_wait3A_944 : memref<!tpu.dma_semaphore, #tpu.memory_space<semaphore_mem>>) src(%dma_wait3A_942 : memref<8192x2048xf32, #tpu.memory_space<hbm>>) dst(%dma_wait3A_937 : memref<16x2048xf32, #tpu.memory_space<vmem>>)
    %add3A_945 = arith.constant 224 : i32
    %add3A_946 = arith.addi %mul3A_2, %add3A_945 : i32
    %dma_start3A_947 = arith.constant 2 : i32
    %dma_start3A_948 = arith.constant 0 : i32
    %dma_start3A_949 = arith.constant 2 : i32
    %dma_start3A_950 = arith.constant 0 : i32
    %dma_start3A_951 = arith.constant 0 : i32
    %dma_start3A_952 = tpu.memref_slice %arg6[%dma_start3A_947, %dma_start3A_950, %dma_start3A_951] : memref<3x16x2048xf32, #tpu.memory_space<vmem>> -> memref<1x16x2048xf32, #tpu.memory_space<vmem>>
    %dma_start3A_953 = tpu.memref_squeeze %dma_start3A_952 : memref<1x16x2048xf32, #tpu.memory_space<vmem>> -> memref<16x2048xf32, #tpu.memory_space<vmem>>
    %dma_start3A_954 = arith.constant 0 : i32
    %dma_start3A_955 = tpu.memref_slice %arg4[%add3A_946, %dma_start3A_948, %dma_start3A_954] : memref<8192x1x2048xf32, #tpu.memory_space<hbm>> -> memref<16x1x2048xf32, #tpu.memory_space<hbm>>
    %dma_start3A_956 = tpu.memref_squeeze %dma_start3A_955 : memref<16x1x2048xf32, #tpu.memory_space<hbm>> -> memref<16x2048xf32, #tpu.memory_space<hbm>>
    %dma_start3A_957 = tpu.memref_slice %arg8[%dma_start3A_949] : memref<3x!tpu.dma_semaphore, #tpu.memory_space<semaphore_mem>> -> memref<1x!tpu.dma_semaphore, #tpu.memory_space<semaphore_mem>>
    %dma_start3A_958 = tpu.memref_squeeze %dma_start3A_957 : memref<1x!tpu.dma_semaphore, #tpu.memory_space<semaphore_mem>> -> memref<!tpu.dma_semaphore, #tpu.memory_space<semaphore_mem>>
    %dma_start3A_959 = arith.constant 0 : i32
    %dma_start3A_960 = tpu.memref_slice %arg4[%add3A_946, %dma_start3A_948, %dma_start3A_959] : memref<8192x1x2048xf32, #tpu.memory_space<hbm>> -> memref<16x1x2048xf32, #tpu.memory_space<hbm>>
    %dma_start3A_961 = tpu.memref_squeeze %dma_start3A_960 : memref<16x1x2048xf32, #tpu.memory_space<hbm>> -> memref<16x2048xf32, #tpu.memory_space<hbm>>
    %dma_start3A_962 = arith.constant 0 : i32
    %dma_start3A_963 = arith.constant 0 : i32
    %dma_start3A_964 = tpu.memref_slice %arg6[%dma_start3A_947, %dma_start3A_962, %dma_start3A_963] : memref<3x16x2048xf32, #tpu.memory_space<vmem>> -> memref<1x16x2048xf32, #tpu.memory_space<vmem>>
    %dma_start3A_965 = tpu.memref_squeeze %dma_start3A_964 : memref<1x16x2048xf32, #tpu.memory_space<vmem>> -> memref<16x2048xf32, #tpu.memory_space<vmem>>
    tpu.enqueue_dma source(%dma_start3A_965 : memref<16x2048xf32, #tpu.memory_space<vmem>>) target(%dma_start3A_961 : memref<16x2048xf32, #tpu.memory_space<hbm>>) target_semaphore(%dma_start3A_958 : memref<!tpu.dma_semaphore, #tpu.memory_space<semaphore_mem>>)
    %dma_wait3A_966 = arith.constant 0 : i32
    %dma_wait3A_967 = arith.constant 0 : i32
    %dma_wait3A_968 = arith.constant 0 : i32
    %dma_wait3A_969 = arith.constant 0 : i32
    %dma_wait3A_970 = tpu.memref_slice %arg6[%dma_wait3A_966, %dma_wait3A_968, %dma_wait3A_969] : memref<3x16x2048xf32, #tpu.memory_space<vmem>> -> memref<1x16x2048xf32, #tpu.memory_space<vmem>>
    %dma_wait3A_971 = tpu.memref_squeeze %dma_wait3A_970 : memref<1x16x2048xf32, #tpu.memory_space<vmem>> -> memref<16x2048xf32, #tpu.memory_space<vmem>>
    %dma_wait3A_972 = arith.constant 240 : i32
    %dma_wait3A_973 = tpu.memref_slice %arg5[%dma_wait3A_972] : memref<256xi32, #tpu.memory_space<vmem>> -> memref<16xi32, #tpu.memory_space<vmem>>
    %dma_wait3A_974 = arith.constant 0 : i32
    %dma_wait3A_975 = arith.constant 0 : i32
    %dma_wait3A_976 = tpu.memref_slice %arg3[%dma_wait3A_974, %dma_wait3A_975] : memref<8192x2048xf32, #tpu.memory_space<hbm>> -> memref<8192x2048xf32, #tpu.memory_space<hbm>>
    %dma_wait3A_977 = tpu.memref_slice %arg7[%dma_wait3A_967] : memref<3x!tpu.dma_semaphore, #tpu.memory_space<semaphore_mem>> -> memref<1x!tpu.dma_semaphore, #tpu.memory_space<semaphore_mem>>
    %dma_wait3A_978 = tpu.memref_squeeze %dma_wait3A_977 : memref<1x!tpu.dma_semaphore, #tpu.memory_space<semaphore_mem>> -> memref<!tpu.dma_semaphore, #tpu.memory_space<semaphore_mem>>
    tpu.wait_indirect_dma semaphore(%dma_wait3A_978 : memref<!tpu.dma_semaphore, #tpu.memory_space<semaphore_mem>>) src(%dma_wait3A_976 : memref<8192x2048xf32, #tpu.memory_space<hbm>>) dst(%dma_wait3A_971 : memref<16x2048xf32, #tpu.memory_space<vmem>>)
    %add3A_979 = arith.constant 240 : i32
    %add3A_980 = arith.addi %mul3A_2, %add3A_979 : i32
    %dma_start3A_981 = arith.constant 0 : i32
    %dma_start3A_982 = arith.constant 0 : i32
    %dma_start3A_983 = arith.constant 0 : i32
    %dma_start3A_984 = arith.constant 0 : i32
    %dma_start3A_985 = arith.constant 0 : i32
    %dma_start3A_986 = tpu.memref_slice %arg6[%dma_start3A_981, %dma_start3A_984, %dma_start3A_985] : memref<3x16x2048xf32, #tpu.memory_space<vmem>> -> memref<1x16x2048xf32, #tpu.memory_space<vmem>>
    %dma_start3A_987 = tpu.memref_squeeze %dma_start3A_986 : memref<1x16x2048xf32, #tpu.memory_space<vmem>> -> memref<16x2048xf32, #tpu.memory_space<vmem>>
    %dma_start3A_988 = arith.constant 0 : i32
    %dma_start3A_989 = tpu.memref_slice %arg4[%add3A_980, %dma_start3A_982, %dma_start3A_988] : memref<8192x1x2048xf32, #tpu.memory_space<hbm>> -> memref<16x1x2048xf32, #tpu.memory_space<hbm>>
    %dma_start3A_990 = tpu.memref_squeeze %dma_start3A_989 : memref<16x1x2048xf32, #tpu.memory_space<hbm>> -> memref<16x2048xf32, #tpu.memory_space<hbm>>
    %dma_start3A_991 = tpu.memref_slice %arg8[%dma_start3A_983] : memref<3x!tpu.dma_semaphore, #tpu.memory_space<semaphore_mem>> -> memref<1x!tpu.dma_semaphore, #tpu.memory_space<semaphore_mem>>
    %dma_start3A_992 = tpu.memref_squeeze %dma_start3A_991 : memref<1x!tpu.dma_semaphore, #tpu.memory_space<semaphore_mem>> -> memref<!tpu.dma_semaphore, #tpu.memory_space<semaphore_mem>>
    %dma_start3A_993 = arith.constant 0 : i32
    %dma_start3A_994 = tpu.memref_slice %arg4[%add3A_980, %dma_start3A_982, %dma_start3A_993] : memref<8192x1x2048xf32, #tpu.memory_space<hbm>> -> memref<16x1x2048xf32, #tpu.memory_space<hbm>>
    %dma_start3A_995 = tpu.memref_squeeze %dma_start3A_994 : memref<16x1x2048xf32, #tpu.memory_space<hbm>> -> memref<16x2048xf32, #tpu.memory_space<hbm>>
    %dma_start3A_996 = arith.constant 0 : i32
    %dma_start3A_997 = arith.constant 0 : i32
    %dma_start3A_998 = tpu.memref_slice %arg6[%dma_start3A_981, %dma_start3A_996, %dma_start3A_997] : memref<3x16x2048xf32, #tpu.memory_space<vmem>> -> memref<1x16x2048xf32, #tpu.memory_space<vmem>>
    %dma_start3A_999 = tpu.memref_squeeze %dma_start3A_998 : memref<1x16x2048xf32, #tpu.memory_space<vmem>> -> memref<16x2048xf32, #tpu.memory_space<vmem>>
    tpu.enqueue_dma source(%dma_start3A_999 : memref<16x2048xf32, #tpu.memory_space<vmem>>) target(%dma_start3A_995 : memref<16x2048xf32, #tpu.memory_space<hbm>>) target_semaphore(%dma_start3A_992 : memref<!tpu.dma_semaphore, #tpu.memory_space<semaphore_mem>>)
    %dma_wait3A_1000 = arith.constant 1 : i32
    %dma_wait3A_1001 = arith.constant 0 : i32
    %dma_wait3A_1002 = arith.constant 1 : i32
    %dma_wait3A_1003 = arith.constant 0 : i32
    %dma_wait3A_1004 = arith.constant 0 : i32
    %dma_wait3A_1005 = tpu.memref_slice %arg6[%dma_wait3A_1000, %dma_wait3A_1003, %dma_wait3A_1004] : memref<3x16x2048xf32, #tpu.memory_space<vmem>> -> memref<1x16x2048xf32, #tpu.memory_space<vmem>>
    %dma_wait3A_1006 = tpu.memref_squeeze %dma_wait3A_1005 : memref<1x16x2048xf32, #tpu.memory_space<vmem>> -> memref<16x2048xf32, #tpu.memory_space<vmem>>
    %dma_wait3A_1007 = arith.constant 0 : i32
    %dma_wait3A_1008 = tpu.memref_slice %arg4[%add3A_880, %dma_wait3A_1001, %dma_wait3A_1007] : memref<8192x1x2048xf32, #tpu.memory_space<hbm>> -> memref<16x1x2048xf32, #tpu.memory_space<hbm>>
    %dma_wait3A_1009 = tpu.memref_squeeze %dma_wait3A_1008 : memref<16x1x2048xf32, #tpu.memory_space<hbm>> -> memref<16x2048xf32, #tpu.memory_space<hbm>>
    %dma_wait3A_1010 = tpu.memref_slice %arg8[%dma_wait3A_1002] : memref<3x!tpu.dma_semaphore, #tpu.memory_space<semaphore_mem>> -> memref<1x!tpu.dma_semaphore, #tpu.memory_space<semaphore_mem>>
    %dma_wait3A_1011 = tpu.memref_squeeze %dma_wait3A_1010 : memref<1x!tpu.dma_semaphore, #tpu.memory_space<semaphore_mem>> -> memref<!tpu.dma_semaphore, #tpu.memory_space<semaphore_mem>>
    %dma_wait3A_1012 = arith.constant 0 : i32
    %dma_wait3A_1013 = tpu.memref_slice %arg4[%add3A_880, %dma_wait3A_1001, %dma_wait3A_1012] : memref<8192x1x2048xf32, #tpu.memory_space<hbm>> -> memref<16x1x2048xf32, #tpu.memory_space<hbm>>
    %dma_wait3A_1014 = tpu.memref_squeeze %dma_wait3A_1013 : memref<16x1x2048xf32, #tpu.memory_space<hbm>> -> memref<16x2048xf32, #tpu.memory_space<hbm>>
    %dma_wait3A_1015 = arith.constant 0 : i32
    %dma_wait3A_1016 = arith.constant 0 : i32
    %dma_wait3A_1017 = tpu.memref_slice %arg6[%dma_wait3A_1000, %dma_wait3A_1015, %dma_wait3A_1016] : memref<3x16x2048xf32, #tpu.memory_space<vmem>> -> memref<1x16x2048xf32, #tpu.memory_space<vmem>>
    %dma_wait3A_1018 = tpu.memref_squeeze %dma_wait3A_1017 : memref<1x16x2048xf32, #tpu.memory_space<vmem>> -> memref<16x2048xf32, #tpu.memory_space<vmem>>
    tpu.wait_dma2 semaphore(%dma_wait3A_1011 : memref<!tpu.dma_semaphore, #tpu.memory_space<semaphore_mem>>) src(%dma_wait3A_1018 : memref<16x2048xf32, #tpu.memory_space<vmem>>) dst(%dma_wait3A_1014 : memref<16x2048xf32, #tpu.memory_space<hbm>>)
    %dma_wait3A_1019 = arith.constant 2 : i32
    %dma_wait3A_1020 = arith.constant 0 : i32
    %dma_wait3A_1021 = arith.constant 2 : i32
    %dma_wait3A_1022 = arith.constant 0 : i32
    %dma_wait3A_1023 = arith.constant 0 : i32
    %dma_wait3A_1024 = tpu.memref_slice %arg6[%dma_wait3A_1019, %dma_wait3A_1022, %dma_wait3A_1023] : memref<3x16x2048xf32, #tpu.memory_space<vmem>> -> memref<1x16x2048xf32, #tpu.memory_space<vmem>>
    %dma_wait3A_1025 = tpu.memref_squeeze %dma_wait3A_1024 : memref<1x16x2048xf32, #tpu.memory_space<vmem>> -> memref<16x2048xf32, #tpu.memory_space<vmem>>
    %dma_wait3A_1026 = arith.constant 0 : i32
    %dma_wait3A_1027 = tpu.memref_slice %arg4[%add3A_946, %dma_wait3A_1020, %dma_wait3A_1026] : memref<8192x1x2048xf32, #tpu.memory_space<hbm>> -> memref<16x1x2048xf32, #tpu.memory_space<hbm>>
    %dma_wait3A_1028 = tpu.memref_squeeze %dma_wait3A_1027 : memref<16x1x2048xf32, #tpu.memory_space<hbm>> -> memref<16x2048xf32, #tpu.memory_space<hbm>>
    %dma_wait3A_1029 = tpu.memref_slice %arg8[%dma_wait3A_1021] : memref<3x!tpu.dma_semaphore, #tpu.memory_space<semaphore_mem>> -> memref<1x!tpu.dma_semaphore, #tpu.memory_space<semaphore_mem>>
    %dma_wait3A_1030 = tpu.memref_squeeze %dma_wait3A_1029 : memref<1x!tpu.dma_semaphore, #tpu.memory_space<semaphore_mem>> -> memref<!tpu.dma_semaphore, #tpu.memory_space<semaphore_mem>>
    %dma_wait3A_1031 = arith.constant 0 : i32
    %dma_wait3A_1032 = tpu.memref_slice %arg4[%add3A_946, %dma_wait3A_1020, %dma_wait3A_1031] : memref<8192x1x2048xf32, #tpu.memory_space<hbm>> -> memref<16x1x2048xf32, #tpu.memory_space<hbm>>
    %dma_wait3A_1033 = tpu.memref_squeeze %dma_wait3A_1032 : memref<16x1x2048xf32, #tpu.memory_space<hbm>> -> memref<16x2048xf32, #tpu.memory_space<hbm>>
    %dma_wait3A_1034 = arith.constant 0 : i32
    %dma_wait3A_1035 = arith.constant 0 : i32
    %dma_wait3A_1036 = tpu.memref_slice %arg6[%dma_wait3A_1019, %dma_wait3A_1034, %dma_wait3A_1035] : memref<3x16x2048xf32, #tpu.memory_space<vmem>> -> memref<1x16x2048xf32, #tpu.memory_space<vmem>>
    %dma_wait3A_1037 = tpu.memref_squeeze %dma_wait3A_1036 : memref<1x16x2048xf32, #tpu.memory_space<vmem>> -> memref<16x2048xf32, #tpu.memory_space<vmem>>
    tpu.wait_dma2 semaphore(%dma_wait3A_1030 : memref<!tpu.dma_semaphore, #tpu.memory_space<semaphore_mem>>) src(%dma_wait3A_1037 : memref<16x2048xf32, #tpu.memory_space<vmem>>) dst(%dma_wait3A_1033 : memref<16x2048xf32, #tpu.memory_space<hbm>>)
    %dma_wait3A_1038 = arith.constant 0 : i32
    %dma_wait3A_1039 = arith.constant 0 : i32
    %dma_wait3A_1040 = arith.constant 0 : i32
    %dma_wait3A_1041 = arith.constant 0 : i32
    %dma_wait3A_1042 = arith.constant 0 : i32
    %dma_wait3A_1043 = tpu.memref_slice %arg6[%dma_wait3A_1038, %dma_wait3A_1041, %dma_wait3A_1042] : memref<3x16x2048xf32, #tpu.memory_space<vmem>> -> memref<1x16x2048xf32, #tpu.memory_space<vmem>>
    %dma_wait3A_1044 = tpu.memref_squeeze %dma_wait3A_1043 : memref<1x16x2048xf32, #tpu.memory_space<vmem>> -> memref<16x2048xf32, #tpu.memory_space<vmem>>
    %dma_wait3A_1045 = arith.constant 0 : i32
    %dma_wait3A_1046 = tpu.memref_slice %arg4[%add3A_980, %dma_wait3A_1039, %dma_wait3A_1045] : memref<8192x1x2048xf32, #tpu.memory_space<hbm>> -> memref<16x1x2048xf32, #tpu.memory_space<hbm>>
    %dma_wait3A_1047 = tpu.memref_squeeze %dma_wait3A_1046 : memref<16x1x2048xf32, #tpu.memory_space<hbm>> -> memref<16x2048xf32, #tpu.memory_space<hbm>>
    %dma_wait3A_1048 = tpu.memref_slice %arg8[%dma_wait3A_1040] : memref<3x!tpu.dma_semaphore, #tpu.memory_space<semaphore_mem>> -> memref<1x!tpu.dma_semaphore, #tpu.memory_space<semaphore_mem>>
    %dma_wait3A_1049 = tpu.memref_squeeze %dma_wait3A_1048 : memref<1x!tpu.dma_semaphore, #tpu.memory_space<semaphore_mem>> -> memref<!tpu.dma_semaphore, #tpu.memory_space<semaphore_mem>>
    %dma_wait3A_1050 = arith.constant 0 : i32
    %dma_wait3A_1051 = tpu.memref_slice %arg4[%add3A_980, %dma_wait3A_1039, %dma_wait3A_1050] : memref<8192x1x2048xf32, #tpu.memory_space<hbm>> -> memref<16x1x2048xf32, #tpu.memory_space<hbm>>
    %dma_wait3A_1052 = tpu.memref_squeeze %dma_wait3A_1051 : memref<16x1x2048xf32, #tpu.memory_space<hbm>> -> memref<16x2048xf32, #tpu.memory_space<hbm>>
    %dma_wait3A_1053 = arith.constant 0 : i32
    %dma_wait3A_1054 = arith.constant 0 : i32
    %dma_wait3A_1055 = tpu.memref_slice %arg6[%dma_wait3A_1038, %dma_wait3A_1053, %dma_wait3A_1054] : memref<3x16x2048xf32, #tpu.memory_space<vmem>> -> memref<1x16x2048xf32, #tpu.memory_space<vmem>>
    %dma_wait3A_1056 = tpu.memref_squeeze %dma_wait3A_1055 : memref<1x16x2048xf32, #tpu.memory_space<vmem>> -> memref<16x2048xf32, #tpu.memory_space<vmem>>
    tpu.wait_dma2 semaphore(%dma_wait3A_1049 : memref<!tpu.dma_semaphore, #tpu.memory_space<semaphore_mem>>) src(%dma_wait3A_1056 : memref<16x2048xf32, #tpu.memory_space<vmem>>) dst(%dma_wait3A_1052 : memref<16x2048xf32, #tpu.memory_space<hbm>>)
    return
  }
}

</mosaic_0001>

<sc_bundles>
// kernel: kernel.3.cloned.1.call-start
scs
__scs_entry_jumppad:
0x0: {  	(pc) =	sbr.rel $0x88, $3  }
0x1: {  	(tag) =	ssettag $0x0;
	lr =	simm.s32 $0x1  }
0x2: {  	[smem:$0x3F9F] =	sst lr;
	_ =	strace $0xD0000000  }
0x3: {  	_ = 	snop  }
0x4: {  	_ = 	snop  }
0x5: {  	_ = 	snop  }
0x6: {  	_ = 	snop  }
0x7: {  	_ = 	snop  }
__scs_overlays_trampoline_lowered:
0x8: {  	[smem:$0x3FAE] =	sst s0  }
0x9: {  	[smem:$0x3FAF] =	sst s1  }
0xa: {  	[smem:$0x3FB0] =	sst s2  }
0xb: {  	[smem:$0x3FB1] =	sst s3  }
0xc: {  	[smem:$0x3FB2] =	sst s4  }
0xd: {  	[smem:$0x3FB3] =	sst s5  }
0xe: {  	[smem:$0x3FB4] =	sst s6  }
0xf: {  	[smem:$0x3FB5] =	sst s7  }
0x10: {  	[smem:$0x3FB6] =	sst s8  }
0x11: {  	[smem:$0x3FB7] =	sst s9;
	s0 =	simm.s32 @!p0 $0x0  }
0x12: {  	s1 =	sld [smem:$0x3F9D];
	s0 =	simm.s32 @p0 $0x1  }
0x13: {  	[smem:$0x3FB8] =	sst s0;
	s0 =	simm.s32 @!p1 $0x0  }
0x14: {  	s2 =	sld [smem:$0x3F9C];
	s0 =	simm.s32 @p1 $0x1  }
0x15: {  	[smem:$0x3FB9] =	sst s0;
	s0 =	simm.s32 @!p2 $0x0  }
0x16: {  	s3 =	sld [smem:$0x3FDB];
	s0 =	simm.s32 @p2 $0x1  }
0x17: {  	s4 =	simm.s32 $0x1BF5;
	[smem:$0x3FBB] =	sst s0  }
0x18: {  	s0 =	sld [smem:$0x3F9E];
	_ =	swait.ge [sflag:s4], $0x0  }
0x19: {  	s7 =	sld [smem:$0x3F9F]  }
0x1a: {  	s8 =	sadd.s32 $0xFFFFE003, lr  }
0x1b: {  	s9 =	sadd.s32 $0xFFFFFEF7, lr;
	s5 =	simm.s32 $0xFFFFFFFF;
	p2 =	slt.u32 s8, $0xFFFFF086  }
0x1c: {  	p1 =	slt.u32 s9, $0xF7A;
	s5 =	simm.s32 @!p2 $0x0  }
0x1d: {  	s5 =	simm.s32 @p1 $0x1;
	p0 =	seq.s32 s7, s2  }
0x1e: {  	s7 =	smul.u32 @!p0 $0xF7A, s2;
	p2 =	seq.s32 @!p0 s5, $0x0  }
0x1f: {  	s9 =	smul.u32 $0xF7A, s1;
	s8 =	simm.s32 @!p0 $0x1BF5;
	p2 =	por !p2, p0  }
0x20: {  	[sflag:s8] =	ssyncset.s32 @!p0 $0xFFFFF086;
	s6 =	sadd.s32 @!p0 s3, s7;
	s7 =	simm.s32 @!p0 $0x108  }
0x21: {  	s3 =	sadd.s32 s3, s9;
	s6 =	sadd.s32 @!p0 $0x88, s6;
	s7 =	simm.s32 @p2 $0x1082  }
0x22: {  	[simem:s7], [sflag:s8] =	dma.local @!p0 [hbm:s6], $0xF7A  }
0x23: {  	s9 =	sor.u32 $0xD0000000, s2;
	s6 =	simm.s32 $0x108;
	_ =	swait.ge @!p0 [sflag:s8], $0x0  }
0x24: {  	s3 =	sadd.s32 $0x88, s3;
	s6 =	simm.s32 @!p1 $0x1082;
	[sflag:s4] =	ssyncset.s32 $0xFFFFF086  }
0x25: {  	[simem:s6], [sflag:s4] =	dma.local [hbm:s3], $0xF7A  }
0x26: {  	[smem:$0x3F9F] =	sst s1;
	(tag) =	ssettag s2;
	_ =	strace s9  }
0x27: {  	s1 =	sld [smem:$0x3FAF]  }
0x28: {  	s2 =	sld [smem:$0x3FB0]  }
0x29: {  	s4 =	sld [smem:$0x3FB2]  }
0x2a: {  	p0 =	seq.s32 s5, $0x0;
	s5 =	sld [smem:$0x3FB3]  }
0x2b: {  	s6 =	sld [smem:$0x3FB4]  }
0x2c: {  	s7 =	sld [smem:$0x3FB5]  }
0x2d: {  	s3 =	simm.s32 $0x108;
	s8 =	sld [smem:$0x3FB6]  }
0x2e: {  	s3 =	simm.s32 @!p0 $0x1082;
	s9 =	sld [smem:$0x3FB7]  }
0x2f: {  	lr =	sadd.s32 s0, s3;
	s0 =	sld [smem:$0x3FAE]  }
0x30: {  	s3 =	sld [smem:$0x3FB1]  }
0x31: {  	[smem:$0x3FBA] =	sst s10  }
0x32: {  	s10 =	sld [smem:$0x3FB8];
	_ =	sdelay $0x3  }
0x33: {  	p0 =	seq.s32 s10, $0x1;
	s10 =	sld [smem:$0x3FBA];
	_ =	sdelay $0x3  }
0x34: {  	[smem:$0x3FBA] =	sst s10  }
0x35: {  	s10 =	sld [smem:$0x3FB9];
	_ =	sdelay $0x3  }
0x36: {  	p1 =	seq.s32 s10, $0x1;
	s10 =	sld [smem:$0x3FBA];
	_ =	sdelay $0x3  }
0x37: {  	[smem:$0x3FBA] =	sst s10  }
0x38: {  	s10 =	sld [smem:$0x3FBB]  }
0x39: {  	_ = 	snop;
	(pc) =	sbr.ind lr, $3  }
0x3a: {  	_ = 	snop  }
0x3b: {  	_ = 	snop  }
0x3c: {  	p2 =	seq.s32 s10, $0x1;
	s10 =	sld [smem:$0x3FBA]  }
0x3d: {  	_ =	shalt  }
0x3e: {  	_ =	shalt  }
0x3f: {  	_ =	shalt  }
0x40: {  	_ =	shalt  }
0x41: {  	_ =	shalt  }
0x42: {  	_ =	shalt  }
0x43: {  	_ =	shalt  }
0x44: {  	_ =	shalt  }
0x45: {  	_ =	shalt  }
0x46: {  	_ =	shalt  }
0x47: {  	_ =	shalt  }
0x48: {  	_ =	shalt  }
0x49: {  	_ =	shalt  }
0x4a: {  	_ =	shalt  }
0x4b: {  	_ =	shalt  }
0x4c: {  	_ =	shalt  }
0x4d: {  	_ =	shalt  }
0x4e: {  	_ =	shalt  }
0x4f: {  	_ =	shalt  }
0x50: {  	_ =	shalt  }
0x51: {  	_ =	shalt  }
0x52: {  	_ =	shalt  }
0x53: {  	_ =	shalt  }
0x54: {  	_ =	shalt  }
0x55: {  	_ =	shalt  }
0x56: {  	_ =	shalt  }
0x57: {  	_ =	shalt  }
0x58: {  	_ =	shalt  }
0x59: {  	_ =	shalt  }
0x5a: {  	_ =	shalt  }
0x5b: {  	_ =	shalt  }
0x5c: {  	_ =	shalt  }
0x5d: {  	_ =	shalt  }
0x5e: {  	_ =	shalt  }
0x5f: {  	_ =	shalt  }
0x60: {  	_ =	shalt  }
0x61: {  	_ =	shalt  }
0x62: {  	_ =	shalt  }
0x63: {  	_ =	shalt  }
0x64: {  	_ =	shalt  }
0x65: {  	_ =	shalt  }
0x66: {  	_ =	shalt  }
0x67: {  	_ =	shalt  }
0x68: {  	_ =	shalt  }
0x69: {  	_ =	shalt  }
0x6a: {  	_ =	shalt  }
0x6b: {  	_ =	shalt  }
0x6c: {  	_ =	shalt  }
0x6d: {  	_ =	shalt  }
0x6e: {  	_ =	shalt  }
0x6f: {  	_ =	shalt  }
0x70: {  	_ =	shalt  }
0x71: {  	_ =	shalt  }
0x72: {  	_ =	shalt  }
0x73: {  	_ =	shalt  }
0x74: {  	_ =	shalt  }
0x75: {  	_ =	shalt  }
0x76: {  	_ =	shalt  }
0x77: {  	_ =	shalt  }
0x78: {  	_ =	shalt  }
0x79: {  	_ =	shalt  }
0x7a: {  	_ =	shalt  }
0x7b: {  	_ =	shalt  }
0x7c: {  	_ =	shalt  }
0x7d: {  	_ =	shalt  }
0x7e: {  	_ =	shalt  }
0x7f: {  	_ =	shalt  }
0x80: {  	_ =	shalt  }
0x81: {  	_ =	shalt  }
0x82: {  	_ =	shalt  }
0x83: {  	_ =	shalt  }
0x84: {  	_ =	shalt  }
0x85: {  	_ =	shalt  }
0x86: {  	_ =	shalt  }
0x87: {  	_ =	shalt  }
.Lfunc_end0:
.L_simem_size_0:
called_computation_lowered:
.L_overlay_start_0:
0x88: {  	s2 =	sld [smem:$0x3FD9]  }
0x89: {  	s3 =	sld [smem:$0x3FFE];
	_ =	sdelay $0x1  }
0x8a: {  	s1 =	srdreg.scid  }
0x8b: {  	s0 =	sand.u32 $0x1, s1  }
0x8c: {  	s18 =	sshll.u32 s0, $0xA;
	s2 =	sadd.s32 s3, s2  }
0x8d: {  	s2 =	sadd.s32 s2, s18  }
0x8e: {  	[smem:$0x3FC6] =	sst s2  }
0x8f: {  	_ = 	snop  }
0x90: {  	s2 =	sld [smem:$0x3FC9]  }
0x91: {  	s19 =	sld [smem:$0x3FC8]  }
0x92: {  	s4 =	sld [smem:$0x3FD0];
	(tm) =	ssettm $0x1  }
0x93: {  	s5 =	sld [smem:$0x3FFB];
	_ =	sdelay $0x3  }
0x94: {  	_ =	strace s5  }
0x95: {  	s5 =	sld [smem:$0x3FFC];
	_ =	sdelay $0x3  }
0x96: {  	_ =	strace s5  }
0x97: {  	s5 =	sld [smem:$0x3FFD];
	_ =	sdelay $0x3  }
0x98: {  	_ =	strace s5  }
0x99: {  	_ =	strace $0x8FFFFFFF  }
0x9a: {  	s20 =	sld [smem:$0x3FDB];
	_ =	sdelay $0x1  }
0x9b: {  	s6 =	simm.s32 $_scs_section_size  }
0x9c: {  	s7 =	simm.s32 $_size__tile_overlayer_lowered;
	s8 =	simm.s32 $_tile_overlayer_lowered  }
0x9d: {  	s23 =	simm.s32 $0x1BFF;
	s22 =	sshll.u32 s8, $0x1;
	s5 =	sadd.s32 s6, s20  }
0x9e: {  	s9 =	simm.s32 $0x0;
	s21 =	sshll.u32 s7, $0x1;
	s7 =	sadd.s32 s22, s5  }
0x9f: {  	[timem:s9], [sflag:s23] =	dma.local [hbm:s7], s21  }
0xa0: {  	_ =	swait.ge [sflag:s23], s21  }
0xa1: {  	s6 =	ssub.s32 $0x0, s21;
	[sflag:s23] =	ssyncset.done $0x0  }
0xa2: {  	[sflag:s23] =	ssyncadd.s32 s6;
	_ =	sdelay $0x1  }
0xa3: {  	s24 =	simm.s32 $0x1B8B  }
0xa4: {  	_ =	swait.ge [sflag:s24], $0x1  }
0xa5: {  	[sflag:s24] =	ssyncset.done $0x0  }
0xa6: {  	s25 =	simm.s32 $0x1B8E;
	[sflag:s24] =	ssyncadd.s32 $0xFFFFFFFF  }
0xa7: {  	s26 =	simm.s32 $execute0_lowered;
	[smem:$0x3FD2] =	sst s25  }
0xa8: {  	s6 =	sshll.u32 s26, $0x1;
	_ =	strace $0x80000046;
	[dreg:$0x1] =	wrdreg $0xFFFFFFFF  }
0xa9: {  	s28 =	simm.s32 $_size_execute0_lowered;
	s5 =	sadd.s32 s5, s6;
	[dreg:$0x0] =	wrdreg $0x0  }
0xaa: {  	s6 =	sshll.u32 s28, $0x1;
	[dreg:$0x2] =	wrdreg s5  }
0xab: {  	[dreg:$0x3] =	wrdreg s6  }
0xac: {  	[dreg:$0x4] =	wrdreg $0xC0  }
0xad: {  	_ =	task [dreg:s9], $0x5FFFF  }
0xae: {  	[dreg:$0x1] =	wrdreg $0xFFFFFFFF  }
0xaf: {  	[dreg:$0x0] =	wrdreg $0x60  }
0xb0: {  	[dreg:$0x2] =	wrdreg s2  }
0xb1: {  	[dreg:$0x3] =	wrdreg s19  }
0xb2: {  	[dreg:$0x4] =	wrdreg s4  }
0xb3: {  	[dreg:$0x5] =	wrdreg $0x9  }
0xb4: {  	_ =	task.clear_ibuf [dreg:s9], $0x6FFFF;
	_ =	strace $0x90000046  }
0xb5: {  	s29 =	simm.s32 $0x9;
	_ =	strace $0x80000048  }
0xb6: {  	_ =	swait.ge [sflag:s29], $0x1  }
0xb7: {  	[sflag:s29] =	ssyncadd.s32 $0xFFFFFFFF  }
0xb8: {  	_ =	strace $0x90000048  }
0xb9: {  	_ =	sfence  }
0xba: {  	s30 =	sld [smem:$0x0];
	_ =	sdelay $0x2  }
0xbb: {  	s31 =	sshll.u32 s1, $0xD;
	s1 =	sshrl.u32 s1, $0x2  }
0xbc: {  	s3 =	sand.u32 $0x4000, s31;
	s1 =	sadd.s32 s1, s30  }
0xbd: {  	s0 =	sor.u32 s3, s0;
	s1 =	sshll.u32 s1, $0x11  }
0xbe: {  	s0 =	sor.u32 s1, s0  }
0xbf: {  	s0 =	sadd.s32 $0x8F2B, s0  }
0xc0: {  	[sflag:s0] =	ssyncadd.remote.s32 $0x1  }
0xc1: {  	_ =	sfence.sel $0xFFFF  }
0xc2: {  	[dreg:$0x0] =	wrdreg $0xFFFFFFFF;
	(pc) =	sbr.abs _section_cstart, $3  }
0xc3: {  	[dreg:$0x1] =	wrdreg $0xFFFFFFFF  }
0xc4: {  	_ =	task.clear_ibuf [dreg:s9], $0x2FFFF;
	_ =	strace $0x9FFFFFFF  }
0xc5: {  	(tm) =	ssettm $0x7FFFFFFF  }
tec
execute0_lowered:
.L_overlay_start_1:
0x0: {  	(tag) =	ssettag $0x1  }
0x1: {  	s0 =	rddreg [dreg:$0x0]  }
0x2: {  	s1 =	rddreg [dreg:$0x1]  }
0x3: {  	s2 =	rddreg [dreg:$0x2];
	s4 =	srdreg.scid;
	s3 =	simm.s32 $0x0  }
0x4: {  	s6 =	stileid.u32;
	s30 =	simm.s32 $0x80;
	s31 =	simm.s32 $0x800  }
0x5: {  	s4 =	sand.u32 $0x1, s4;
	s6 =	sshll.u32 s6, $0x9;
	[smem:$0x7FF] =	sst s3  }
0x6: {  	s8 =	sadd.s32 $0x400, s1;
	s9 =	sadd.s32 $0x500, s1;
	s10 =	sadd.s32 $0x600, s1  }
0x7: {  	s12 =	sadd.s32 $0x700, s1;
	s5 =	ssub.s32 $0x2, s4;
	s4 =	sshll.u32 s4, $0x8  }
0x8: {  	_ =	strace $0x80000047;
	s7 =	sshrl.u32 s5, $0x1;
	s4 =	sor.u32 s4, s6  }
0x9: {  	s6 =	sadd.s32 $0x200, s1;
	s25 =	ssub.s32 s5, s7;
	s23 =	sshrl.u32 s4, $0x3  }
0xa: {  	s5 =	sadd.s32 $0x100, s1;
	s7 =	sadd.s32 $0x300, s1;
	s24 =	sshll.u32 s4, $0x8  }
0xb: {  	s4 =	simm.s32 $0x0;
	s0 =	sadd.s32 s0, s23;
	s11 =	sadd.s32 s2, s24  }
0xc: {  	s26 =	smax.u32 s25, $0x1;
	[dreg:$0x4] =	wrdreg s0;
	s13 =	sadd.s32 $0x1000, s11  }
0xd: {  	s14 =	sadd.s32 $0x2000, s11;
	s15 =	sadd.s32 $0x3000, s11;
	s16 =	sadd.s32 $0x4000, s11  }
0xe: {  	s17 =	sadd.s32 $0x5000, s11;
	s18 =	sadd.s32 $0x6000, s11;
	s19 =	sadd.s32 $0x7000, s11  }
0xf: {  	v2 =	vlaneseq.u32;
	s20 =	sadd.s32 $0x8000, s11;
	s21 =	sadd.s32 $0x9000, s11;
	s22 =	sadd.s32 $0xA000, s11  }
0x10: {  	vm0 =	vmmov $0xffff;
	v1 =	vshrl.u32 v2, $0x3;
	s23 =	sadd.s32 $0xB000, s11;
	s24 =	sadd.s32 $0xC000, s11;
	[dreg:$0x5] =	wrdreg s26  }
0x11: {  	v0 =	vand.u32 $0x7, v2;
	v2 =	vor.u32 $0x8, v2;
	v1 =	vmul.u32 $0x8, v1;
	s26 =	sadd.s32 $0xD000, s11;
	s28 =	sadd.s32 $0xE000, s11;
	s29 =	sadd.s32 $0xF000, s11  }
.LBB2_1:
0x12: {  	[dreg:$0x6] =	wrdreg s4  }
0x13: {  	s0 =	rddreg [dreg:$0x4];
	s25 =	simm.s32 $0x7  }
0x14: {  	[tilespmem:s3], [sflag:$0x7] =	stream.linear.gather [hbm4b:s0+s3], $0x100, $0x38;
	[tilespmem:$0x18100] =	vst v63  }
0x15: {  	_ =	swait.ge [sflag:s25], $0x100  }
0x16: {  	[sflag:s25] =	ssyncset.done $0x0  }
0x17: {  	[sflag:s25] =	ssyncadd.s32 $0xFFFFFF00  }
0x18: {  	v3 =	vld [tilespmem:$0x0];
	_ =	sdelay $0x4  }
0x19: {  	v4 =	vshll.u32 v3, $0x4  }
0x1a: {  	v3 =	vand.u32 $0x7, v3;
	v4 =	vand.u32 $0xFFFFFF80, v4  }
0x1b: {  	v3 =	vor.u32 v3, v4  }
0x1c: {  	v4 =	vperm.xlane v3, v0;
	_ =	sdelay $0x1  }
0x1d: {  	v4 =	vadd.s32 v1, v4;
	_ =	sdelay $0x3  }
0x1e: {  	s2 =	simm.s32 $0x100  }
0x1f: {  	[tilespmem:s2], [sflag:$0x1] =	stream.indirect_vreg.gather [hbm4b:s1+s3], $0x80, v4, vm0, $0xb8;
	[tilespmem:$0x18100] =	vst v63  }
0x20: {  	s4 =	simm.s32 $0x900  }
0x21: {  	[tilespmem:s4], [sflag:$0x1] =	stream.indirect_vreg.gather [hbm4b:s5+s3], $0x80, v4, vm0, $0xb8;
	[tilespmem:$0x18100] =	vst v63  }
0x22: {  	s25 =	simm.s32 $0x1100  }
0x23: {  	[tilespmem:s25], [sflag:$0x1] =	stream.indirect_vreg.gather [hbm4b:s6+s3], $0x80, v4, vm0, $0xb8;
	[tilespmem:$0x18100] =	vst v63  }
0x24: {  	s2 =	simm.s32 $0x1900  }
0x25: {  	[tilespmem:s2], [sflag:$0x1] =	stream.indirect_vreg.gather [hbm4b:s7+s3], $0x80, v4, vm0, $0xb8;
	[tilespmem:$0x18100] =	vst v63  }
0x26: {  	s4 =	simm.s32 $0x2100  }
0x27: {  	[tilespmem:s4], [sflag:$0x1] =	stream.indirect_vreg.gather [hbm4b:s8+s3], $0x80, v4, vm0, $0xb8;
	[tilespmem:$0x18100] =	vst v63  }
0x28: {  	v3 =	vperm.xlane v3, v2;
	s25 =	simm.s32 $0x2900  }
0x29: {  	[tilespmem:s25], [sflag:$0x1] =	stream.indirect_vreg.gather [hbm4b:s9+s3], $0x80, v4, vm0, $0xb8;
	[tilespmem:$0x18100] =	vst v63  }
0x2a: {  	v3 =	vadd.s32 v1, v3;
	s2 =	simm.s32 $0x3100  }
0x2b: {  	[tilespmem:s2], [sflag:$0x1] =	stream.indirect_vreg.gather [hbm4b:s10+s3], $0x80, v4, vm0, $0xb8;
	[tilespmem:$0x18100] =	vst v63  }
0x2c: {  	s4 =	simm.s32 $0x3900  }
0x2d: {  	[tilespmem:s4], [sflag:$0x1] =	stream.indirect_vreg.gather [hbm4b:s12+s3], $0x80, v4, vm0, $0xb8;
	[tilespmem:$0x18100] =	vst v63  }
0x2e: {  	s25 =	simm.s32 $0x4100  }
0x2f: {  	[tilespmem:s25], [sflag:$0x1] =	stream.indirect_vreg.gather [hbm4b:s1+s3], $0x80, v3, vm0, $0xb8;
	[tilespmem:$0x18100] =	vst v63  }
0x30: {  	s2 =	simm.s32 $0x4900  }
0x31: {  	[tilespmem:s2], [sflag:$0x1] =	stream.indirect_vreg.gather [hbm4b:s5+s3], $0x80, v3, vm0, $0xb8;
	[tilespmem:$0x18100] =	vst v63  }
0x32: {  	s4 =	simm.s32 $0x5100  }
0x33: {  	[tilespmem:s4], [sflag:$0x1] =	stream.indirect_vreg.gather [hbm4b:s6+s3], $0x80, v3, vm0, $0xb8;
	[tilespmem:$0x18100] =	vst v63  }
0x34: {  	s25 =	simm.s32 $0x5900  }
0x35: {  	[tilespmem:s25], [sflag:$0x1] =	stream.indirect_vreg.gather [hbm4b:s7+s3], $0x80, v3, vm0, $0xb8;
	[tilespmem:$0x18100] =	vst v63  }
0x36: {  	s2 =	simm.s32 $0x6100  }
0x37: {  	[tilespmem:s2], [sflag:$0x1] =	stream.indirect_vreg.gather [hbm4b:s8+s3], $0x80, v3, vm0, $0xb8;
	[tilespmem:$0x18100] =	vst v63  }
0x38: {  	s4 =	simm.s32 $0x6900  }
0x39: {  	[tilespmem:s4], [sflag:$0x1] =	stream.indirect_vreg.gather [hbm4b:s9+s3], $0x80, v3, vm0, $0xb8;
	[tilespmem:$0x18100] =	vst v63  }
0x3a: {  	s25 =	simm.s32 $0x7100  }
0x3b: {  	[tilespmem:s25], [sflag:$0x1] =	stream.indirect_vreg.gather [hbm4b:s10+s3], $0x80, v3, vm0, $0xb8;
	[tilespmem:$0x18100] =	vst v63  }
0x3c: {  	s2 =	simm.s32 $0x7900  }
0x3d: {  	[tilespmem:s2], [sflag:$0x1] =	stream.indirect_vreg.gather [hbm4b:s12+s3], $0x80, v3, vm0, $0xb8;
	[tilespmem:$0x18100] =	vst v63  }
0x3e: {  	v3 =	vld [tilespmem:$0x10];
	_ =	sdelay $0x4  }
0x3f: {  	v63 =	vshll.u32 v3, $0x4  }
0x40: {  	v3 =	vand.u32 $0x7, v3;
	v4 =	vand.u32 $0xFFFFFF80, v63  }
0x41: {  	v3 =	vor.u32 v3, v4  }
0x42: {  	v4 =	vperm.xlane v3, v0;
	_ =	sdelay $0x1  }
0x43: {  	v4 =	vadd.s32 v1, v4;
	_ =	sdelay $0x3  }
0x44: {  	s4 =	simm.s32 $0x8100  }
0x45: {  	[tilespmem:s4], [sflag:$0x2] =	stream.indirect_vreg.gather [hbm4b:s1+s3], $0x80, v4, vm0, $0xb8;
	[tilespmem:$0x18100] =	vst v63  }
0x46: {  	s25 =	simm.s32 $0x8900  }
0x47: {  	[tilespmem:s25], [sflag:$0x2] =	stream.indirect_vreg.gather [hbm4b:s5+s3], $0x80, v4, vm0, $0xb8;
	[tilespmem:$0x18100] =	vst v63  }
0x48: {  	s2 =	simm.s32 $0x9100  }
0x49: {  	[tilespmem:s2], [sflag:$0x2] =	stream.indirect_vreg.gather [hbm4b:s6+s3], $0x80, v4, vm0, $0xb8;
	[tilespmem:$0x18100] =	vst v63  }
0x4a: {  	s4 =	simm.s32 $0x9900  }
0x4b: {  	[tilespmem:s4], [sflag:$0x2] =	stream.indirect_vreg.gather [hbm4b:s7+s3], $0x80, v4, vm0, $0xb8;
	[tilespmem:$0x18100] =	vst v63  }
0x4c: {  	s25 =	simm.s32 $0xA100  }
0x4d: {  	[tilespmem:s25], [sflag:$0x2] =	stream.indirect_vreg.gather [hbm4b:s8+s3], $0x80, v4, vm0, $0xb8;
	[tilespmem:$0x18100] =	vst v63  }
0x4e: {  	v3 =	vperm.xlane v3, v2;
	s2 =	simm.s32 $0xA900  }
0x4f: {  	[tilespmem:s2], [sflag:$0x2] =	stream.indirect_vreg.gather [hbm4b:s9+s3], $0x80, v4, vm0, $0xb8;
	[tilespmem:$0x18100] =	vst v63  }
0x50: {  	v3 =	vadd.s32 v1, v3;
	s4 =	simm.s32 $0xB100  }
0x51: {  	[tilespmem:s4], [sflag:$0x2] =	stream.indirect_vreg.gather [hbm4b:s10+s3], $0x80, v4, vm0, $0xb8;
	[tilespmem:$0x18100] =	vst v63  }
0x52: {  	s25 =	simm.s32 $0xB900  }
0x53: {  	[tilespmem:s25], [sflag:$0x2] =	stream.indirect_vreg.gather [hbm4b:s12+s3], $0x80, v4, vm0, $0xb8;
	[tilespmem:$0x18100] =	vst v63  }
0x54: {  	s2 =	simm.s32 $0xC100  }
0x55: {  	[tilespmem:s2], [sflag:$0x2] =	stream.indirect_vreg.gather [hbm4b:s1+s3], $0x80, v3, vm0, $0xb8;
	[tilespmem:$0x18100] =	vst v63  }
0x56: {  	s4 =	simm.s32 $0xC900  }
0x57: {  	[tilespmem:s4], [sflag:$0x2] =	stream.indirect_vreg.gather [hbm4b:s5+s3], $0x80, v3, vm0, $0xb8;
	[tilespmem:$0x18100] =	vst v63  }
0x58: {  	s25 =	simm.s32 $0xD100  }
0x59: {  	[tilespmem:s25], [sflag:$0x2] =	stream.indirect_vreg.gather [hbm4b:s6+s3], $0x80, v3, vm0, $0xb8;
	[tilespmem:$0x18100] =	vst v63  }
0x5a: {  	s2 =	simm.s32 $0xD900  }
0x5b: {  	[tilespmem:s2], [sflag:$0x2] =	stream.indirect_vreg.gather [hbm4b:s7+s3], $0x80, v3, vm0, $0xb8;
	[tilespmem:$0x18100] =	vst v63  }
0x5c: {  	s4 =	simm.s32 $0xE100  }
0x5d: {  	[tilespmem:s4], [sflag:$0x2] =	stream.indirect_vreg.gather [hbm4b:s8+s3], $0x80, v3, vm0, $0xb8;
	[tilespmem:$0x18100] =	vst v63  }
0x5e: {  	s25 =	simm.s32 $0xE900  }
0x5f: {  	[tilespmem:s25], [sflag:$0x2] =	stream.indirect_vreg.gather [hbm4b:s9+s3], $0x80, v3, vm0, $0xb8;
	[tilespmem:$0x18100] =	vst v63  }
0x60: {  	s2 =	simm.s32 $0xF100  }
0x61: {  	[tilespmem:s2], [sflag:$0x2] =	stream.indirect_vreg.gather [hbm4b:s10+s3], $0x80, v3, vm0, $0xb8;
	[tilespmem:$0x18100] =	vst v63  }
0x62: {  	s4 =	simm.s32 $0xF900;
	s25 =	simm.s32 $0x1  }
0x63: {  	[tilespmem:s4], [sflag:$0x2] =	stream.indirect_vreg.gather [hbm4b:s12+s3], $0x80, v3, vm0, $0xb8;
	[tilespmem:$0x18100] =	vst v63  }
0x64: {  	_ =	swait.ge [sflag:s25], $0x8000  }
0x65: {  	[sflag:s25] =	ssyncset.done $0x0  }
0x66: {  	p0 =	por $0x1, $0x1;
	s0 =	simm.s32 $0x0;
	[sflag:s25] =	ssyncadd.s32 $0xFFFF8000  }
.LBB2_2:
0x67: {  	s4 =	sshll.u32 s0, $0xE  }
0x68: {  	s2 =	sshll.u32 s0, $0xB;
	s4 =	sand.u32 $0x3FFFC000, s4  }
0x69: {  	s0 =	sadd.s32 s2, s11;
	s25 =	sor.u32 $0x100, s4  }
0x6a: {  	[hbm4b:s0+s30] =	stream.strided.scatter [tilespmem:s25], [sflag:$0x4], $0x400, s31, s30, $0x38;
	[tilespmem:$0x18100] =	vst v63  }
0x6b: {  	s2 =	sadd.s32 $0x10, s0;
	s25 =	sor.u32 $0x500, s4  }
0x6c: {  	[hbm4b:s2+s30] =	stream.strided.scatter [tilespmem:s25], [sflag:$0x4], $0x400, s31, s30, $0x38;
	[tilespmem:$0x18100] =	vst v63  }
0x6d: {  	s2 =	sor.u32 $0x900, s4;
	s25 =	sadd.s32 $0x20, s0  }
0x6e: {  	[hbm4b:s25+s30] =	stream.strided.scatter [tilespmem:s2], [sflag:$0x4], $0x400, s31, s30, $0x38;
	[tilespmem:$0x18100] =	vst v63  }
0x6f: {  	s2 =	sor.u32 $0xD00, s4;
	s25 =	sadd.s32 $0x30, s0  }
0x70: {  	[hbm4b:s25+s30] =	stream.strided.scatter [tilespmem:s2], [sflag:$0x4], $0x400, s31, s30, $0x38;
	[tilespmem:$0x18100] =	vst v63  }
0x71: {  	s2 =	sor.u32 $0x1100, s4;
	s25 =	sadd.s32 $0x40, s0  }
0x72: {  	[hbm4b:s25+s30] =	stream.strided.scatter [tilespmem:s2], [sflag:$0x4], $0x400, s31, s30, $0x38;
	[tilespmem:$0x18100] =	vst v63  }
0x73: {  	s2 =	sor.u32 $0x1500, s4;
	s25 =	sadd.s32 $0x50, s0  }
0x74: {  	[hbm4b:s25+s30] =	stream.strided.scatter [tilespmem:s2], [sflag:$0x4], $0x400, s31, s30, $0x38;
	[tilespmem:$0x18100] =	vst v63  }
0x75: {  	s2 =	sor.u32 $0x1900, s4;
	s25 =	sadd.s32 $0x60, s0  }
0x76: {  	[hbm4b:s25+s30] =	stream.strided.scatter [tilespmem:s2], [sflag:$0x4], $0x400, s31, s30, $0x38;
	[tilespmem:$0x18100] =	vst v63  }
0x77: {  	s2 =	sor.u32 $0x1D00, s4;
	s25 =	sadd.s32 $0x70, s0  }
0x78: {  	[hbm4b:s25+s30] =	stream.strided.scatter [tilespmem:s2], [sflag:$0x4], $0x400, s31, s30, $0x38;
	[tilespmem:$0x18100] =	vst v63  }
0x79: {  	s2 =	sor.u32 $0x2100, s4;
	s25 =	sadd.s32 $0x80, s0  }
0x7a: {  	[hbm4b:s25+s30] =	stream.strided.scatter [tilespmem:s2], [sflag:$0x4], $0x400, s31, s30, $0x38;
	[tilespmem:$0x18100] =	vst v63  }
0x7b: {  	s2 =	sor.u32 $0x2500, s4;
	s25 =	sadd.s32 $0x90, s0  }
0x7c: {  	[hbm4b:s25+s30] =	stream.strided.scatter [tilespmem:s2], [sflag:$0x4], $0x400, s31, s30, $0x38;
	[tilespmem:$0x18100] =	vst v63  }
0x7d: {  	s2 =	sor.u32 $0x2900, s4;
	s25 =	sadd.s32 $0xA0, s0  }
0x7e: {  	[hbm4b:s25+s30] =	stream.strided.scatter [tilespmem:s2], [sflag:$0x4], $0x400, s31, s30, $0x38;
	[tilespmem:$0x18100] =	vst v63  }
0x7f: {  	s2 =	sor.u32 $0x2D00, s4;
	s25 =	sadd.s32 $0xB0, s0  }
0x80: {  	[hbm4b:s25+s30] =	stream.strided.scatter [tilespmem:s2], [sflag:$0x4], $0x400, s31, s30, $0x38;
	[tilespmem:$0x18100] =	vst v63  }
0x81: {  	s2 =	sor.u32 $0x3100, s4;
	s25 =	sadd.s32 $0xC0, s0  }
0x82: {  	[hbm4b:s25+s30] =	stream.strided.scatter [tilespmem:s2], [sflag:$0x4], $0x400, s31, s30, $0x38;
	[tilespmem:$0x18100] =	vst v63  }
0x83: {  	p1 =	por p0, p0;
	s2 =	sor.u32 $0x3500, s4;
	s25 =	sadd.s32 $0xD0, s0  }
0x84: {  	[hbm4b:s25+s30] =	stream.strided.scatter [tilespmem:s2], [sflag:$0x4], $0x400, s31, s30, $0x38;
	[tilespmem:$0x18100] =	vst v63  }
.Ltmp0:
0x85: {  	s2 =	sor.u32 $0x3900, s4;
	s25 =	sadd.s32 $0xE0, s0;
	(pc) =	sbr.rel @p1 .LBB2_2-.Ltmp0, $4  }
0x86: {  	[hbm4b:s25+s30] =	stream.strided.scatter [tilespmem:s2], [sflag:$0x4], $0x400, s31, s30, $0x38;
	[tilespmem:$0x18100] =	vst v63  }
0x87: {  	s0 =	sadd.s32 $0xF0, s0;
	s25 =	sor.u32 $0x3D00, s4  }
0x88: {  	[hbm4b:s0+s30] =	stream.strided.scatter [tilespmem:s25], [sflag:$0x4], $0x400, s31, s30, $0x38;
	[tilespmem:$0x18100] =	vst v63  }
0x89: {  	p0 =	por $0x0, $0x0;
	s0 =	simm.s32 $0x1  }
0x8a: {  	v3 =	vld [tilespmem:$0x20];
	_ =	sdelay $0x4  }
0x8b: {  	v4 =	vshll.u32 v3, $0x4  }
0x8c: {  	v3 =	vand.u32 $0x7, v3;
	v4 =	vand.u32 $0xFFFFFF80, v4  }
0x8d: {  	v3 =	vor.u32 v3, v4  }
0x8e: {  	v4 =	vperm.xlane v3, v0;
	_ =	sdelay $0x1  }
0x8f: {  	v4 =	vadd.s32 v1, v4;
	_ =	sdelay $0x3  }
0x90: {  	s0 =	simm.s32 $0x0;
	s2 =	simm.s32 $0x10100  }
0x91: {  	[tilespmem:s2], [sflag:$0x3] =	stream.indirect_vreg.gather [hbm4b:s1+s0], $0x80, v4, vm0, $0xb8;
	[tilespmem:$0x18100] =	vst v63  }
0x92: {  	s4 =	simm.s32 $0x10900  }
0x93: {  	[tilespmem:s4], [sflag:$0x3] =	stream.indirect_vreg.gather [hbm4b:s5+s0], $0x80, v4, vm0, $0xb8;
	[tilespmem:$0x18100] =	vst v63  }
0x94: {  	s25 =	simm.s32 $0x11100  }
0x95: {  	[tilespmem:s25], [sflag:$0x3] =	stream.indirect_vreg.gather [hbm4b:s6+s0], $0x80, v4, vm0, $0xb8;
	[tilespmem:$0x18100] =	vst v63  }
0x96: {  	s4 =	simm.s32 $0x11900  }
0x97: {  	[tilespmem:s4], [sflag:$0x3] =	stream.indirect_vreg.gather [hbm4b:s7+s0], $0x80, v4, vm0, $0xb8;
	[tilespmem:$0x18100] =	vst v63  }
0x98: {  	s25 =	simm.s32 $0x12100  }
0x99: {  	[tilespmem:s25], [sflag:$0x3] =	stream.indirect_vreg.gather [hbm4b:s8+s0], $0x80, v4, vm0, $0xb8;
	[tilespmem:$0x18100] =	vst v63  }
0x9a: {  	v3 =	vperm.xlane v3, v2;
	s4 =	simm.s32 $0x12900  }
0x9b: {  	[tilespmem:s4], [sflag:$0x3] =	stream.indirect_vreg.gather [hbm4b:s9+s0], $0x80, v4, vm0, $0xb8;
	[tilespmem:$0x18100] =	vst v63  }
0x9c: {  	v3 =	vadd.s32 v1, v3;
	s25 =	simm.s32 $0x13100  }
0x9d: {  	[tilespmem:s25], [sflag:$0x3] =	stream.indirect_vreg.gather [hbm4b:s10+s0], $0x80, v4, vm0, $0xb8;
	[tilespmem:$0x18100] =	vst v63  }
0x9e: {  	s4 =	simm.s32 $0x13900  }
0x9f: {  	[tilespmem:s4], [sflag:$0x3] =	stream.indirect_vreg.gather [hbm4b:s12+s0], $0x80, v4, vm0, $0xb8;
	[tilespmem:$0x18100] =	vst v63  }
0xa0: {  	s25 =	simm.s32 $0x14100  }
0xa1: {  	[tilespmem:s25], [sflag:$0x3] =	stream.indirect_vreg.gather [hbm4b:s1+s0], $0x80, v3, vm0, $0xb8;
	[tilespmem:$0x18100] =	vst v63  }
0xa2: {  	s4 =	simm.s32 $0x14900  }
0xa3: {  	[tilespmem:s4], [sflag:$0x3] =	stream.indirect_vreg.gather [hbm4b:s5+s0], $0x80, v3, vm0, $0xb8;
	[tilespmem:$0x18100] =	vst v63  }
0xa4: {  	s25 =	simm.s32 $0x15100  }
0xa5: {  	[tilespmem:s25], [sflag:$0x3] =	stream.indirect_vreg.gather [hbm4b:s6+s0], $0x80, v3, vm0, $0xb8;
	[tilespmem:$0x18100] =	vst v63  }
0xa6: {  	s4 =	simm.s32 $0x15900  }
0xa7: {  	[tilespmem:s4], [sflag:$0x3] =	stream.indirect_vreg.gather [hbm4b:s7+s0], $0x80, v3, vm0, $0xb8;
	[tilespmem:$0x18100] =	vst v63  }
0xa8: {  	s25 =	simm.s32 $0x16100  }
0xa9: {  	[tilespmem:s25], [sflag:$0x3] =	stream.indirect_vreg.gather [hbm4b:s8+s0], $0x80, v3, vm0, $0xb8;
	[tilespmem:$0x18100] =	vst v63  }
0xaa: {  	s4 =	simm.s32 $0x16900  }
0xab: {  	[tilespmem:s4], [sflag:$0x3] =	stream.indirect_vreg.gather [hbm4b:s9+s0], $0x80, v3, vm0, $0xb8;
	[tilespmem:$0x18100] =	vst v63  }
0xac: {  	s25 =	simm.s32 $0x17100  }
0xad: {  	[tilespmem:s25], [sflag:$0x3] =	stream.indirect_vreg.gather [hbm4b:s10+s0], $0x80, v3, vm0, $0xb8;
	[tilespmem:$0x18100] =	vst v63  }
0xae: {  	s4 =	simm.s32 $0x17900;
	s25 =	simm.s32 $0x2  }
0xaf: {  	[tilespmem:s4], [sflag:$0x3] =	stream.indirect_vreg.gather [hbm4b:s12+s0], $0x80, v3, vm0, $0xb8;
	[tilespmem:$0x18100] =	vst v63  }
0xb0: {  	_ =	swait.ge [sflag:s25], $0x8000  }
0xb1: {  	[sflag:s25] =	ssyncset.done $0x0  }
0xb2: {  	p0 =	por $0x1, $0x1;
	[sflag:s25] =	ssyncadd.s32 $0xFFFF8000  }
.LBB2_4:
0xb3: {  	s2 =	sshll.u32 s0, $0xE  }
0xb4: {  	s25 =	sshll.u32 s0, $0xB;
	s2 =	sand.u32 $0x3FFFC000, s2  }
0xb5: {  	s0 =	sadd.s32 s25, s13;
	s4 =	sadd.s32 $0x8100, s2  }
0xb6: {  	[hbm4b:s0+s30] =	stream.strided.scatter [tilespmem:s4], [sflag:$0x5], $0x400, s31, s30, $0x38;
	[tilespmem:$0x18100] =	vst v63  }
0xb7: {  	s25 =	sadd.s32 $0x10, s0;
	s4 =	sadd.s32 $0x8500, s2  }
0xb8: {  	[hbm4b:s25+s30] =	stream.strided.scatter [tilespmem:s4], [sflag:$0x5], $0x400, s31, s30, $0x38;
	[tilespmem:$0x18100] =	vst v63  }
0xb9: {  	s4 =	sadd.s32 $0x8900, s2;
	s25 =	sadd.s32 $0x20, s0  }
0xba: {  	[hbm4b:s25+s30] =	stream.strided.scatter [tilespmem:s4], [sflag:$0x5], $0x400, s31, s30, $0x38;
	[tilespmem:$0x18100] =	vst v63  }
0xbb: {  	s4 =	sadd.s32 $0x8D00, s2;
	s25 =	sadd.s32 $0x30, s0  }
0xbc: {  	[hbm4b:s25+s30] =	stream.strided.scatter [tilespmem:s4], [sflag:$0x5], $0x400, s31, s30, $0x38;
	[tilespmem:$0x18100] =	vst v63  }
0xbd: {  	s4 =	sadd.s32 $0x9100, s2;
	s25 =	sadd.s32 $0x40, s0  }
0xbe: {  	[hbm4b:s25+s30] =	stream.strided.scatter [tilespmem:s4], [sflag:$0x5], $0x400, s31, s30, $0x38;
	[tilespmem:$0x18100] =	vst v63  }
0xbf: {  	s4 =	sadd.s32 $0x9500, s2;
	s25 =	sadd.s32 $0x50, s0  }
0xc0: {  	[hbm4b:s25+s30] =	stream.strided.scatter [tilespmem:s4], [sflag:$0x5], $0x400, s31, s30, $0x38;
	[tilespmem:$0x18100] =	vst v63  }
0xc1: {  	s4 =	sadd.s32 $0x9900, s2;
	s25 =	sadd.s32 $0x60, s0  }
0xc2: {  	[hbm4b:s25+s30] =	stream.strided.scatter [tilespmem:s4], [sflag:$0x5], $0x400, s31, s30, $0x38;
	[tilespmem:$0x18100] =	vst v63  }
0xc3: {  	s4 =	sadd.s32 $0x9D00, s2;
	s25 =	sadd.s32 $0x70, s0  }
0xc4: {  	[hbm4b:s25+s30] =	stream.strided.scatter [tilespmem:s4], [sflag:$0x5], $0x400, s31, s30, $0x38;
	[tilespmem:$0x18100] =	vst v63  }
0xc5: {  	s4 =	sadd.s32 $0xA100, s2;
	s25 =	sadd.s32 $0x80, s0  }
0xc6: {  	[hbm4b:s25+s30] =	stream.strided.scatter [tilespmem:s4], [sflag:$0x5], $0x400, s31, s30, $0x38;
	[tilespmem:$0x18100] =	vst v63  }
0xc7: {  	s4 =	sadd.s32 $0xA500, s2;
	s25 =	sadd.s32 $0x90, s0  }
0xc8: {  	[hbm4b:s25+s30] =	stream.strided.scatter [tilespmem:s4], [sflag:$0x5], $0x400, s31, s30, $0x38;
	[tilespmem:$0x18100] =	vst v63  }
0xc9: {  	s4 =	sadd.s32 $0xA900, s2;
	s25 =	sadd.s32 $0xA0, s0  }
0xca: {  	[hbm4b:s25+s30] =	stream.strided.scatter [tilespmem:s4], [sflag:$0x5], $0x400, s31, s30, $0x38;
	[tilespmem:$0x18100] =	vst v63  }
0xcb: {  	s4 =	sadd.s32 $0xAD00, s2;
	s25 =	sadd.s32 $0xB0, s0  }
0xcc: {  	[hbm4b:s25+s30] =	stream.strided.scatter [tilespmem:s4], [sflag:$0x5], $0x400, s31, s30, $0x38;
	[tilespmem:$0x18100] =	vst v63  }
0xcd: {  	s4 =	sadd.s32 $0xB100, s2;
	s25 =	sadd.s32 $0xC0, s0  }
0xce: {  	[hbm4b:s25+s30] =	stream.strided.scatter [tilespmem:s4], [sflag:$0x5], $0x400, s31, s30, $0x38;
	[tilespmem:$0x18100] =	vst v63  }
0xcf: {  	p1 =	por p0, p0;
	s4 =	sadd.s32 $0xB500, s2;
	s25 =	sadd.s32 $0xD0, s0  }
0xd0: {  	[hbm4b:s25+s30] =	stream.strided.scatter [tilespmem:s4], [sflag:$0x5], $0x400, s31, s30, $0x38;
	[tilespmem:$0x18100] =	vst v63  }
.Ltmp1:
0xd1: {  	s4 =	sadd.s32 $0xB900, s2;
	s25 =	sadd.s32 $0xE0, s0;
	(pc) =	sbr.rel @p1 .LBB2_4-.Ltmp1, $4  }
0xd2: {  	[hbm4b:s25+s30] =	stream.strided.scatter [tilespmem:s4], [sflag:$0x5], $0x400, s31, s30, $0x38;
	[tilespmem:$0x18100] =	vst v63  }
0xd3: {  	s2 =	sadd.s32 $0xBD00, s2;
	s0 =	sadd.s32 $0xF0, s0  }
0xd4: {  	[hbm4b:s0+s30] =	stream.strided.scatter [tilespmem:s2], [sflag:$0x5], $0x400, s31, s30, $0x38;
	[tilespmem:$0x18100] =	vst v63  }
0xd5: {  	p0 =	por $0x0, $0x0;
	s0 =	simm.s32 $0x1  }
0xd6: {  	s0 =	simm.s32 $0x4  }
0xd7: {  	_ =	swait.ge [sflag:s0], $0x8000  }
0xd8: {  	[sflag:s0] =	ssyncset.done $0x0  }
0xd9: {  	[sflag:s0] =	ssyncadd.s32 $0xFFFF8000  }
0xda: {  	v3 =	vld [tilespmem:$0x30];
	_ =	sdelay $0x4  }
0xdb: {  	v4 =	vshll.u32 v3, $0x4  }
0xdc: {  	v3 =	vand.u32 $0x7, v3;
	v4 =	vand.u32 $0xFFFFFF80, v4  }
0xdd: {  	v3 =	vor.u32 v3, v4  }
0xde: {  	v4 =	vperm.xlane v3, v0;
	_ =	sdelay $0x1  }
0xdf: {  	v4 =	vadd.s32 v1, v4;
	_ =	sdelay $0x3  }
0xe0: {  	s2 =	simm.s32 $0x100;
	s0 =	simm.s32 $0x0  }
0xe1: {  	[tilespmem:s2], [sflag:$0x1] =	stream.indirect_vreg.gather [hbm4b:s1+s0], $0x80, v4, vm0, $0xb8;
	[tilespmem:$0x18100] =	vst v63  }
0xe2: {  	s4 =	simm.s32 $0x900  }
0xe3: {  	[tilespmem:s4], [sflag:$0x1] =	stream.indirect_vreg.gather [hbm4b:s5+s0], $0x80, v4, vm0, $0xb8;
	[tilespmem:$0x18100] =	vst v63  }
0xe4: {  	s25 =	simm.s32 $0x1100  }
0xe5: {  	[tilespmem:s25], [sflag:$0x1] =	stream.indirect_vreg.gather [hbm4b:s6+s0], $0x80, v4, vm0, $0xb8;
	[tilespmem:$0x18100] =	vst v63  }
0xe6: {  	s4 =	simm.s32 $0x1900  }
0xe7: {  	[tilespmem:s4], [sflag:$0x1] =	stream.indirect_vreg.gather [hbm4b:s7+s0], $0x80, v4, vm0, $0xb8;
	[tilespmem:$0x18100] =	vst v63  }
0xe8: {  	s25 =	simm.s32 $0x2100  }
0xe9: {  	[tilespmem:s25], [sflag:$0x1] =	stream.indirect_vreg.gather [hbm4b:s8+s0], $0x80, v4, vm0, $0xb8;
	[tilespmem:$0x18100] =	vst v63  }
0xea: {  	v3 =	vperm.xlane v3, v2;
	s4 =	simm.s32 $0x2900  }
0xeb: {  	[tilespmem:s4], [sflag:$0x1] =	stream.indirect_vreg.gather [hbm4b:s9+s0], $0x80, v4, vm0, $0xb8;
	[tilespmem:$0x18100] =	vst v63  }
0xec: {  	v3 =	vadd.s32 v1, v3;
	s25 =	simm.s32 $0x3100  }
0xed: {  	[tilespmem:s25], [sflag:$0x1] =	stream.indirect_vreg.gather [hbm4b:s10+s0], $0x80, v4, vm0, $0xb8;
	[tilespmem:$0x18100] =	vst v63  }
0xee: {  	s4 =	simm.s32 $0x3900  }
0xef: {  	[tilespmem:s4], [sflag:$0x1] =	stream.indirect_vreg.gather [hbm4b:s12+s0], $0x80, v4, vm0, $0xb8;
	[tilespmem:$0x18100] =	vst v63  }
0xf0: {  	s25 =	simm.s32 $0x4100  }
0xf1: {  	[tilespmem:s25], [sflag:$0x1] =	stream.indirect_vreg.gather [hbm4b:s1+s0], $0x80, v3, vm0, $0xb8;
	[tilespmem:$0x18100] =	vst v63  }
0xf2: {  	s4 =	simm.s32 $0x4900  }
0xf3: {  	[tilespmem:s4], [sflag:$0x1] =	stream.indirect_vreg.gather [hbm4b:s5+s0], $0x80, v3, vm0, $0xb8;
	[tilespmem:$0x18100] =	vst v63  }
0xf4: {  	s25 =	simm.s32 $0x5100  }
0xf5: {  	[tilespmem:s25], [sflag:$0x1] =	stream.indirect_vreg.gather [hbm4b:s6+s0], $0x80, v3, vm0, $0xb8;
	[tilespmem:$0x18100] =	vst v63  }
0xf6: {  	s4 =	simm.s32 $0x5900  }
0xf7: {  	[tilespmem:s4], [sflag:$0x1] =	stream.indirect_vreg.gather [hbm4b:s7+s0], $0x80, v3, vm0, $0xb8;
	[tilespmem:$0x18100] =	vst v63  }
0xf8: {  	s25 =	simm.s32 $0x6100  }
0xf9: {  	[tilespmem:s25], [sflag:$0x1] =	stream.indirect_vreg.gather [hbm4b:s8+s0], $0x80, v3, vm0, $0xb8;
	[tilespmem:$0x18100] =	vst v63  }
0xfa: {  	s4 =	simm.s32 $0x6900  }
0xfb: {  	[tilespmem:s4], [sflag:$0x1] =	stream.indirect_vreg.gather [hbm4b:s9+s0], $0x80, v3, vm0, $0xb8;
	[tilespmem:$0x18100] =	vst v63  }
0xfc: {  	s25 =	simm.s32 $0x7100  }
0xfd: {  	[tilespmem:s25], [sflag:$0x1] =	stream.indirect_vreg.gather [hbm4b:s10+s0], $0x80, v3, vm0, $0xb8;
	[tilespmem:$0x18100] =	vst v63  }
0xfe: {  	s4 =	simm.s32 $0x7900;
	s25 =	simm.s32 $0x3  }
0xff: {  	[tilespmem:s4], [sflag:$0x1] =	stream.indirect_vreg.gather [hbm4b:s12+s0], $0x80, v3, vm0, $0xb8;
	[tilespmem:$0x18100] =	vst v63  }
0x100: {  	_ =	swait.ge [sflag:s25], $0x8000  }
0x101: {  	[sflag:s25] =	ssyncset.done $0x0  }
0x102: {  	p0 =	por $0x1, $0x1;
	[sflag:s25] =	ssyncadd.s32 $0xFFFF8000  }
.LBB2_6:
0x103: {  	s2 =	sshll.u32 s0, $0xE  }
0x104: {  	s25 =	sshll.u32 s0, $0xB;
	s2 =	sand.u32 $0x3FFFC000, s2  }
0x105: {  	s0 =	sadd.s32 s25, s14;
	s4 =	sadd.s32 $0x10100, s2  }
0x106: {  	[hbm4b:s0+s30] =	stream.strided.scatter [tilespmem:s4], [sflag:$0x6], $0x400, s31, s30, $0x38;
	[tilespmem:$0x18100] =	vst v63  }
0x107: {  	s25 =	sadd.s32 $0x10, s0;
	s4 =	sadd.s32 $0x10500, s2  }
0x108: {  	[hbm4b:s25+s30] =	stream.strided.scatter [tilespmem:s4], [sflag:$0x6], $0x400, s31, s30, $0x38;
	[tilespmem:$0x18100] =	vst v63  }
0x109: {  	s4 =	sadd.s32 $0x10900, s2;
	s25 =	sadd.s32 $0x20, s0  }
0x10a: {  	[hbm4b:s25+s30] =	stream.strided.scatter [tilespmem:s4], [sflag:$0x6], $0x400, s31, s30, $0x38;
	[tilespmem:$0x18100] =	vst v63  }
0x10b: {  	s4 =	sadd.s32 $0x10D00, s2;
	s25 =	sadd.s32 $0x30, s0  }
0x10c: {  	[hbm4b:s25+s30] =	stream.strided.scatter [tilespmem:s4], [sflag:$0x6], $0x400, s31, s30, $0x38;
	[tilespmem:$0x18100] =	vst v63  }
0x10d: {  	s4 =	sadd.s32 $0x11100, s2;
	s25 =	sadd.s32 $0x40, s0  }
0x10e: {  	[hbm4b:s25+s30] =	stream.strided.scatter [tilespmem:s4], [sflag:$0x6], $0x400, s31, s30, $0x38;
	[tilespmem:$0x18100] =	vst v63  }
0x10f: {  	s4 =	sadd.s32 $0x11500, s2;
	s25 =	sadd.s32 $0x50, s0  }
0x110: {  	[hbm4b:s25+s30] =	stream.strided.scatter [tilespmem:s4], [sflag:$0x6], $0x400, s31, s30, $0x38;
	[tilespmem:$0x18100] =	vst v63  }
0x111: {  	s4 =	sadd.s32 $0x11900, s2;
	s25 =	sadd.s32 $0x60, s0  }
0x112: {  	[hbm4b:s25+s30] =	stream.strided.scatter [tilespmem:s4], [sflag:$0x6], $0x400, s31, s30, $0x38;
	[tilespmem:$0x18100] =	vst v63  }
0x113: {  	s4 =	sadd.s32 $0x11D00, s2;
	s25 =	sadd.s32 $0x70, s0  }
0x114: {  	[hbm4b:s25+s30] =	stream.strided.scatter [tilespmem:s4], [sflag:$0x6], $0x400, s31, s30, $0x38;
	[tilespmem:$0x18100] =	vst v63  }
0x115: {  	s4 =	sadd.s32 $0x12100, s2;
	s25 =	sadd.s32 $0x80, s0  }
0x116: {  	[hbm4b:s25+s30] =	stream.strided.scatter [tilespmem:s4], [sflag:$0x6], $0x400, s31, s30, $0x38;
	[tilespmem:$0x18100] =	vst v63  }
0x117: {  	s4 =	sadd.s32 $0x12500, s2;
	s25 =	sadd.s32 $0x90, s0  }
0x118: {  	[hbm4b:s25+s30] =	stream.strided.scatter [tilespmem:s4], [sflag:$0x6], $0x400, s31, s30, $0x38;
	[tilespmem:$0x18100] =	vst v63  }
0x119: {  	s4 =	sadd.s32 $0x12900, s2;
	s25 =	sadd.s32 $0xA0, s0  }
0x11a: {  	[hbm4b:s25+s30] =	stream.strided.scatter [tilespmem:s4], [sflag:$0x6], $0x400, s31, s30, $0x38;
	[tilespmem:$0x18100] =	vst v63  }
0x11b: {  	s4 =	sadd.s32 $0x12D00, s2;
	s25 =	sadd.s32 $0xB0, s0  }
0x11c: {  	[hbm4b:s25+s30] =	stream.strided.scatter [tilespmem:s4], [sflag:$0x6], $0x400, s31, s30, $0x38;
	[tilespmem:$0x18100] =	vst v63  }
0x11d: {  	s4 =	sadd.s32 $0x13100, s2;
	s25 =	sadd.s32 $0xC0, s0  }
0x11e: {  	[hbm4b:s25+s30] =	stream.strided.scatter [tilespmem:s4], [sflag:$0x6], $0x400, s31, s30, $0x38;
	[tilespmem:$0x18100] =	vst v63  }
0x11f: {  	p1 =	por p0, p0;
	s4 =	sadd.s32 $0x13500, s2;
	s25 =	sadd.s32 $0xD0, s0  }
0x120: {  	[hbm4b:s25+s30] =	stream.strided.scatter [tilespmem:s4], [sflag:$0x6], $0x400, s31, s30, $0x38;
	[tilespmem:$0x18100] =	vst v63  }
.Ltmp2:
0x121: {  	s4 =	sadd.s32 $0x13900, s2;
	s25 =	sadd.s32 $0xE0, s0;
	(pc) =	sbr.rel @p1 .LBB2_6-.Ltmp2, $4  }
0x122: {  	[hbm4b:s25+s30] =	stream.strided.scatter [tilespmem:s4], [sflag:$0x6], $0x400, s31, s30, $0x38;
	[tilespmem:$0x18100] =	vst v63  }
0x123: {  	s2 =	sadd.s32 $0x13D00, s2;
	s0 =	sadd.s32 $0xF0, s0  }
0x124: {  	[hbm4b:s0+s30] =	stream.strided.scatter [tilespmem:s2], [sflag:$0x6], $0x400, s31, s30, $0x38;
	[tilespmem:$0x18100] =	vst v63  }
0x125: {  	p0 =	por $0x0, $0x0;
	s0 =	simm.s32 $0x1  }
0x126: {  	s0 =	simm.s32 $0x5  }
0x127: {  	_ =	swait.ge [sflag:s0], $0x8000  }
0x128: {  	[sflag:s0] =	ssyncset.done $0x0  }
0x129: {  	[sflag:s0] =	ssyncadd.s32 $0xFFFF8000  }
0x12a: {  	v3 =	vld [tilespmem:$0x40];
	_ =	sdelay $0x4  }
0x12b: {  	v4 =	vshll.u32 v3, $0x4  }
0x12c: {  	v3 =	vand.u32 $0x7, v3;
	v4 =	vand.u32 $0xFFFFFF80, v4  }
0x12d: {  	v3 =	vor.u32 v3, v4  }
0x12e: {  	v4 =	vperm.xlane v3, v0;
	_ =	sdelay $0x1  }
0x12f: {  	v4 =	vadd.s32 v1, v4;
	_ =	sdelay $0x3  }
0x130: {  	s2 =	simm.s32 $0x8100;
	s0 =	simm.s32 $0x0  }
0x131: {  	[tilespmem:s2], [sflag:$0x2] =	stream.indirect_vreg.gather [hbm4b:s1+s0], $0x80, v4, vm0, $0xb8;
	[tilespmem:$0x18100] =	vst v63  }
0x132: {  	s4 =	simm.s32 $0x8900  }
0x133: {  	[tilespmem:s4], [sflag:$0x2] =	stream.indirect_vreg.gather [hbm4b:s5+s0], $0x80, v4, vm0, $0xb8;
	[tilespmem:$0x18100] =	vst v63  }
0x134: {  	s25 =	simm.s32 $0x9100  }
0x135: {  	[tilespmem:s25], [sflag:$0x2] =	stream.indirect_vreg.gather [hbm4b:s6+s0], $0x80, v4, vm0, $0xb8;
	[tilespmem:$0x18100] =	vst v63  }
0x136: {  	s4 =	simm.s32 $0x9900  }
0x137: {  	[tilespmem:s4], [sflag:$0x2] =	stream.indirect_vreg.gather [hbm4b:s7+s0], $0x80, v4, vm0, $0xb8;
	[tilespmem:$0x18100] =	vst v63  }
0x138: {  	s25 =	simm.s32 $0xA100  }
0x139: {  	[tilespmem:s25], [sflag:$0x2] =	stream.indirect_vreg.gather [hbm4b:s8+s0], $0x80, v4, vm0, $0xb8;
	[tilespmem:$0x18100] =	vst v63  }
0x13a: {  	v3 =	vperm.xlane v3, v2;
	s4 =	simm.s32 $0xA900  }
0x13b: {  	[tilespmem:s4], [sflag:$0x2] =	stream.indirect_vreg.gather [hbm4b:s9+s0], $0x80, v4, vm0, $0xb8;
	[tilespmem:$0x18100] =	vst v63  }
0x13c: {  	v3 =	vadd.s32 v1, v3;
	s25 =	simm.s32 $0xB100  }
0x13d: {  	[tilespmem:s25], [sflag:$0x2] =	stream.indirect_vreg.gather [hbm4b:s10+s0], $0x80, v4, vm0, $0xb8;
	[tilespmem:$0x18100] =	vst v63  }
0x13e: {  	s4 =	simm.s32 $0xB900  }
0x13f: {  	[tilespmem:s4], [sflag:$0x2] =	stream.indirect_vreg.gather [hbm4b:s12+s0], $0x80, v4, vm0, $0xb8;
	[tilespmem:$0x18100] =	vst v63  }
0x140: {  	s25 =	simm.s32 $0xC100  }
0x141: {  	[tilespmem:s25], [sflag:$0x2] =	stream.indirect_vreg.gather [hbm4b:s1+s0], $0x80, v3, vm0, $0xb8;
	[tilespmem:$0x18100] =	vst v63  }
0x142: {  	s4 =	simm.s32 $0xC900  }
0x143: {  	[tilespmem:s4], [sflag:$0x2] =	stream.indirect_vreg.gather [hbm4b:s5+s0], $0x80, v3, vm0, $0xb8;
	[tilespmem:$0x18100] =	vst v63  }
0x144: {  	s25 =	simm.s32 $0xD100  }
0x145: {  	[tilespmem:s25], [sflag:$0x2] =	stream.indirect_vreg.gather [hbm4b:s6+s0], $0x80, v3, vm0, $0xb8;
	[tilespmem:$0x18100] =	vst v63  }
0x146: {  	s4 =	simm.s32 $0xD900  }
0x147: {  	[tilespmem:s4], [sflag:$0x2] =	stream.indirect_vreg.gather [hbm4b:s7+s0], $0x80, v3, vm0, $0xb8;
	[tilespmem:$0x18100] =	vst v63  }
0x148: {  	s25 =	simm.s32 $0xE100  }
0x149: {  	[tilespmem:s25], [sflag:$0x2] =	stream.indirect_vreg.gather [hbm4b:s8+s0], $0x80, v3, vm0, $0xb8;
	[tilespmem:$0x18100] =	vst v63  }
0x14a: {  	s4 =	simm.s32 $0xE900  }
0x14b: {  	[tilespmem:s4], [sflag:$0x2] =	stream.indirect_vreg.gather [hbm4b:s9+s0], $0x80, v3, vm0, $0xb8;
	[tilespmem:$0x18100] =	vst v63  }
0x14c: {  	s25 =	simm.s32 $0xF100  }
0x14d: {  	[tilespmem:s25], [sflag:$0x2] =	stream.indirect_vreg.gather [hbm4b:s10+s0], $0x80, v3, vm0, $0xb8;
	[tilespmem:$0x18100] =	vst v63  }
0x14e: {  	s4 =	simm.s32 $0xF900;
	s25 =	simm.s32 $0x1  }
0x14f: {  	[tilespmem:s4], [sflag:$0x2] =	stream.indirect_vreg.gather [hbm4b:s12+s0], $0x80, v3, vm0, $0xb8;
	[tilespmem:$0x18100] =	vst v63  }
0x150: {  	_ =	swait.ge [sflag:s25], $0x8000  }
0x151: {  	[sflag:s25] =	ssyncset.done $0x0  }
0x152: {  	p0 =	por $0x1, $0x1;
	[sflag:s25] =	ssyncadd.s32 $0xFFFF8000  }
.LBB2_8:
0x153: {  	s2 =	sshll.u32 s0, $0xE  }
0x154: {  	s25 =	sshll.u32 s0, $0xB;
	s2 =	sand.u32 $0x3FFFC000, s2  }
0x155: {  	s0 =	sadd.s32 s25, s15;
	s4 =	sor.u32 $0x100, s2  }
0x156: {  	[hbm4b:s0+s30] =	stream.strided.scatter [tilespmem:s4], [sflag:$0x4], $0x400, s31, s30, $0x38;
	[tilespmem:$0x18100] =	vst v63  }
0x157: {  	s25 =	sadd.s32 $0x10, s0;
	s4 =	sor.u32 $0x500, s2  }
0x158: {  	[hbm4b:s25+s30] =	stream.strided.scatter [tilespmem:s4], [sflag:$0x4], $0x400, s31, s30, $0x38;
	[tilespmem:$0x18100] =	vst v63  }
0x159: {  	s4 =	sor.u32 $0x900, s2;
	s25 =	sadd.s32 $0x20, s0  }
0x15a: {  	[hbm4b:s25+s30] =	stream.strided.scatter [tilespmem:s4], [sflag:$0x4], $0x400, s31, s30, $0x38;
	[tilespmem:$0x18100] =	vst v63  }
0x15b: {  	s4 =	sor.u32 $0xD00, s2;
	s25 =	sadd.s32 $0x30, s0  }
0x15c: {  	[hbm4b:s25+s30] =	stream.strided.scatter [tilespmem:s4], [sflag:$0x4], $0x400, s31, s30, $0x38;
	[tilespmem:$0x18100] =	vst v63  }
0x15d: {  	s4 =	sor.u32 $0x1100, s2;
	s25 =	sadd.s32 $0x40, s0  }
0x15e: {  	[hbm4b:s25+s30] =	stream.strided.scatter [tilespmem:s4], [sflag:$0x4], $0x400, s31, s30, $0x38;
	[tilespmem:$0x18100] =	vst v63  }
0x15f: {  	s4 =	sor.u32 $0x1500, s2;
	s25 =	sadd.s32 $0x50, s0  }
0x160: {  	[hbm4b:s25+s30] =	stream.strided.scatter [tilespmem:s4], [sflag:$0x4], $0x400, s31, s30, $0x38;
	[tilespmem:$0x18100] =	vst v63  }
0x161: {  	s4 =	sor.u32 $0x1900, s2;
	s25 =	sadd.s32 $0x60, s0  }
0x162: {  	[hbm4b:s25+s30] =	stream.strided.scatter [tilespmem:s4], [sflag:$0x4], $0x400, s31, s30, $0x38;
	[tilespmem:$0x18100] =	vst v63  }
0x163: {  	s4 =	sor.u32 $0x1D00, s2;
	s25 =	sadd.s32 $0x70, s0  }
0x164: {  	[hbm4b:s25+s30] =	stream.strided.scatter [tilespmem:s4], [sflag:$0x4], $0x400, s31, s30, $0x38;
	[tilespmem:$0x18100] =	vst v63  }
0x165: {  	s4 =	sor.u32 $0x2100, s2;
	s25 =	sadd.s32 $0x80, s0  }
0x166: {  	[hbm4b:s25+s30] =	stream.strided.scatter [tilespmem:s4], [sflag:$0x4], $0x400, s31, s30, $0x38;
	[tilespmem:$0x18100] =	vst v63  }
0x167: {  	s4 =	sor.u32 $0x2500, s2;
	s25 =	sadd.s32 $0x90, s0  }
0x168: {  	[hbm4b:s25+s30] =	stream.strided.scatter [tilespmem:s4], [sflag:$0x4], $0x400, s31, s30, $0x38;
	[tilespmem:$0x18100] =	vst v63  }
0x169: {  	s4 =	sor.u32 $0x2900, s2;
	s25 =	sadd.s32 $0xA0, s0  }
0x16a: {  	[hbm4b:s25+s30] =	stream.strided.scatter [tilespmem:s4], [sflag:$0x4], $0x400, s31, s30, $0x38;
	[tilespmem:$0x18100] =	vst v63  }
0x16b: {  	s4 =	sor.u32 $0x2D00, s2;
	s25 =	sadd.s32 $0xB0, s0  }
0x16c: {  	[hbm4b:s25+s30] =	stream.strided.scatter [tilespmem:s4], [sflag:$0x4], $0x400, s31, s30, $0x38;
	[tilespmem:$0x18100] =	vst v63  }
0x16d: {  	s4 =	sor.u32 $0x3100, s2;
	s25 =	sadd.s32 $0xC0, s0  }
0x16e: {  	[hbm4b:s25+s30] =	stream.strided.scatter [tilespmem:s4], [sflag:$0x4], $0x400, s31, s30, $0x38;
	[tilespmem:$0x18100] =	vst v63  }
0x16f: {  	p1 =	por p0, p0;
	s4 =	sor.u32 $0x3500, s2;
	s25 =	sadd.s32 $0xD0, s0  }
0x170: {  	[hbm4b:s25+s30] =	stream.strided.scatter [tilespmem:s4], [sflag:$0x4], $0x400, s31, s30, $0x38;
	[tilespmem:$0x18100] =	vst v63  }
.Ltmp3:
0x171: {  	s4 =	sor.u32 $0x3900, s2;
	s25 =	sadd.s32 $0xE0, s0;
	(pc) =	sbr.rel @p1 .LBB2_8-.Ltmp3, $4  }
0x172: {  	[hbm4b:s25+s30] =	stream.strided.scatter [tilespmem:s4], [sflag:$0x4], $0x400, s31, s30, $0x38;
	[tilespmem:$0x18100] =	vst v63  }
0x173: {  	s2 =	sor.u32 $0x3D00, s2;
	s0 =	sadd.s32 $0xF0, s0  }
0x174: {  	[hbm4b:s0+s30] =	stream.strided.scatter [tilespmem:s2], [sflag:$0x4], $0x400, s31, s30, $0x38;
	[tilespmem:$0x18100] =	vst v63  }
0x175: {  	p0 =	por $0x0, $0x0;
	s0 =	simm.s32 $0x1  }
0x176: {  	s0 =	simm.s32 $0x6  }
0x177: {  	_ =	swait.ge [sflag:s0], $0x8000  }
0x178: {  	[sflag:s0] =	ssyncset.done $0x0  }
0x179: {  	[sflag:s0] =	ssyncadd.s32 $0xFFFF8000  }
0x17a: {  	v3 =	vld [tilespmem:$0x50];
	_ =	sdelay $0x4  }
0x17b: {  	v4 =	vshll.u32 v3, $0x4  }
0x17c: {  	v3 =	vand.u32 $0x7, v3;
	v4 =	vand.u32 $0xFFFFFF80, v4  }
0x17d: {  	v3 =	vor.u32 v3, v4  }
0x17e: {  	v4 =	vperm.xlane v3, v0;
	_ =	sdelay $0x1  }
0x17f: {  	v4 =	vadd.s32 v1, v4;
	_ =	sdelay $0x3  }
0x180: {  	s2 =	simm.s32 $0x10100;
	s0 =	simm.s32 $0x0  }
0x181: {  	[tilespmem:s2], [sflag:$0x3] =	stream.indirect_vreg.gather [hbm4b:s1+s0], $0x80, v4, vm0, $0xb8;
	[tilespmem:$0x18100] =	vst v63  }
0x182: {  	s4 =	simm.s32 $0x10900  }
0x183: {  	[tilespmem:s4], [sflag:$0x3] =	stream.indirect_vreg.gather [hbm4b:s5+s0], $0x80, v4, vm0, $0xb8;
	[tilespmem:$0x18100] =	vst v63  }
0x184: {  	s25 =	simm.s32 $0x11100  }
0x185: {  	[tilespmem:s25], [sflag:$0x3] =	stream.indirect_vreg.gather [hbm4b:s6+s0], $0x80, v4, vm0, $0xb8;
	[tilespmem:$0x18100] =	vst v63  }
0x186: {  	s4 =	simm.s32 $0x11900  }
0x187: {  	[tilespmem:s4], [sflag:$0x3] =	stream.indirect_vreg.gather [hbm4b:s7+s0], $0x80, v4, vm0, $0xb8;
	[tilespmem:$0x18100] =	vst v63  }
0x188: {  	s25 =	simm.s32 $0x12100  }
0x189: {  	[tilespmem:s25], [sflag:$0x3] =	stream.indirect_vreg.gather [hbm4b:s8+s0], $0x80, v4, vm0, $0xb8;
	[tilespmem:$0x18100] =	vst v63  }
0x18a: {  	v3 =	vperm.xlane v3, v2;
	s4 =	simm.s32 $0x12900  }
0x18b: {  	[tilespmem:s4], [sflag:$0x3] =	stream.indirect_vreg.gather [hbm4b:s9+s0], $0x80, v4, vm0, $0xb8;
	[tilespmem:$0x18100] =	vst v63  }
0x18c: {  	v3 =	vadd.s32 v1, v3;
	s25 =	simm.s32 $0x13100  }
0x18d: {  	[tilespmem:s25], [sflag:$0x3] =	stream.indirect_vreg.gather [hbm4b:s10+s0], $0x80, v4, vm0, $0xb8;
	[tilespmem:$0x18100] =	vst v63  }
0x18e: {  	s4 =	simm.s32 $0x13900  }
0x18f: {  	[tilespmem:s4], [sflag:$0x3] =	stream.indirect_vreg.gather [hbm4b:s12+s0], $0x80, v4, vm0, $0xb8;
	[tilespmem:$0x18100] =	vst v63  }
0x190: {  	s25 =	simm.s32 $0x14100  }
0x191: {  	[tilespmem:s25], [sflag:$0x3] =	stream.indirect_vreg.gather [hbm4b:s1+s0], $0x80, v3, vm0, $0xb8;
	[tilespmem:$0x18100] =	vst v63  }
0x192: {  	s4 =	simm.s32 $0x14900  }
0x193: {  	[tilespmem:s4], [sflag:$0x3] =	stream.indirect_vreg.gather [hbm4b:s5+s0], $0x80, v3, vm0, $0xb8;
	[tilespmem:$0x18100] =	vst v63  }
0x194: {  	s25 =	simm.s32 $0x15100  }
0x195: {  	[tilespmem:s25], [sflag:$0x3] =	stream.indirect_vreg.gather [hbm4b:s6+s0], $0x80, v3, vm0, $0xb8;
	[tilespmem:$0x18100] =	vst v63  }
0x196: {  	s4 =	simm.s32 $0x15900  }
0x197: {  	[tilespmem:s4], [sflag:$0x3] =	stream.indirect_vreg.gather [hbm4b:s7+s0], $0x80, v3, vm0, $0xb8;
	[tilespmem:$0x18100] =	vst v63  }
0x198: {  	s25 =	simm.s32 $0x16100  }
0x199: {  	[tilespmem:s25], [sflag:$0x3] =	stream.indirect_vreg.gather [hbm4b:s8+s0], $0x80, v3, vm0, $0xb8;
	[tilespmem:$0x18100] =	vst v63  }
0x19a: {  	s4 =	simm.s32 $0x16900  }
0x19b: {  	[tilespmem:s4], [sflag:$0x3] =	stream.indirect_vreg.gather [hbm4b:s9+s0], $0x80, v3, vm0, $0xb8;
	[tilespmem:$0x18100] =	vst v63  }
0x19c: {  	s25 =	simm.s32 $0x17100  }
0x19d: {  	[tilespmem:s25], [sflag:$0x3] =	stream.indirect_vreg.gather [hbm4b:s10+s0], $0x80, v3, vm0, $0xb8;
	[tilespmem:$0x18100] =	vst v63  }
0x19e: {  	s4 =	simm.s32 $0x17900;
	s25 =	simm.s32 $0x2  }
0x19f: {  	[tilespmem:s4], [sflag:$0x3] =	stream.indirect_vreg.gather [hbm4b:s12+s0], $0x80, v3, vm0, $0xb8;
	[tilespmem:$0x18100] =	vst v63  }
0x1a0: {  	_ =	swait.ge [sflag:s25], $0x8000  }
0x1a1: {  	[sflag:s25] =	ssyncset.done $0x0  }
0x1a2: {  	p0 =	por $0x1, $0x1;
	[sflag:s25] =	ssyncadd.s32 $0xFFFF8000  }
.LBB2_10:
0x1a3: {  	s2 =	sshll.u32 s0, $0xE  }
0x1a4: {  	s25 =	sshll.u32 s0, $0xB;
	s2 =	sand.u32 $0x3FFFC000, s2  }
0x1a5: {  	s0 =	sadd.s32 s25, s16;
	s4 =	sadd.s32 $0x8100, s2  }
0x1a6: {  	[hbm4b:s0+s30] =	stream.strided.scatter [tilespmem:s4], [sflag:$0x5], $0x400, s31, s30, $0x38;
	[tilespmem:$0x18100] =	vst v63  }
0x1a7: {  	s25 =	sadd.s32 $0x10, s0;
	s4 =	sadd.s32 $0x8500, s2  }
0x1a8: {  	[hbm4b:s25+s30] =	stream.strided.scatter [tilespmem:s4], [sflag:$0x5], $0x400, s31, s30, $0x38;
	[tilespmem:$0x18100] =	vst v63  }
0x1a9: {  	s4 =	sadd.s32 $0x8900, s2;
	s25 =	sadd.s32 $0x20, s0  }
0x1aa: {  	[hbm4b:s25+s30] =	stream.strided.scatter [tilespmem:s4], [sflag:$0x5], $0x400, s31, s30, $0x38;
	[tilespmem:$0x18100] =	vst v63  }
0x1ab: {  	s4 =	sadd.s32 $0x8D00, s2;
	s25 =	sadd.s32 $0x30, s0  }
0x1ac: {  	[hbm4b:s25+s30] =	stream.strided.scatter [tilespmem:s4], [sflag:$0x5], $0x400, s31, s30, $0x38;
	[tilespmem:$0x18100] =	vst v63  }
0x1ad: {  	s4 =	sadd.s32 $0x9100, s2;
	s25 =	sadd.s32 $0x40, s0  }
0x1ae: {  	[hbm4b:s25+s30] =	stream.strided.scatter [tilespmem:s4], [sflag:$0x5], $0x400, s31, s30, $0x38;
	[tilespmem:$0x18100] =	vst v63  }
0x1af: {  	s4 =	sadd.s32 $0x9500, s2;
	s25 =	sadd.s32 $0x50, s0  }
0x1b0: {  	[hbm4b:s25+s30] =	stream.strided.scatter [tilespmem:s4], [sflag:$0x5], $0x400, s31, s30, $0x38;
	[tilespmem:$0x18100] =	vst v63  }
0x1b1: {  	s4 =	sadd.s32 $0x9900, s2;
	s25 =	sadd.s32 $0x60, s0  }
0x1b2: {  	[hbm4b:s25+s30] =	stream.strided.scatter [tilespmem:s4], [sflag:$0x5], $0x400, s31, s30, $0x38;
	[tilespmem:$0x18100] =	vst v63  }
0x1b3: {  	s4 =	sadd.s32 $0x9D00, s2;
	s25 =	sadd.s32 $0x70, s0  }
0x1b4: {  	[hbm4b:s25+s30] =	stream.strided.scatter [tilespmem:s4], [sflag:$0x5], $0x400, s31, s30, $0x38;
	[tilespmem:$0x18100] =	vst v63  }
0x1b5: {  	s4 =	sadd.s32 $0xA100, s2;
	s25 =	sadd.s32 $0x80, s0  }
0x1b6: {  	[hbm4b:s25+s30] =	stream.strided.scatter [tilespmem:s4], [sflag:$0x5], $0x400, s31, s30, $0x38;
	[tilespmem:$0x18100] =	vst v63  }
0x1b7: {  	s4 =	sadd.s32 $0xA500, s2;
	s25 =	sadd.s32 $0x90, s0  }
0x1b8: {  	[hbm4b:s25+s30] =	stream.strided.scatter [tilespmem:s4], [sflag:$0x5], $0x400, s31, s30, $0x38;
	[tilespmem:$0x18100] =	vst v63  }
0x1b9: {  	s4 =	sadd.s32 $0xA900, s2;
	s25 =	sadd.s32 $0xA0, s0  }
0x1ba: {  	[hbm4b:s25+s30] =	stream.strided.scatter [tilespmem:s4], [sflag:$0x5], $0x400, s31, s30, $0x38;
	[tilespmem:$0x18100] =	vst v63  }
0x1bb: {  	s4 =	sadd.s32 $0xAD00, s2;
	s25 =	sadd.s32 $0xB0, s0  }
0x1bc: {  	[hbm4b:s25+s30] =	stream.strided.scatter [tilespmem:s4], [sflag:$0x5], $0x400, s31, s30, $0x38;
	[tilespmem:$0x18100] =	vst v63  }
0x1bd: {  	s4 =	sadd.s32 $0xB100, s2;
	s25 =	sadd.s32 $0xC0, s0  }
0x1be: {  	[hbm4b:s25+s30] =	stream.strided.scatter [tilespmem:s4], [sflag:$0x5], $0x400, s31, s30, $0x38;
	[tilespmem:$0x18100] =	vst v63  }
0x1bf: {  	p1 =	por p0, p0;
	s4 =	sadd.s32 $0xB500, s2;
	s25 =	sadd.s32 $0xD0, s0  }
0x1c0: {  	[hbm4b:s25+s30] =	stream.strided.scatter [tilespmem:s4], [sflag:$0x5], $0x400, s31, s30, $0x38;
	[tilespmem:$0x18100] =	vst v63  }
.Ltmp4:
0x1c1: {  	s4 =	sadd.s32 $0xB900, s2;
	s25 =	sadd.s32 $0xE0, s0;
	(pc) =	sbr.rel @p1 .LBB2_10-.Ltmp4, $4  }
0x1c2: {  	[hbm4b:s25+s30] =	stream.strided.scatter [tilespmem:s4], [sflag:$0x5], $0x400, s31, s30, $0x38;
	[tilespmem:$0x18100] =	vst v63  }
0x1c3: {  	s2 =	sadd.s32 $0xBD00, s2;
	s0 =	sadd.s32 $0xF0, s0  }
0x1c4: {  	[hbm4b:s0+s30] =	stream.strided.scatter [tilespmem:s2], [sflag:$0x5], $0x400, s31, s30, $0x38;
	[tilespmem:$0x18100] =	vst v63  }
0x1c5: {  	p0 =	por $0x0, $0x0;
	s0 =	simm.s32 $0x1  }
0x1c6: {  	s0 =	simm.s32 $0x4  }
0x1c7: {  	_ =	swait.ge [sflag:s0], $0x8000  }
0x1c8: {  	[sflag:s0] =	ssyncset.done $0x0  }
0x1c9: {  	[sflag:s0] =	ssyncadd.s32 $0xFFFF8000  }
0x1ca: {  	v3 =	vld [tilespmem:$0x60];
	_ =	sdelay $0x4  }
0x1cb: {  	v4 =	vshll.u32 v3, $0x4  }
0x1cc: {  	v3 =	vand.u32 $0x7, v3;
	v4 =	vand.u32 $0xFFFFFF80, v4  }
0x1cd: {  	v3 =	vor.u32 v3, v4  }
0x1ce: {  	v4 =	vperm.xlane v3, v0;
	_ =	sdelay $0x1  }
0x1cf: {  	v4 =	vadd.s32 v1, v4;
	_ =	sdelay $0x3  }
0x1d0: {  	s2 =	simm.s32 $0x100;
	s0 =	simm.s32 $0x0  }
0x1d1: {  	[tilespmem:s2], [sflag:$0x1] =	stream.indirect_vreg.gather [hbm4b:s1+s0], $0x80, v4, vm0, $0xb8;
	[tilespmem:$0x18100] =	vst v63  }
0x1d2: {  	s4 =	simm.s32 $0x900  }
0x1d3: {  	[tilespmem:s4], [sflag:$0x1] =	stream.indirect_vreg.gather [hbm4b:s5+s0], $0x80, v4, vm0, $0xb8;
	[tilespmem:$0x18100] =	vst v63  }
0x1d4: {  	s25 =	simm.s32 $0x1100  }
0x1d5: {  	[tilespmem:s25], [sflag:$0x1] =	stream.indirect_vreg.gather [hbm4b:s6+s0], $0x80, v4, vm0, $0xb8;
	[tilespmem:$0x18100] =	vst v63  }
0x1d6: {  	s4 =	simm.s32 $0x1900  }
0x1d7: {  	[tilespmem:s4], [sflag:$0x1] =	stream.indirect_vreg.gather [hbm4b:s7+s0], $0x80, v4, vm0, $0xb8;
	[tilespmem:$0x18100] =	vst v63  }
0x1d8: {  	s25 =	simm.s32 $0x2100  }
0x1d9: {  	[tilespmem:s25], [sflag:$0x1] =	stream.indirect_vreg.gather [hbm4b:s8+s0], $0x80, v4, vm0, $0xb8;
	[tilespmem:$0x18100] =	vst v63  }
0x1da: {  	v3 =	vperm.xlane v3, v2;
	s4 =	simm.s32 $0x2900  }
0x1db: {  	[tilespmem:s4], [sflag:$0x1] =	stream.indirect_vreg.gather [hbm4b:s9+s0], $0x80, v4, vm0, $0xb8;
	[tilespmem:$0x18100] =	vst v63  }
0x1dc: {  	v3 =	vadd.s32 v1, v3;
	s25 =	simm.s32 $0x3100  }
0x1dd: {  	[tilespmem:s25], [sflag:$0x1] =	stream.indirect_vreg.gather [hbm4b:s10+s0], $0x80, v4, vm0, $0xb8;
	[tilespmem:$0x18100] =	vst v63  }
0x1de: {  	s4 =	simm.s32 $0x3900  }
0x1df: {  	[tilespmem:s4], [sflag:$0x1] =	stream.indirect_vreg.gather [hbm4b:s12+s0], $0x80, v4, vm0, $0xb8;
	[tilespmem:$0x18100] =	vst v63  }
0x1e0: {  	s25 =	simm.s32 $0x4100  }
0x1e1: {  	[tilespmem:s25], [sflag:$0x1] =	stream.indirect_vreg.gather [hbm4b:s1+s0], $0x80, v3, vm0, $0xb8;
	[tilespmem:$0x18100] =	vst v63  }
0x1e2: {  	s4 =	simm.s32 $0x4900  }
0x1e3: {  	[tilespmem:s4], [sflag:$0x1] =	stream.indirect_vreg.gather [hbm4b:s5+s0], $0x80, v3, vm0, $0xb8;
	[tilespmem:$0x18100] =	vst v63  }
0x1e4: {  	s25 =	simm.s32 $0x5100  }
0x1e5: {  	[tilespmem:s25], [sflag:$0x1] =	stream.indirect_vreg.gather [hbm4b:s6+s0], $0x80, v3, vm0, $0xb8;
	[tilespmem:$0x18100] =	vst v63  }
0x1e6: {  	s4 =	simm.s32 $0x5900  }
0x1e7: {  	[tilespmem:s4], [sflag:$0x1] =	stream.indirect_vreg.gather [hbm4b:s7+s0], $0x80, v3, vm0, $0xb8;
	[tilespmem:$0x18100] =	vst v63  }
0x1e8: {  	s25 =	simm.s32 $0x6100  }
0x1e9: {  	[tilespmem:s25], [sflag:$0x1] =	stream.indirect_vreg.gather [hbm4b:s8+s0], $0x80, v3, vm0, $0xb8;
	[tilespmem:$0x18100] =	vst v63  }
0x1ea: {  	s4 =	simm.s32 $0x6900  }
0x1eb: {  	[tilespmem:s4], [sflag:$0x1] =	stream.indirect_vreg.gather [hbm4b:s9+s0], $0x80, v3, vm0, $0xb8;
	[tilespmem:$0x18100] =	vst v63  }
0x1ec: {  	s25 =	simm.s32 $0x7100  }
0x1ed: {  	[tilespmem:s25], [sflag:$0x1] =	stream.indirect_vreg.gather [hbm4b:s10+s0], $0x80, v3, vm0, $0xb8;
	[tilespmem:$0x18100] =	vst v63  }
0x1ee: {  	s4 =	simm.s32 $0x7900;
	s25 =	simm.s32 $0x3  }
0x1ef: {  	[tilespmem:s4], [sflag:$0x1] =	stream.indirect_vreg.gather [hbm4b:s12+s0], $0x80, v3, vm0, $0xb8;
	[tilespmem:$0x18100] =	vst v63  }
0x1f0: {  	_ =	swait.ge [sflag:s25], $0x8000  }
0x1f1: {  	[sflag:s25] =	ssyncset.done $0x0  }
0x1f2: {  	p0 =	por $0x1, $0x1;
	[sflag:s25] =	ssyncadd.s32 $0xFFFF8000  }
.LBB2_12:
0x1f3: {  	s2 =	sshll.u32 s0, $0xE  }
0x1f4: {  	s25 =	sshll.u32 s0, $0xB;
	s2 =	sand.u32 $0x3FFFC000, s2  }
0x1f5: {  	s0 =	sadd.s32 s25, s17;
	s4 =	sadd.s32 $0x10100, s2  }
0x1f6: {  	[hbm4b:s0+s30] =	stream.strided.scatter [tilespmem:s4], [sflag:$0x6], $0x400, s31, s30, $0x38;
	[tilespmem:$0x18100] =	vst v63  }
0x1f7: {  	s25 =	sadd.s32 $0x10, s0;
	s4 =	sadd.s32 $0x10500, s2  }
0x1f8: {  	[hbm4b:s25+s30] =	stream.strided.scatter [tilespmem:s4], [sflag:$0x6], $0x400, s31, s30, $0x38;
	[tilespmem:$0x18100] =	vst v63  }
0x1f9: {  	s4 =	sadd.s32 $0x10900, s2;
	s25 =	sadd.s32 $0x20, s0  }
0x1fa: {  	[hbm4b:s25+s30] =	stream.strided.scatter [tilespmem:s4], [sflag:$0x6], $0x400, s31, s30, $0x38;
	[tilespmem:$0x18100] =	vst v63  }
0x1fb: {  	s4 =	sadd.s32 $0x10D00, s2;
	s25 =	sadd.s32 $0x30, s0  }
0x1fc: {  	[hbm4b:s25+s30] =	stream.strided.scatter [tilespmem:s4], [sflag:$0x6], $0x400, s31, s30, $0x38;
	[tilespmem:$0x18100] =	vst v63  }
0x1fd: {  	s4 =	sadd.s32 $0x11100, s2;
	s25 =	sadd.s32 $0x40, s0  }
0x1fe: {  	[hbm4b:s25+s30] =	stream.strided.scatter [tilespmem:s4], [sflag:$0x6], $0x400, s31, s30, $0x38;
	[tilespmem:$0x18100] =	vst v63  }
0x1ff: {  	s4 =	sadd.s32 $0x11500, s2;
	s25 =	sadd.s32 $0x50, s0  }
0x200: {  	[hbm4b:s25+s30] =	stream.strided.scatter [tilespmem:s4], [sflag:$0x6], $0x400, s31, s30, $0x38;
	[tilespmem:$0x18100] =	vst v63  }
0x201: {  	s4 =	sadd.s32 $0x11900, s2;
	s25 =	sadd.s32 $0x60, s0  }
0x202: {  	[hbm4b:s25+s30] =	stream.strided.scatter [tilespmem:s4], [sflag:$0x6], $0x400, s31, s30, $0x38;
	[tilespmem:$0x18100] =	vst v63  }
0x203: {  	s4 =	sadd.s32 $0x11D00, s2;
	s25 =	sadd.s32 $0x70, s0  }
0x204: {  	[hbm4b:s25+s30] =	stream.strided.scatter [tilespmem:s4], [sflag:$0x6], $0x400, s31, s30, $0x38;
	[tilespmem:$0x18100] =	vst v63  }
0x205: {  	s4 =	sadd.s32 $0x12100, s2;
	s25 =	sadd.s32 $0x80, s0  }
0x206: {  	[hbm4b:s25+s30] =	stream.strided.scatter [tilespmem:s4], [sflag:$0x6], $0x400, s31, s30, $0x38;
	[tilespmem:$0x18100] =	vst v63  }
0x207: {  	s4 =	sadd.s32 $0x12500, s2;
	s25 =	sadd.s32 $0x90, s0  }
0x208: {  	[hbm4b:s25+s30] =	stream.strided.scatter [tilespmem:s4], [sflag:$0x6], $0x400, s31, s30, $0x38;
	[tilespmem:$0x18100] =	vst v63  }
0x209: {  	s4 =	sadd.s32 $0x12900, s2;
	s25 =	sadd.s32 $0xA0, s0  }
0x20a: {  	[hbm4b:s25+s30] =	stream.strided.scatter [tilespmem:s4], [sflag:$0x6], $0x400, s31, s30, $0x38;
	[tilespmem:$0x18100] =	vst v63  }
0x20b: {  	s4 =	sadd.s32 $0x12D00, s2;
	s25 =	sadd.s32 $0xB0, s0  }
0x20c: {  	[hbm4b:s25+s30] =	stream.strided.scatter [tilespmem:s4], [sflag:$0x6], $0x400, s31, s30, $0x38;
	[tilespmem:$0x18100] =	vst v63  }
0x20d: {  	s4 =	sadd.s32 $0x13100, s2;
	s25 =	sadd.s32 $0xC0, s0  }
0x20e: {  	[hbm4b:s25+s30] =	stream.strided.scatter [tilespmem:s4], [sflag:$0x6], $0x400, s31, s30, $0x38;
	[tilespmem:$0x18100] =	vst v63  }
0x20f: {  	p1 =	por p0, p0;
	s4 =	sadd.s32 $0x13500, s2;
	s25 =	sadd.s32 $0xD0, s0  }
0x210: {  	[hbm4b:s25+s30] =	stream.strided.scatter [tilespmem:s4], [sflag:$0x6], $0x400, s31, s30, $0x38;
	[tilespmem:$0x18100] =	vst v63  }
.Ltmp5:
0x211: {  	s4 =	sadd.s32 $0x13900, s2;
	s25 =	sadd.s32 $0xE0, s0;
	(pc) =	sbr.rel @p1 .LBB2_12-.Ltmp5, $4  }
0x212: {  	[hbm4b:s25+s30] =	stream.strided.scatter [tilespmem:s4], [sflag:$0x6], $0x400, s31, s30, $0x38;
	[tilespmem:$0x18100] =	vst v63  }
0x213: {  	s2 =	sadd.s32 $0x13D00, s2;
	s0 =	sadd.s32 $0xF0, s0  }
0x214: {  	[hbm4b:s0+s30] =	stream.strided.scatter [tilespmem:s2], [sflag:$0x6], $0x400, s31, s30, $0x38;
	[tilespmem:$0x18100] =	vst v63  }
0x215: {  	p0 =	por $0x0, $0x0;
	s0 =	simm.s32 $0x1  }
0x216: {  	s0 =	simm.s32 $0x5  }
0x217: {  	_ =	swait.ge [sflag:s0], $0x8000  }
0x218: {  	[sflag:s0] =	ssyncset.done $0x0  }
0x219: {  	[sflag:s0] =	ssyncadd.s32 $0xFFFF8000  }
0x21a: {  	v3 =	vld [tilespmem:$0x70];
	_ =	sdelay $0x4  }
0x21b: {  	v4 =	vshll.u32 v3, $0x4  }
0x21c: {  	v3 =	vand.u32 $0x7, v3;
	v4 =	vand.u32 $0xFFFFFF80, v4  }
0x21d: {  	v3 =	vor.u32 v3, v4  }
0x21e: {  	v4 =	vperm.xlane v3, v0;
	_ =	sdelay $0x1  }
0x21f: {  	v4 =	vadd.s32 v1, v4;
	_ =	sdelay $0x3  }
0x220: {  	s2 =	simm.s32 $0x8100;
	s0 =	simm.s32 $0x0  }
0x221: {  	[tilespmem:s2], [sflag:$0x2] =	stream.indirect_vreg.gather [hbm4b:s1+s0], $0x80, v4, vm0, $0xb8;
	[tilespmem:$0x18100] =	vst v63  }
0x222: {  	s4 =	simm.s32 $0x8900  }
0x223: {  	[tilespmem:s4], [sflag:$0x2] =	stream.indirect_vreg.gather [hbm4b:s5+s0], $0x80, v4, vm0, $0xb8;
	[tilespmem:$0x18100] =	vst v63  }
0x224: {  	s25 =	simm.s32 $0x9100  }
0x225: {  	[tilespmem:s25], [sflag:$0x2] =	stream.indirect_vreg.gather [hbm4b:s6+s0], $0x80, v4, vm0, $0xb8;
	[tilespmem:$0x18100] =	vst v63  }
0x226: {  	s4 =	simm.s32 $0x9900  }
0x227: {  	[tilespmem:s4], [sflag:$0x2] =	stream.indirect_vreg.gather [hbm4b:s7+s0], $0x80, v4, vm0, $0xb8;
	[tilespmem:$0x18100] =	vst v63  }
0x228: {  	s25 =	simm.s32 $0xA100  }
0x229: {  	[tilespmem:s25], [sflag:$0x2] =	stream.indirect_vreg.gather [hbm4b:s8+s0], $0x80, v4, vm0, $0xb8;
	[tilespmem:$0x18100] =	vst v63  }
0x22a: {  	v3 =	vperm.xlane v3, v2;
	s4 =	simm.s32 $0xA900  }
0x22b: {  	[tilespmem:s4], [sflag:$0x2] =	stream.indirect_vreg.gather [hbm4b:s9+s0], $0x80, v4, vm0, $0xb8;
	[tilespmem:$0x18100] =	vst v63  }
0x22c: {  	v3 =	vadd.s32 v1, v3;
	s25 =	simm.s32 $0xB100  }
0x22d: {  	[tilespmem:s25], [sflag:$0x2] =	stream.indirect_vreg.gather [hbm4b:s10+s0], $0x80, v4, vm0, $0xb8;
	[tilespmem:$0x18100] =	vst v63  }
0x22e: {  	s4 =	simm.s32 $0xB900  }
0x22f: {  	[tilespmem:s4], [sflag:$0x2] =	stream.indirect_vreg.gather [hbm4b:s12+s0], $0x80, v4, vm0, $0xb8;
	[tilespmem:$0x18100] =	vst v63  }
0x230: {  	s25 =	simm.s32 $0xC100  }
0x231: {  	[tilespmem:s25], [sflag:$0x2] =	stream.indirect_vreg.gather [hbm4b:s1+s0], $0x80, v3, vm0, $0xb8;
	[tilespmem:$0x18100] =	vst v63  }
0x232: {  	s4 =	simm.s32 $0xC900  }
0x233: {  	[tilespmem:s4], [sflag:$0x2] =	stream.indirect_vreg.gather [hbm4b:s5+s0], $0x80, v3, vm0, $0xb8;
	[tilespmem:$0x18100] =	vst v63  }
0x234: {  	s25 =	simm.s32 $0xD100  }
0x235: {  	[tilespmem:s25], [sflag:$0x2] =	stream.indirect_vreg.gather [hbm4b:s6+s0], $0x80, v3, vm0, $0xb8;
	[tilespmem:$0x18100] =	vst v63  }
0x236: {  	s4 =	simm.s32 $0xD900  }
0x237: {  	[tilespmem:s4], [sflag:$0x2] =	stream.indirect_vreg.gather [hbm4b:s7+s0], $0x80, v3, vm0, $0xb8;
	[tilespmem:$0x18100] =	vst v63  }
0x238: {  	s25 =	simm.s32 $0xE100  }
0x239: {  	[tilespmem:s25], [sflag:$0x2] =	stream.indirect_vreg.gather [hbm4b:s8+s0], $0x80, v3, vm0, $0xb8;
	[tilespmem:$0x18100] =	vst v63  }
0x23a: {  	s4 =	simm.s32 $0xE900  }
0x23b: {  	[tilespmem:s4], [sflag:$0x2] =	stream.indirect_vreg.gather [hbm4b:s9+s0], $0x80, v3, vm0, $0xb8;
	[tilespmem:$0x18100] =	vst v63  }
0x23c: {  	s25 =	simm.s32 $0xF100  }
0x23d: {  	[tilespmem:s25], [sflag:$0x2] =	stream.indirect_vreg.gather [hbm4b:s10+s0], $0x80, v3, vm0, $0xb8;
	[tilespmem:$0x18100] =	vst v63  }
0x23e: {  	s4 =	simm.s32 $0xF900;
	s25 =	simm.s32 $0x1  }
0x23f: {  	[tilespmem:s4], [sflag:$0x2] =	stream.indirect_vreg.gather [hbm4b:s12+s0], $0x80, v3, vm0, $0xb8;
	[tilespmem:$0x18100] =	vst v63  }
0x240: {  	_ =	swait.ge [sflag:s25], $0x8000  }
0x241: {  	[sflag:s25] =	ssyncset.done $0x0  }
0x242: {  	p0 =	por $0x1, $0x1;
	[sflag:s25] =	ssyncadd.s32 $0xFFFF8000  }
.LBB2_14:
0x243: {  	s2 =	sshll.u32 s0, $0xE  }
0x244: {  	s25 =	sshll.u32 s0, $0xB;
	s2 =	sand.u32 $0x3FFFC000, s2  }
0x245: {  	s0 =	sadd.s32 s25, s18;
	s4 =	sor.u32 $0x100, s2  }
0x246: {  	[hbm4b:s0+s30] =	stream.strided.scatter [tilespmem:s4], [sflag:$0x4], $0x400, s31, s30, $0x38;
	[tilespmem:$0x18100] =	vst v63  }
0x247: {  	s25 =	sadd.s32 $0x10, s0;
	s4 =	sor.u32 $0x500, s2  }
0x248: {  	[hbm4b:s25+s30] =	stream.strided.scatter [tilespmem:s4], [sflag:$0x4], $0x400, s31, s30, $0x38;
	[tilespmem:$0x18100] =	vst v63  }
0x249: {  	s4 =	sor.u32 $0x900, s2;
	s25 =	sadd.s32 $0x20, s0  }
0x24a: {  	[hbm4b:s25+s30] =	stream.strided.scatter [tilespmem:s4], [sflag:$0x4], $0x400, s31, s30, $0x38;
	[tilespmem:$0x18100] =	vst v63  }
0x24b: {  	s4 =	sor.u32 $0xD00, s2;
	s25 =	sadd.s32 $0x30, s0  }
0x24c: {  	[hbm4b:s25+s30] =	stream.strided.scatter [tilespmem:s4], [sflag:$0x4], $0x400, s31, s30, $0x38;
	[tilespmem:$0x18100] =	vst v63  }
0x24d: {  	s4 =	sor.u32 $0x1100, s2;
	s25 =	sadd.s32 $0x40, s0  }
0x24e: {  	[hbm4b:s25+s30] =	stream.strided.scatter [tilespmem:s4], [sflag:$0x4], $0x400, s31, s30, $0x38;
	[tilespmem:$0x18100] =	vst v63  }
0x24f: {  	s4 =	sor.u32 $0x1500, s2;
	s25 =	sadd.s32 $0x50, s0  }
0x250: {  	[hbm4b:s25+s30] =	stream.strided.scatter [tilespmem:s4], [sflag:$0x4], $0x400, s31, s30, $0x38;
	[tilespmem:$0x18100] =	vst v63  }
0x251: {  	s4 =	sor.u32 $0x1900, s2;
	s25 =	sadd.s32 $0x60, s0  }
0x252: {  	[hbm4b:s25+s30] =	stream.strided.scatter [tilespmem:s4], [sflag:$0x4], $0x400, s31, s30, $0x38;
	[tilespmem:$0x18100] =	vst v63  }
0x253: {  	s4 =	sor.u32 $0x1D00, s2;
	s25 =	sadd.s32 $0x70, s0  }
0x254: {  	[hbm4b:s25+s30] =	stream.strided.scatter [tilespmem:s4], [sflag:$0x4], $0x400, s31, s30, $0x38;
	[tilespmem:$0x18100] =	vst v63  }
0x255: {  	s4 =	sor.u32 $0x2100, s2;
	s25 =	sadd.s32 $0x80, s0  }
0x256: {  	[hbm4b:s25+s30] =	stream.strided.scatter [tilespmem:s4], [sflag:$0x4], $0x400, s31, s30, $0x38;
	[tilespmem:$0x18100] =	vst v63  }
0x257: {  	s4 =	sor.u32 $0x2500, s2;
	s25 =	sadd.s32 $0x90, s0  }
0x258: {  	[hbm4b:s25+s30] =	stream.strided.scatter [tilespmem:s4], [sflag:$0x4], $0x400, s31, s30, $0x38;
	[tilespmem:$0x18100] =	vst v63  }
0x259: {  	s4 =	sor.u32 $0x2900, s2;
	s25 =	sadd.s32 $0xA0, s0  }
0x25a: {  	[hbm4b:s25+s30] =	stream.strided.scatter [tilespmem:s4], [sflag:$0x4], $0x400, s31, s30, $0x38;
	[tilespmem:$0x18100] =	vst v63  }
0x25b: {  	s4 =	sor.u32 $0x2D00, s2;
	s25 =	sadd.s32 $0xB0, s0  }
0x25c: {  	[hbm4b:s25+s30] =	stream.strided.scatter [tilespmem:s4], [sflag:$0x4], $0x400, s31, s30, $0x38;
	[tilespmem:$0x18100] =	vst v63  }
0x25d: {  	s4 =	sor.u32 $0x3100, s2;
	s25 =	sadd.s32 $0xC0, s0  }
0x25e: {  	[hbm4b:s25+s30] =	stream.strided.scatter [tilespmem:s4], [sflag:$0x4], $0x400, s31, s30, $0x38;
	[tilespmem:$0x18100] =	vst v63  }
0x25f: {  	p1 =	por p0, p0;
	s4 =	sor.u32 $0x3500, s2;
	s25 =	sadd.s32 $0xD0, s0  }
0x260: {  	[hbm4b:s25+s30] =	stream.strided.scatter [tilespmem:s4], [sflag:$0x4], $0x400, s31, s30, $0x38;
	[tilespmem:$0x18100] =	vst v63  }
.Ltmp6:
0x261: {  	s4 =	sor.u32 $0x3900, s2;
	s25 =	sadd.s32 $0xE0, s0;
	(pc) =	sbr.rel @p1 .LBB2_14-.Ltmp6, $4  }
0x262: {  	[hbm4b:s25+s30] =	stream.strided.scatter [tilespmem:s4], [sflag:$0x4], $0x400, s31, s30, $0x38;
	[tilespmem:$0x18100] =	vst v63  }
0x263: {  	s2 =	sor.u32 $0x3D00, s2;
	s0 =	sadd.s32 $0xF0, s0  }
0x264: {  	[hbm4b:s0+s30] =	stream.strided.scatter [tilespmem:s2], [sflag:$0x4], $0x400, s31, s30, $0x38;
	[tilespmem:$0x18100] =	vst v63  }
0x265: {  	p0 =	por $0x0, $0x0;
	s0 =	simm.s32 $0x1  }
0x266: {  	s0 =	simm.s32 $0x6  }
0x267: {  	_ =	swait.ge [sflag:s0], $0x8000  }
0x268: {  	[sflag:s0] =	ssyncset.done $0x0  }
0x269: {  	[sflag:s0] =	ssyncadd.s32 $0xFFFF8000  }
0x26a: {  	v3 =	vld [tilespmem:$0x80];
	_ =	sdelay $0x4  }
0x26b: {  	v4 =	vshll.u32 v3, $0x4  }
0x26c: {  	v3 =	vand.u32 $0x7, v3;
	v4 =	vand.u32 $0xFFFFFF80, v4  }
0x26d: {  	v3 =	vor.u32 v3, v4  }
0x26e: {  	v4 =	vperm.xlane v3, v0;
	_ =	sdelay $0x1  }
0x26f: {  	v4 =	vadd.s32 v1, v4;
	_ =	sdelay $0x3  }
0x270: {  	s2 =	simm.s32 $0x10100;
	s0 =	simm.s32 $0x0  }
0x271: {  	[tilespmem:s2], [sflag:$0x3] =	stream.indirect_vreg.gather [hbm4b:s1+s0], $0x80, v4, vm0, $0xb8;
	[tilespmem:$0x18100] =	vst v63  }
0x272: {  	s4 =	simm.s32 $0x10900  }
0x273: {  	[tilespmem:s4], [sflag:$0x3] =	stream.indirect_vreg.gather [hbm4b:s5+s0], $0x80, v4, vm0, $0xb8;
	[tilespmem:$0x18100] =	vst v63  }
0x274: {  	s25 =	simm.s32 $0x11100  }
0x275: {  	[tilespmem:s25], [sflag:$0x3] =	stream.indirect_vreg.gather [hbm4b:s6+s0], $0x80, v4, vm0, $0xb8;
	[tilespmem:$0x18100] =	vst v63  }
0x276: {  	s4 =	simm.s32 $0x11900  }
0x277: {  	[tilespmem:s4], [sflag:$0x3] =	stream.indirect_vreg.gather [hbm4b:s7+s0], $0x80, v4, vm0, $0xb8;
	[tilespmem:$0x18100] =	vst v63  }
0x278: {  	s25 =	simm.s32 $0x12100  }
0x279: {  	[tilespmem:s25], [sflag:$0x3] =	stream.indirect_vreg.gather [hbm4b:s8+s0], $0x80, v4, vm0, $0xb8;
	[tilespmem:$0x18100] =	vst v63  }
0x27a: {  	v3 =	vperm.xlane v3, v2;
	s4 =	simm.s32 $0x12900  }
0x27b: {  	[tilespmem:s4], [sflag:$0x3] =	stream.indirect_vreg.gather [hbm4b:s9+s0], $0x80, v4, vm0, $0xb8;
	[tilespmem:$0x18100] =	vst v63  }
0x27c: {  	v3 =	vadd.s32 v1, v3;
	s25 =	simm.s32 $0x13100  }
0x27d: {  	[tilespmem:s25], [sflag:$0x3] =	stream.indirect_vreg.gather [hbm4b:s10+s0], $0x80, v4, vm0, $0xb8;
	[tilespmem:$0x18100] =	vst v63  }
0x27e: {  	s4 =	simm.s32 $0x13900  }
0x27f: {  	[tilespmem:s4], [sflag:$0x3] =	stream.indirect_vreg.gather [hbm4b:s12+s0], $0x80, v4, vm0, $0xb8;
	[tilespmem:$0x18100] =	vst v63  }
0x280: {  	s25 =	simm.s32 $0x14100  }
0x281: {  	[tilespmem:s25], [sflag:$0x3] =	stream.indirect_vreg.gather [hbm4b:s1+s0], $0x80, v3, vm0, $0xb8;
	[tilespmem:$0x18100] =	vst v63  }
0x282: {  	s4 =	simm.s32 $0x14900  }
0x283: {  	[tilespmem:s4], [sflag:$0x3] =	stream.indirect_vreg.gather [hbm4b:s5+s0], $0x80, v3, vm0, $0xb8;
	[tilespmem:$0x18100] =	vst v63  }
0x284: {  	s25 =	simm.s32 $0x15100  }
0x285: {  	[tilespmem:s25], [sflag:$0x3] =	stream.indirect_vreg.gather [hbm4b:s6+s0], $0x80, v3, vm0, $0xb8;
	[tilespmem:$0x18100] =	vst v63  }
0x286: {  	s4 =	simm.s32 $0x15900  }
0x287: {  	[tilespmem:s4], [sflag:$0x3] =	stream.indirect_vreg.gather [hbm4b:s7+s0], $0x80, v3, vm0, $0xb8;
	[tilespmem:$0x18100] =	vst v63  }
0x288: {  	s25 =	simm.s32 $0x16100  }
0x289: {  	[tilespmem:s25], [sflag:$0x3] =	stream.indirect_vreg.gather [hbm4b:s8+s0], $0x80, v3, vm0, $0xb8;
	[tilespmem:$0x18100] =	vst v63  }
0x28a: {  	s4 =	simm.s32 $0x16900  }
0x28b: {  	[tilespmem:s4], [sflag:$0x3] =	stream.indirect_vreg.gather [hbm4b:s9+s0], $0x80, v3, vm0, $0xb8;
	[tilespmem:$0x18100] =	vst v63  }
0x28c: {  	s25 =	simm.s32 $0x17100  }
0x28d: {  	[tilespmem:s25], [sflag:$0x3] =	stream.indirect_vreg.gather [hbm4b:s10+s0], $0x80, v3, vm0, $0xb8;
	[tilespmem:$0x18100] =	vst v63  }
0x28e: {  	s4 =	simm.s32 $0x17900;
	s25 =	simm.s32 $0x2  }
0x28f: {  	[tilespmem:s4], [sflag:$0x3] =	stream.indirect_vreg.gather [hbm4b:s12+s0], $0x80, v3, vm0, $0xb8;
	[tilespmem:$0x18100] =	vst v63  }
0x290: {  	_ =	swait.ge [sflag:s25], $0x8000  }
0x291: {  	[sflag:s25] =	ssyncset.done $0x0  }
0x292: {  	p0 =	por $0x1, $0x1;
	[sflag:s25] =	ssyncadd.s32 $0xFFFF8000  }
.LBB2_16:
0x293: {  	s2 =	sshll.u32 s0, $0xE  }
0x294: {  	s25 =	sshll.u32 s0, $0xB;
	s2 =	sand.u32 $0x3FFFC000, s2  }
0x295: {  	s0 =	sadd.s32 s25, s19;
	s4 =	sadd.s32 $0x8100, s2  }
0x296: {  	[hbm4b:s0+s30] =	stream.strided.scatter [tilespmem:s4], [sflag:$0x5], $0x400, s31, s30, $0x38;
	[tilespmem:$0x18100] =	vst v63  }
0x297: {  	s25 =	sadd.s32 $0x10, s0;
	s4 =	sadd.s32 $0x8500, s2  }
0x298: {  	[hbm4b:s25+s30] =	stream.strided.scatter [tilespmem:s4], [sflag:$0x5], $0x400, s31, s30, $0x38;
	[tilespmem:$0x18100] =	vst v63  }
0x299: {  	s4 =	sadd.s32 $0x8900, s2;
	s25 =	sadd.s32 $0x20, s0  }
0x29a: {  	[hbm4b:s25+s30] =	stream.strided.scatter [tilespmem:s4], [sflag:$0x5], $0x400, s31, s30, $0x38;
	[tilespmem:$0x18100] =	vst v63  }
0x29b: {  	s4 =	sadd.s32 $0x8D00, s2;
	s25 =	sadd.s32 $0x30, s0  }
0x29c: {  	[hbm4b:s25+s30] =	stream.strided.scatter [tilespmem:s4], [sflag:$0x5], $0x400, s31, s30, $0x38;
	[tilespmem:$0x18100] =	vst v63  }
0x29d: {  	s4 =	sadd.s32 $0x9100, s2;
	s25 =	sadd.s32 $0x40, s0  }
0x29e: {  	[hbm4b:s25+s30] =	stream.strided.scatter [tilespmem:s4], [sflag:$0x5], $0x400, s31, s30, $0x38;
	[tilespmem:$0x18100] =	vst v63  }
0x29f: {  	s4 =	sadd.s32 $0x9500, s2;
	s25 =	sadd.s32 $0x50, s0  }
0x2a0: {  	[hbm4b:s25+s30] =	stream.strided.scatter [tilespmem:s4], [sflag:$0x5], $0x400, s31, s30, $0x38;
	[tilespmem:$0x18100] =	vst v63  }
0x2a1: {  	s4 =	sadd.s32 $0x9900, s2;
	s25 =	sadd.s32 $0x60, s0  }
0x2a2: {  	[hbm4b:s25+s30] =	stream.strided.scatter [tilespmem:s4], [sflag:$0x5], $0x400, s31, s30, $0x38;
	[tilespmem:$0x18100] =	vst v63  }
0x2a3: {  	s4 =	sadd.s32 $0x9D00, s2;
	s25 =	sadd.s32 $0x70, s0  }
0x2a4: {  	[hbm4b:s25+s30] =	stream.strided.scatter [tilespmem:s4], [sflag:$0x5], $0x400, s31, s30, $0x38;
	[tilespmem:$0x18100] =	vst v63  }
0x2a5: {  	s4 =	sadd.s32 $0xA100, s2;
	s25 =	sadd.s32 $0x80, s0  }
0x2a6: {  	[hbm4b:s25+s30] =	stream.strided.scatter [tilespmem:s4], [sflag:$0x5], $0x400, s31, s30, $0x38;
	[tilespmem:$0x18100] =	vst v63  }
0x2a7: {  	s4 =	sadd.s32 $0xA500, s2;
	s25 =	sadd.s32 $0x90, s0  }
0x2a8: {  	[hbm4b:s25+s30] =	stream.strided.scatter [tilespmem:s4], [sflag:$0x5], $0x400, s31, s30, $0x38;
	[tilespmem:$0x18100] =	vst v63  }
0x2a9: {  	s4 =	sadd.s32 $0xA900, s2;
	s25 =	sadd.s32 $0xA0, s0  }
0x2aa: {  	[hbm4b:s25+s30] =	stream.strided.scatter [tilespmem:s4], [sflag:$0x5], $0x400, s31, s30, $0x38;
	[tilespmem:$0x18100] =	vst v63  }
0x2ab: {  	s4 =	sadd.s32 $0xAD00, s2;
	s25 =	sadd.s32 $0xB0, s0  }
0x2ac: {  	[hbm4b:s25+s30] =	stream.strided.scatter [tilespmem:s4], [sflag:$0x5], $0x400, s31, s30, $0x38;
	[tilespmem:$0x18100] =	vst v63  }
0x2ad: {  	s4 =	sadd.s32 $0xB100, s2;
	s25 =	sadd.s32 $0xC0, s0  }
0x2ae: {  	[hbm4b:s25+s30] =	stream.strided.scatter [tilespmem:s4], [sflag:$0x5], $0x400, s31, s30, $0x38;
	[tilespmem:$0x18100] =	vst v63  }
0x2af: {  	p1 =	por p0, p0;
	s4 =	sadd.s32 $0xB500, s2;
	s25 =	sadd.s32 $0xD0, s0  }
0x2b0: {  	[hbm4b:s25+s30] =	stream.strided.scatter [tilespmem:s4], [sflag:$0x5], $0x400, s31, s30, $0x38;
	[tilespmem:$0x18100] =	vst v63  }
.Ltmp7:
0x2b1: {  	s4 =	sadd.s32 $0xB900, s2;
	s25 =	sadd.s32 $0xE0, s0;
	(pc) =	sbr.rel @p1 .LBB2_16-.Ltmp7, $4  }
0x2b2: {  	[hbm4b:s25+s30] =	stream.strided.scatter [tilespmem:s4], [sflag:$0x5], $0x400, s31, s30, $0x38;
	[tilespmem:$0x18100] =	vst v63  }
0x2b3: {  	s2 =	sadd.s32 $0xBD00, s2;
	s0 =	sadd.s32 $0xF0, s0  }
0x2b4: {  	[hbm4b:s0+s30] =	stream.strided.scatter [tilespmem:s2], [sflag:$0x5], $0x400, s31, s30, $0x38;
	[tilespmem:$0x18100] =	vst v63  }
0x2b5: {  	p0 =	por $0x0, $0x0;
	s0 =	simm.s32 $0x1  }
0x2b6: {  	s0 =	simm.s32 $0x4  }
0x2b7: {  	_ =	swait.ge [sflag:s0], $0x8000  }
0x2b8: {  	[sflag:s0] =	ssyncset.done $0x0  }
0x2b9: {  	[sflag:s0] =	ssyncadd.s32 $0xFFFF8000  }
0x2ba: {  	v3 =	vld [tilespmem:$0x90];
	_ =	sdelay $0x4  }
0x2bb: {  	v4 =	vshll.u32 v3, $0x4  }
0x2bc: {  	v3 =	vand.u32 $0x7, v3;
	v4 =	vand.u32 $0xFFFFFF80, v4  }
0x2bd: {  	v3 =	vor.u32 v3, v4  }
0x2be: {  	v4 =	vperm.xlane v3, v0;
	_ =	sdelay $0x1  }
0x2bf: {  	v4 =	vadd.s32 v1, v4;
	_ =	sdelay $0x3  }
0x2c0: {  	s2 =	simm.s32 $0x100;
	s0 =	simm.s32 $0x0  }
0x2c1: {  	[tilespmem:s2], [sflag:$0x1] =	stream.indirect_vreg.gather [hbm4b:s1+s0], $0x80, v4, vm0, $0xb8;
	[tilespmem:$0x18100] =	vst v63  }
0x2c2: {  	s4 =	simm.s32 $0x900  }
0x2c3: {  	[tilespmem:s4], [sflag:$0x1] =	stream.indirect_vreg.gather [hbm4b:s5+s0], $0x80, v4, vm0, $0xb8;
	[tilespmem:$0x18100] =	vst v63  }
0x2c4: {  	s25 =	simm.s32 $0x1100  }
0x2c5: {  	[tilespmem:s25], [sflag:$0x1] =	stream.indirect_vreg.gather [hbm4b:s6+s0], $0x80, v4, vm0, $0xb8;
	[tilespmem:$0x18100] =	vst v63  }
0x2c6: {  	s4 =	simm.s32 $0x1900  }
0x2c7: {  	[tilespmem:s4], [sflag:$0x1] =	stream.indirect_vreg.gather [hbm4b:s7+s0], $0x80, v4, vm0, $0xb8;
	[tilespmem:$0x18100] =	vst v63  }
0x2c8: {  	s25 =	simm.s32 $0x2100  }
0x2c9: {  	[tilespmem:s25], [sflag:$0x1] =	stream.indirect_vreg.gather [hbm4b:s8+s0], $0x80, v4, vm0, $0xb8;
	[tilespmem:$0x18100] =	vst v63  }
0x2ca: {  	v3 =	vperm.xlane v3, v2;
	s4 =	simm.s32 $0x2900  }
0x2cb: {  	[tilespmem:s4], [sflag:$0x1] =	stream.indirect_vreg.gather [hbm4b:s9+s0], $0x80, v4, vm0, $0xb8;
	[tilespmem:$0x18100] =	vst v63  }
0x2cc: {  	v3 =	vadd.s32 v1, v3;
	s25 =	simm.s32 $0x3100  }
0x2cd: {  	[tilespmem:s25], [sflag:$0x1] =	stream.indirect_vreg.gather [hbm4b:s10+s0], $0x80, v4, vm0, $0xb8;
	[tilespmem:$0x18100] =	vst v63  }
0x2ce: {  	s4 =	simm.s32 $0x3900  }
0x2cf: {  	[tilespmem:s4], [sflag:$0x1] =	stream.indirect_vreg.gather [hbm4b:s12+s0], $0x80, v4, vm0, $0xb8;
	[tilespmem:$0x18100] =	vst v63  }
0x2d0: {  	s25 =	simm.s32 $0x4100  }
0x2d1: {  	[tilespmem:s25], [sflag:$0x1] =	stream.indirect_vreg.gather [hbm4b:s1+s0], $0x80, v3, vm0, $0xb8;
	[tilespmem:$0x18100] =	vst v63  }
0x2d2: {  	s4 =	simm.s32 $0x4900  }
0x2d3: {  	[tilespmem:s4], [sflag:$0x1] =	stream.indirect_vreg.gather [hbm4b:s5+s0], $0x80, v3, vm0, $0xb8;
	[tilespmem:$0x18100] =	vst v63  }
0x2d4: {  	s25 =	simm.s32 $0x5100  }
0x2d5: {  	[tilespmem:s25], [sflag:$0x1] =	stream.indirect_vreg.gather [hbm4b:s6+s0], $0x80, v3, vm0, $0xb8;
	[tilespmem:$0x18100] =	vst v63  }
0x2d6: {  	s4 =	simm.s32 $0x5900  }
0x2d7: {  	[tilespmem:s4], [sflag:$0x1] =	stream.indirect_vreg.gather [hbm4b:s7+s0], $0x80, v3, vm0, $0xb8;
	[tilespmem:$0x18100] =	vst v63  }
0x2d8: {  	s25 =	simm.s32 $0x6100  }
0x2d9: {  	[tilespmem:s25], [sflag:$0x1] =	stream.indirect_vreg.gather [hbm4b:s8+s0], $0x80, v3, vm0, $0xb8;
	[tilespmem:$0x18100] =	vst v63  }
0x2da: {  	s4 =	simm.s32 $0x6900  }
0x2db: {  	[tilespmem:s4], [sflag:$0x1] =	stream.indirect_vreg.gather [hbm4b:s9+s0], $0x80, v3, vm0, $0xb8;
	[tilespmem:$0x18100] =	vst v63  }
0x2dc: {  	s25 =	simm.s32 $0x7100  }
0x2dd: {  	[tilespmem:s25], [sflag:$0x1] =	stream.indirect_vreg.gather [hbm4b:s10+s0], $0x80, v3, vm0, $0xb8;
	[tilespmem:$0x18100] =	vst v63  }
0x2de: {  	s4 =	simm.s32 $0x7900;
	s25 =	simm.s32 $0x3  }
0x2df: {  	[tilespmem:s4], [sflag:$0x1] =	stream.indirect_vreg.gather [hbm4b:s12+s0], $0x80, v3, vm0, $0xb8;
	[tilespmem:$0x18100] =	vst v63  }
0x2e0: {  	_ =	swait.ge [sflag:s25], $0x8000  }
0x2e1: {  	[sflag:s25] =	ssyncset.done $0x0  }
0x2e2: {  	p0 =	por $0x1, $0x1;
	[sflag:s25] =	ssyncadd.s32 $0xFFFF8000  }
.LBB2_18:
0x2e3: {  	s2 =	sshll.u32 s0, $0xE  }
0x2e4: {  	s25 =	sshll.u32 s0, $0xB;
	s2 =	sand.u32 $0x3FFFC000, s2  }
0x2e5: {  	s0 =	sadd.s32 s25, s20;
	s4 =	sadd.s32 $0x10100, s2  }
0x2e6: {  	[hbm4b:s0+s30] =	stream.strided.scatter [tilespmem:s4], [sflag:$0x6], $0x400, s31, s30, $0x38;
	[tilespmem:$0x18100] =	vst v63  }
0x2e7: {  	s25 =	sadd.s32 $0x10, s0;
	s4 =	sadd.s32 $0x10500, s2  }
0x2e8: {  	[hbm4b:s25+s30] =	stream.strided.scatter [tilespmem:s4], [sflag:$0x6], $0x400, s31, s30, $0x38;
	[tilespmem:$0x18100] =	vst v63  }
0x2e9: {  	s4 =	sadd.s32 $0x10900, s2;
	s25 =	sadd.s32 $0x20, s0  }
0x2ea: {  	[hbm4b:s25+s30] =	stream.strided.scatter [tilespmem:s4], [sflag:$0x6], $0x400, s31, s30, $0x38;
	[tilespmem:$0x18100] =	vst v63  }
0x2eb: {  	s4 =	sadd.s32 $0x10D00, s2;
	s25 =	sadd.s32 $0x30, s0  }
0x2ec: {  	[hbm4b:s25+s30] =	stream.strided.scatter [tilespmem:s4], [sflag:$0x6], $0x400, s31, s30, $0x38;
	[tilespmem:$0x18100] =	vst v63  }
0x2ed: {  	s4 =	sadd.s32 $0x11100, s2;
	s25 =	sadd.s32 $0x40, s0  }
0x2ee: {  	[hbm4b:s25+s30] =	stream.strided.scatter [tilespmem:s4], [sflag:$0x6], $0x400, s31, s30, $0x38;
	[tilespmem:$0x18100] =	vst v63  }
0x2ef: {  	s4 =	sadd.s32 $0x11500, s2;
	s25 =	sadd.s32 $0x50, s0  }
0x2f0: {  	[hbm4b:s25+s30] =	stream.strided.scatter [tilespmem:s4], [sflag:$0x6], $0x400, s31, s30, $0x38;
	[tilespmem:$0x18100] =	vst v63  }
0x2f1: {  	s4 =	sadd.s32 $0x11900, s2;
	s25 =	sadd.s32 $0x60, s0  }
0x2f2: {  	[hbm4b:s25+s30] =	stream.strided.scatter [tilespmem:s4], [sflag:$0x6], $0x400, s31, s30, $0x38;
	[tilespmem:$0x18100] =	vst v63  }
0x2f3: {  	s4 =	sadd.s32 $0x11D00, s2;
	s25 =	sadd.s32 $0x70, s0  }
0x2f4: {  	[hbm4b:s25+s30] =	stream.strided.scatter [tilespmem:s4], [sflag:$0x6], $0x400, s31, s30, $0x38;
	[tilespmem:$0x18100] =	vst v63  }
0x2f5: {  	s4 =	sadd.s32 $0x12100, s2;
	s25 =	sadd.s32 $0x80, s0  }
0x2f6: {  	[hbm4b:s25+s30] =	stream.strided.scatter [tilespmem:s4], [sflag:$0x6], $0x400, s31, s30, $0x38;
	[tilespmem:$0x18100] =	vst v63  }
0x2f7: {  	s4 =	sadd.s32 $0x12500, s2;
	s25 =	sadd.s32 $0x90, s0  }
0x2f8: {  	[hbm4b:s25+s30] =	stream.strided.scatter [tilespmem:s4], [sflag:$0x6], $0x400, s31, s30, $0x38;
	[tilespmem:$0x18100] =	vst v63  }
0x2f9: {  	s4 =	sadd.s32 $0x12900, s2;
	s25 =	sadd.s32 $0xA0, s0  }
0x2fa: {  	[hbm4b:s25+s30] =	stream.strided.scatter [tilespmem:s4], [sflag:$0x6], $0x400, s31, s30, $0x38;
	[tilespmem:$0x18100] =	vst v63  }
0x2fb: {  	s4 =	sadd.s32 $0x12D00, s2;
	s25 =	sadd.s32 $0xB0, s0  }
0x2fc: {  	[hbm4b:s25+s30] =	stream.strided.scatter [tilespmem:s4], [sflag:$0x6], $0x400, s31, s30, $0x38;
	[tilespmem:$0x18100] =	vst v63  }
0x2fd: {  	s4 =	sadd.s32 $0x13100, s2;
	s25 =	sadd.s32 $0xC0, s0  }
0x2fe: {  	[hbm4b:s25+s30] =	stream.strided.scatter [tilespmem:s4], [sflag:$0x6], $0x400, s31, s30, $0x38;
	[tilespmem:$0x18100] =	vst v63  }
0x2ff: {  	p1 =	por p0, p0;
	s4 =	sadd.s32 $0x13500, s2;
	s25 =	sadd.s32 $0xD0, s0  }
0x300: {  	[hbm4b:s25+s30] =	stream.strided.scatter [tilespmem:s4], [sflag:$0x6], $0x400, s31, s30, $0x38;
	[tilespmem:$0x18100] =	vst v63  }
.Ltmp8:
0x301: {  	s4 =	sadd.s32 $0x13900, s2;
	s25 =	sadd.s32 $0xE0, s0;
	(pc) =	sbr.rel @p1 .LBB2_18-.Ltmp8, $4  }
0x302: {  	[hbm4b:s25+s30] =	stream.strided.scatter [tilespmem:s4], [sflag:$0x6], $0x400, s31, s30, $0x38;
	[tilespmem:$0x18100] =	vst v63  }
0x303: {  	s2 =	sadd.s32 $0x13D00, s2;
	s0 =	sadd.s32 $0xF0, s0  }
0x304: {  	[hbm4b:s0+s30] =	stream.strided.scatter [tilespmem:s2], [sflag:$0x6], $0x400, s31, s30, $0x38;
	[tilespmem:$0x18100] =	vst v63  }
0x305: {  	p0 =	por $0x0, $0x0;
	s0 =	simm.s32 $0x1  }
0x306: {  	s0 =	simm.s32 $0x5  }
0x307: {  	_ =	swait.ge [sflag:s0], $0x8000  }
0x308: {  	[sflag:s0] =	ssyncset.done $0x0  }
0x309: {  	[sflag:s0] =	ssyncadd.s32 $0xFFFF8000  }
0x30a: {  	v3 =	vld [tilespmem:$0xA0];
	_ =	sdelay $0x4  }
0x30b: {  	v4 =	vshll.u32 v3, $0x4  }
0x30c: {  	v3 =	vand.u32 $0x7, v3;
	v4 =	vand.u32 $0xFFFFFF80, v4  }
0x30d: {  	v3 =	vor.u32 v3, v4  }
0x30e: {  	v4 =	vperm.xlane v3, v0;
	_ =	sdelay $0x1  }
0x30f: {  	v4 =	vadd.s32 v1, v4;
	_ =	sdelay $0x3  }
0x310: {  	s2 =	simm.s32 $0x8100;
	s0 =	simm.s32 $0x0  }
0x311: {  	[tilespmem:s2], [sflag:$0x2] =	stream.indirect_vreg.gather [hbm4b:s1+s0], $0x80, v4, vm0, $0xb8;
	[tilespmem:$0x18100] =	vst v63  }
0x312: {  	s4 =	simm.s32 $0x8900  }
0x313: {  	[tilespmem:s4], [sflag:$0x2] =	stream.indirect_vreg.gather [hbm4b:s5+s0], $0x80, v4, vm0, $0xb8;
	[tilespmem:$0x18100] =	vst v63  }
0x314: {  	s25 =	simm.s32 $0x9100  }
0x315: {  	[tilespmem:s25], [sflag:$0x2] =	stream.indirect_vreg.gather [hbm4b:s6+s0], $0x80, v4, vm0, $0xb8;
	[tilespmem:$0x18100] =	vst v63  }
0x316: {  	s4 =	simm.s32 $0x9900  }
0x317: {  	[tilespmem:s4], [sflag:$0x2] =	stream.indirect_vreg.gather [hbm4b:s7+s0], $0x80, v4, vm0, $0xb8;
	[tilespmem:$0x18100] =	vst v63  }
0x318: {  	s25 =	simm.s32 $0xA100  }
0x319: {  	[tilespmem:s25], [sflag:$0x2] =	stream.indirect_vreg.gather [hbm4b:s8+s0], $0x80, v4, vm0, $0xb8;
	[tilespmem:$0x18100] =	vst v63  }
0x31a: {  	v3 =	vperm.xlane v3, v2;
	s4 =	simm.s32 $0xA900  }
0x31b: {  	[tilespmem:s4], [sflag:$0x2] =	stream.indirect_vreg.gather [hbm4b:s9+s0], $0x80, v4, vm0, $0xb8;
	[tilespmem:$0x18100] =	vst v63  }
0x31c: {  	v3 =	vadd.s32 v1, v3;
	s25 =	simm.s32 $0xB100  }
0x31d: {  	[tilespmem:s25], [sflag:$0x2] =	stream.indirect_vreg.gather [hbm4b:s10+s0], $0x80, v4, vm0, $0xb8;
	[tilespmem:$0x18100] =	vst v63  }
0x31e: {  	s4 =	simm.s32 $0xB900  }
0x31f: {  	[tilespmem:s4], [sflag:$0x2] =	stream.indirect_vreg.gather [hbm4b:s12+s0], $0x80, v4, vm0, $0xb8;
	[tilespmem:$0x18100] =	vst v63  }
0x320: {  	s25 =	simm.s32 $0xC100  }
0x321: {  	[tilespmem:s25], [sflag:$0x2] =	stream.indirect_vreg.gather [hbm4b:s1+s0], $0x80, v3, vm0, $0xb8;
	[tilespmem:$0x18100] =	vst v63  }
0x322: {  	s4 =	simm.s32 $0xC900  }
0x323: {  	[tilespmem:s4], [sflag:$0x2] =	stream.indirect_vreg.gather [hbm4b:s5+s0], $0x80, v3, vm0, $0xb8;
	[tilespmem:$0x18100] =	vst v63  }
0x324: {  	s25 =	simm.s32 $0xD100  }
0x325: {  	[tilespmem:s25], [sflag:$0x2] =	stream.indirect_vreg.gather [hbm4b:s6+s0], $0x80, v3, vm0, $0xb8;
	[tilespmem:$0x18100] =	vst v63  }
0x326: {  	s4 =	simm.s32 $0xD900  }
0x327: {  	[tilespmem:s4], [sflag:$0x2] =	stream.indirect_vreg.gather [hbm4b:s7+s0], $0x80, v3, vm0, $0xb8;
	[tilespmem:$0x18100] =	vst v63  }
0x328: {  	s25 =	simm.s32 $0xE100  }
0x329: {  	[tilespmem:s25], [sflag:$0x2] =	stream.indirect_vreg.gather [hbm4b:s8+s0], $0x80, v3, vm0, $0xb8;
	[tilespmem:$0x18100] =	vst v63  }
0x32a: {  	s4 =	simm.s32 $0xE900  }
0x32b: {  	[tilespmem:s4], [sflag:$0x2] =	stream.indirect_vreg.gather [hbm4b:s9+s0], $0x80, v3, vm0, $0xb8;
	[tilespmem:$0x18100] =	vst v63  }
0x32c: {  	s25 =	simm.s32 $0xF100  }
0x32d: {  	[tilespmem:s25], [sflag:$0x2] =	stream.indirect_vreg.gather [hbm4b:s10+s0], $0x80, v3, vm0, $0xb8;
	[tilespmem:$0x18100] =	vst v63  }
0x32e: {  	s4 =	simm.s32 $0xF900;
	s25 =	simm.s32 $0x1  }
0x32f: {  	[tilespmem:s4], [sflag:$0x2] =	stream.indirect_vreg.gather [hbm4b:s12+s0], $0x80, v3, vm0, $0xb8;
	[tilespmem:$0x18100] =	vst v63  }
0x330: {  	_ =	swait.ge [sflag:s25], $0x8000  }
0x331: {  	[sflag:s25] =	ssyncset.done $0x0  }
0x332: {  	p0 =	por $0x1, $0x1;
	[sflag:s25] =	ssyncadd.s32 $0xFFFF8000  }
.LBB2_20:
0x333: {  	s2 =	sshll.u32 s0, $0xE  }
0x334: {  	s25 =	sshll.u32 s0, $0xB;
	s2 =	sand.u32 $0x3FFFC000, s2  }
0x335: {  	s0 =	sadd.s32 s25, s21;
	s4 =	sor.u32 $0x100, s2  }
0x336: {  	[hbm4b:s0+s30] =	stream.strided.scatter [tilespmem:s4], [sflag:$0x4], $0x400, s31, s30, $0x38;
	[tilespmem:$0x18100] =	vst v63  }
0x337: {  	s25 =	sadd.s32 $0x10, s0;
	s4 =	sor.u32 $0x500, s2  }
0x338: {  	[hbm4b:s25+s30] =	stream.strided.scatter [tilespmem:s4], [sflag:$0x4], $0x400, s31, s30, $0x38;
	[tilespmem:$0x18100] =	vst v63  }
0x339: {  	s4 =	sor.u32 $0x900, s2;
	s25 =	sadd.s32 $0x20, s0  }
0x33a: {  	[hbm4b:s25+s30] =	stream.strided.scatter [tilespmem:s4], [sflag:$0x4], $0x400, s31, s30, $0x38;
	[tilespmem:$0x18100] =	vst v63  }
0x33b: {  	s4 =	sor.u32 $0xD00, s2;
	s25 =	sadd.s32 $0x30, s0  }
0x33c: {  	[hbm4b:s25+s30] =	stream.strided.scatter [tilespmem:s4], [sflag:$0x4], $0x400, s31, s30, $0x38;
	[tilespmem:$0x18100] =	vst v63  }
0x33d: {  	s4 =	sor.u32 $0x1100, s2;
	s25 =	sadd.s32 $0x40, s0  }
0x33e: {  	[hbm4b:s25+s30] =	stream.strided.scatter [tilespmem:s4], [sflag:$0x4], $0x400, s31, s30, $0x38;
	[tilespmem:$0x18100] =	vst v63  }
0x33f: {  	s4 =	sor.u32 $0x1500, s2;
	s25 =	sadd.s32 $0x50, s0  }
0x340: {  	[hbm4b:s25+s30] =	stream.strided.scatter [tilespmem:s4], [sflag:$0x4], $0x400, s31, s30, $0x38;
	[tilespmem:$0x18100] =	vst v63  }
0x341: {  	s4 =	sor.u32 $0x1900, s2;
	s25 =	sadd.s32 $0x60, s0  }
0x342: {  	[hbm4b:s25+s30] =	stream.strided.scatter [tilespmem:s4], [sflag:$0x4], $0x400, s31, s30, $0x38;
	[tilespmem:$0x18100] =	vst v63  }
0x343: {  	s4 =	sor.u32 $0x1D00, s2;
	s25 =	sadd.s32 $0x70, s0  }
0x344: {  	[hbm4b:s25+s30] =	stream.strided.scatter [tilespmem:s4], [sflag:$0x4], $0x400, s31, s30, $0x38;
	[tilespmem:$0x18100] =	vst v63  }
0x345: {  	s4 =	sor.u32 $0x2100, s2;
	s25 =	sadd.s32 $0x80, s0  }
0x346: {  	[hbm4b:s25+s30] =	stream.strided.scatter [tilespmem:s4], [sflag:$0x4], $0x400, s31, s30, $0x38;
	[tilespmem:$0x18100] =	vst v63  }
0x347: {  	s4 =	sor.u32 $0x2500, s2;
	s25 =	sadd.s32 $0x90, s0  }
0x348: {  	[hbm4b:s25+s30] =	stream.strided.scatter [tilespmem:s4], [sflag:$0x4], $0x400, s31, s30, $0x38;
	[tilespmem:$0x18100] =	vst v63  }
0x349: {  	s4 =	sor.u32 $0x2900, s2;
	s25 =	sadd.s32 $0xA0, s0  }
0x34a: {  	[hbm4b:s25+s30] =	stream.strided.scatter [tilespmem:s4], [sflag:$0x4], $0x400, s31, s30, $0x38;
	[tilespmem:$0x18100] =	vst v63  }
0x34b: {  	s4 =	sor.u32 $0x2D00, s2;
	s25 =	sadd.s32 $0xB0, s0  }
0x34c: {  	[hbm4b:s25+s30] =	stream.strided.scatter [tilespmem:s4], [sflag:$0x4], $0x400, s31, s30, $0x38;
	[tilespmem:$0x18100] =	vst v63  }
0x34d: {  	s4 =	sor.u32 $0x3100, s2;
	s25 =	sadd.s32 $0xC0, s0  }
0x34e: {  	[hbm4b:s25+s30] =	stream.strided.scatter [tilespmem:s4], [sflag:$0x4], $0x400, s31, s30, $0x38;
	[tilespmem:$0x18100] =	vst v63  }
0x34f: {  	p1 =	por p0, p0;
	s4 =	sor.u32 $0x3500, s2;
	s25 =	sadd.s32 $0xD0, s0  }
0x350: {  	[hbm4b:s25+s30] =	stream.strided.scatter [tilespmem:s4], [sflag:$0x4], $0x400, s31, s30, $0x38;
	[tilespmem:$0x18100] =	vst v63  }
.Ltmp9:
0x351: {  	s4 =	sor.u32 $0x3900, s2;
	s25 =	sadd.s32 $0xE0, s0;
	(pc) =	sbr.rel @p1 .LBB2_20-.Ltmp9, $4  }
0x352: {  	[hbm4b:s25+s30] =	stream.strided.scatter [tilespmem:s4], [sflag:$0x4], $0x400, s31, s30, $0x38;
	[tilespmem:$0x18100] =	vst v63  }
0x353: {  	s2 =	sor.u32 $0x3D00, s2;
	s0 =	sadd.s32 $0xF0, s0  }
0x354: {  	[hbm4b:s0+s30] =	stream.strided.scatter [tilespmem:s2], [sflag:$0x4], $0x400, s31, s30, $0x38;
	[tilespmem:$0x18100] =	vst v63  }
0x355: {  	p0 =	por $0x0, $0x0;
	s0 =	simm.s32 $0x1  }
0x356: {  	s0 =	simm.s32 $0x6  }
0x357: {  	_ =	swait.ge [sflag:s0], $0x8000  }
0x358: {  	[sflag:s0] =	ssyncset.done $0x0  }
0x359: {  	[sflag:s0] =	ssyncadd.s32 $0xFFFF8000  }
0x35a: {  	v3 =	vld [tilespmem:$0xB0];
	_ =	sdelay $0x4  }
0x35b: {  	v4 =	vshll.u32 v3, $0x4  }
0x35c: {  	v3 =	vand.u32 $0x7, v3;
	v4 =	vand.u32 $0xFFFFFF80, v4  }
0x35d: {  	v3 =	vor.u32 v3, v4  }
0x35e: {  	v4 =	vperm.xlane v3, v0;
	_ =	sdelay $0x1  }
0x35f: {  	v4 =	vadd.s32 v1, v4;
	_ =	sdelay $0x3  }
0x360: {  	s2 =	simm.s32 $0x10100;
	s0 =	simm.s32 $0x0  }
0x361: {  	[tilespmem:s2], [sflag:$0x3] =	stream.indirect_vreg.gather [hbm4b:s1+s0], $0x80, v4, vm0, $0xb8;
	[tilespmem:$0x18100] =	vst v63  }
0x362: {  	s4 =	simm.s32 $0x10900  }
0x363: {  	[tilespmem:s4], [sflag:$0x3] =	stream.indirect_vreg.gather [hbm4b:s5+s0], $0x80, v4, vm0, $0xb8;
	[tilespmem:$0x18100] =	vst v63  }
0x364: {  	s25 =	simm.s32 $0x11100  }
0x365: {  	[tilespmem:s25], [sflag:$0x3] =	stream.indirect_vreg.gather [hbm4b:s6+s0], $0x80, v4, vm0, $0xb8;
	[tilespmem:$0x18100] =	vst v63  }
0x366: {  	s4 =	simm.s32 $0x11900  }
0x367: {  	[tilespmem:s4], [sflag:$0x3] =	stream.indirect_vreg.gather [hbm4b:s7+s0], $0x80, v4, vm0, $0xb8;
	[tilespmem:$0x18100] =	vst v63  }
0x368: {  	s25 =	simm.s32 $0x12100  }
0x369: {  	[tilespmem:s25], [sflag:$0x3] =	stream.indirect_vreg.gather [hbm4b:s8+s0], $0x80, v4, vm0, $0xb8;
	[tilespmem:$0x18100] =	vst v63  }
0x36a: {  	v3 =	vperm.xlane v3, v2;
	s4 =	simm.s32 $0x12900  }
0x36b: {  	[tilespmem:s4], [sflag:$0x3] =	stream.indirect_vreg.gather [hbm4b:s9+s0], $0x80, v4, vm0, $0xb8;
	[tilespmem:$0x18100] =	vst v63  }
0x36c: {  	v3 =	vadd.s32 v1, v3;
	s25 =	simm.s32 $0x13100  }
0x36d: {  	[tilespmem:s25], [sflag:$0x3] =	stream.indirect_vreg.gather [hbm4b:s10+s0], $0x80, v4, vm0, $0xb8;
	[tilespmem:$0x18100] =	vst v63  }
0x36e: {  	s4 =	simm.s32 $0x13900  }
0x36f: {  	[tilespmem:s4], [sflag:$0x3] =	stream.indirect_vreg.gather [hbm4b:s12+s0], $0x80, v4, vm0, $0xb8;
	[tilespmem:$0x18100] =	vst v63  }
0x370: {  	s25 =	simm.s32 $0x14100  }
0x371: {  	[tilespmem:s25], [sflag:$0x3] =	stream.indirect_vreg.gather [hbm4b:s1+s0], $0x80, v3, vm0, $0xb8;
	[tilespmem:$0x18100] =	vst v63  }
0x372: {  	s4 =	simm.s32 $0x14900  }
0x373: {  	[tilespmem:s4], [sflag:$0x3] =	stream.indirect_vreg.gather [hbm4b:s5+s0], $0x80, v3, vm0, $0xb8;
	[tilespmem:$0x18100] =	vst v63  }
0x374: {  	s25 =	simm.s32 $0x15100  }
0x375: {  	[tilespmem:s25], [sflag:$0x3] =	stream.indirect_vreg.gather [hbm4b:s6+s0], $0x80, v3, vm0, $0xb8;
	[tilespmem:$0x18100] =	vst v63  }
0x376: {  	s4 =	simm.s32 $0x15900  }
0x377: {  	[tilespmem:s4], [sflag:$0x3] =	stream.indirect_vreg.gather [hbm4b:s7+s0], $0x80, v3, vm0, $0xb8;
	[tilespmem:$0x18100] =	vst v63  }
0x378: {  	s25 =	simm.s32 $0x16100  }
0x379: {  	[tilespmem:s25], [sflag:$0x3] =	stream.indirect_vreg.gather [hbm4b:s8+s0], $0x80, v3, vm0, $0xb8;
	[tilespmem:$0x18100] =	vst v63  }
0x37a: {  	s4 =	simm.s32 $0x16900  }
0x37b: {  	[tilespmem:s4], [sflag:$0x3] =	stream.indirect_vreg.gather [hbm4b:s9+s0], $0x80, v3, vm0, $0xb8;
	[tilespmem:$0x18100] =	vst v63  }
0x37c: {  	s25 =	simm.s32 $0x17100  }
0x37d: {  	[tilespmem:s25], [sflag:$0x3] =	stream.indirect_vreg.gather [hbm4b:s10+s0], $0x80, v3, vm0, $0xb8;
	[tilespmem:$0x18100] =	vst v63  }
0x37e: {  	s4 =	simm.s32 $0x17900;
	s25 =	simm.s32 $0x2  }
0x37f: {  	[tilespmem:s4], [sflag:$0x3] =	stream.indirect_vreg.gather [hbm4b:s12+s0], $0x80, v3, vm0, $0xb8;
	[tilespmem:$0x18100] =	vst v63  }
0x380: {  	_ =	swait.ge [sflag:s25], $0x8000  }
0x381: {  	[sflag:s25] =	ssyncset.done $0x0  }
0x382: {  	p0 =	por $0x1, $0x1;
	[sflag:s25] =	ssyncadd.s32 $0xFFFF8000  }
.LBB2_22:
0x383: {  	s2 =	sshll.u32 s0, $0xE  }
0x384: {  	s25 =	sshll.u32 s0, $0xB;
	s2 =	sand.u32 $0x3FFFC000, s2  }
0x385: {  	s0 =	sadd.s32 s25, s22;
	s4 =	sadd.s32 $0x8100, s2  }
0x386: {  	[hbm4b:s0+s30] =	stream.strided.scatter [tilespmem:s4], [sflag:$0x5], $0x400, s31, s30, $0x38;
	[tilespmem:$0x18100] =	vst v63  }
0x387: {  	s25 =	sadd.s32 $0x10, s0;
	s4 =	sadd.s32 $0x8500, s2  }
0x388: {  	[hbm4b:s25+s30] =	stream.strided.scatter [tilespmem:s4], [sflag:$0x5], $0x400, s31, s30, $0x38;
	[tilespmem:$0x18100] =	vst v63  }
0x389: {  	s4 =	sadd.s32 $0x8900, s2;
	s25 =	sadd.s32 $0x20, s0  }
0x38a: {  	[hbm4b:s25+s30] =	stream.strided.scatter [tilespmem:s4], [sflag:$0x5], $0x400, s31, s30, $0x38;
	[tilespmem:$0x18100] =	vst v63  }
0x38b: {  	s4 =	sadd.s32 $0x8D00, s2;
	s25 =	sadd.s32 $0x30, s0  }
0x38c: {  	[hbm4b:s25+s30] =	stream.strided.scatter [tilespmem:s4], [sflag:$0x5], $0x400, s31, s30, $0x38;
	[tilespmem:$0x18100] =	vst v63  }
0x38d: {  	s4 =	sadd.s32 $0x9100, s2;
	s25 =	sadd.s32 $0x40, s0  }
0x38e: {  	[hbm4b:s25+s30] =	stream.strided.scatter [tilespmem:s4], [sflag:$0x5], $0x400, s31, s30, $0x38;
	[tilespmem:$0x18100] =	vst v63  }
0x38f: {  	s4 =	sadd.s32 $0x9500, s2;
	s25 =	sadd.s32 $0x50, s0  }
0x390: {  	[hbm4b:s25+s30] =	stream.strided.scatter [tilespmem:s4], [sflag:$0x5], $0x400, s31, s30, $0x38;
	[tilespmem:$0x18100] =	vst v63  }
0x391: {  	s4 =	sadd.s32 $0x9900, s2;
	s25 =	sadd.s32 $0x60, s0  }
0x392: {  	[hbm4b:s25+s30] =	stream.strided.scatter [tilespmem:s4], [sflag:$0x5], $0x400, s31, s30, $0x38;
	[tilespmem:$0x18100] =	vst v63  }
0x393: {  	s4 =	sadd.s32 $0x9D00, s2;
	s25 =	sadd.s32 $0x70, s0  }
0x394: {  	[hbm4b:s25+s30] =	stream.strided.scatter [tilespmem:s4], [sflag:$0x5], $0x400, s31, s30, $0x38;
	[tilespmem:$0x18100] =	vst v63  }
0x395: {  	s4 =	sadd.s32 $0xA100, s2;
	s25 =	sadd.s32 $0x80, s0  }
0x396: {  	[hbm4b:s25+s30] =	stream.strided.scatter [tilespmem:s4], [sflag:$0x5], $0x400, s31, s30, $0x38;
	[tilespmem:$0x18100] =	vst v63  }
0x397: {  	s4 =	sadd.s32 $0xA500, s2;
	s25 =	sadd.s32 $0x90, s0  }
0x398: {  	[hbm4b:s25+s30] =	stream.strided.scatter [tilespmem:s4], [sflag:$0x5], $0x400, s31, s30, $0x38;
	[tilespmem:$0x18100] =	vst v63  }
0x399: {  	s4 =	sadd.s32 $0xA900, s2;
	s25 =	sadd.s32 $0xA0, s0  }
0x39a: {  	[hbm4b:s25+s30] =	stream.strided.scatter [tilespmem:s4], [sflag:$0x5], $0x400, s31, s30, $0x38;
	[tilespmem:$0x18100] =	vst v63  }
0x39b: {  	s4 =	sadd.s32 $0xAD00, s2;
	s25 =	sadd.s32 $0xB0, s0  }
0x39c: {  	[hbm4b:s25+s30] =	stream.strided.scatter [tilespmem:s4], [sflag:$0x5], $0x400, s31, s30, $0x38;
	[tilespmem:$0x18100] =	vst v63  }
0x39d: {  	s4 =	sadd.s32 $0xB100, s2;
	s25 =	sadd.s32 $0xC0, s0  }
0x39e: {  	[hbm4b:s25+s30] =	stream.strided.scatter [tilespmem:s4], [sflag:$0x5], $0x400, s31, s30, $0x38;
	[tilespmem:$0x18100] =	vst v63  }
0x39f: {  	p1 =	por p0, p0;
	s4 =	sadd.s32 $0xB500, s2;
	s25 =	sadd.s32 $0xD0, s0  }
0x3a0: {  	[hbm4b:s25+s30] =	stream.strided.scatter [tilespmem:s4], [sflag:$0x5], $0x400, s31, s30, $0x38;
	[tilespmem:$0x18100] =	vst v63  }
.Ltmp10:
0x3a1: {  	s4 =	sadd.s32 $0xB900, s2;
	s25 =	sadd.s32 $0xE0, s0;
	(pc) =	sbr.rel @p1 .LBB2_22-.Ltmp10, $4  }
0x3a2: {  	[hbm4b:s25+s30] =	stream.strided.scatter [tilespmem:s4], [sflag:$0x5], $0x400, s31, s30, $0x38;
	[tilespmem:$0x18100] =	vst v63  }
0x3a3: {  	s2 =	sadd.s32 $0xBD00, s2;
	s0 =	sadd.s32 $0xF0, s0  }
0x3a4: {  	[hbm4b:s0+s30] =	stream.strided.scatter [tilespmem:s2], [sflag:$0x5], $0x400, s31, s30, $0x38;
	[tilespmem:$0x18100] =	vst v63  }
0x3a5: {  	p0 =	por $0x0, $0x0;
	s0 =	simm.s32 $0x1  }
0x3a6: {  	s0 =	simm.s32 $0x4  }
0x3a7: {  	_ =	swait.ge [sflag:s0], $0x8000  }
0x3a8: {  	[sflag:s0] =	ssyncset.done $0x0  }
0x3a9: {  	[sflag:s0] =	ssyncadd.s32 $0xFFFF8000  }
0x3aa: {  	v3 =	vld [tilespmem:$0xC0];
	_ =	sdelay $0x4  }
0x3ab: {  	v4 =	vshll.u32 v3, $0x4  }
0x3ac: {  	v3 =	vand.u32 $0x7, v3;
	v4 =	vand.u32 $0xFFFFFF80, v4  }
0x3ad: {  	v3 =	vor.u32 v3, v4  }
0x3ae: {  	v4 =	vperm.xlane v3, v0;
	_ =	sdelay $0x1  }
0x3af: {  	v4 =	vadd.s32 v1, v4;
	_ =	sdelay $0x3  }
0x3b0: {  	s2 =	simm.s32 $0x100;
	s0 =	simm.s32 $0x0  }
0x3b1: {  	[tilespmem:s2], [sflag:$0x1] =	stream.indirect_vreg.gather [hbm4b:s1+s0], $0x80, v4, vm0, $0xb8;
	[tilespmem:$0x18100] =	vst v63  }
0x3b2: {  	s4 =	simm.s32 $0x900  }
0x3b3: {  	[tilespmem:s4], [sflag:$0x1] =	stream.indirect_vreg.gather [hbm4b:s5+s0], $0x80, v4, vm0, $0xb8;
	[tilespmem:$0x18100] =	vst v63  }
0x3b4: {  	s25 =	simm.s32 $0x1100  }
0x3b5: {  	[tilespmem:s25], [sflag:$0x1] =	stream.indirect_vreg.gather [hbm4b:s6+s0], $0x80, v4, vm0, $0xb8;
	[tilespmem:$0x18100] =	vst v63  }
0x3b6: {  	s4 =	simm.s32 $0x1900  }
0x3b7: {  	[tilespmem:s4], [sflag:$0x1] =	stream.indirect_vreg.gather [hbm4b:s7+s0], $0x80, v4, vm0, $0xb8;
	[tilespmem:$0x18100] =	vst v63  }
0x3b8: {  	s25 =	simm.s32 $0x2100  }
0x3b9: {  	[tilespmem:s25], [sflag:$0x1] =	stream.indirect_vreg.gather [hbm4b:s8+s0], $0x80, v4, vm0, $0xb8;
	[tilespmem:$0x18100] =	vst v63  }
0x3ba: {  	v3 =	vperm.xlane v3, v2;
	s4 =	simm.s32 $0x2900  }
0x3bb: {  	[tilespmem:s4], [sflag:$0x1] =	stream.indirect_vreg.gather [hbm4b:s9+s0], $0x80, v4, vm0, $0xb8;
	[tilespmem:$0x18100] =	vst v63  }
0x3bc: {  	v3 =	vadd.s32 v1, v3;
	s25 =	simm.s32 $0x3100  }
0x3bd: {  	[tilespmem:s25], [sflag:$0x1] =	stream.indirect_vreg.gather [hbm4b:s10+s0], $0x80, v4, vm0, $0xb8;
	[tilespmem:$0x18100] =	vst v63  }
0x3be: {  	s4 =	simm.s32 $0x3900  }
0x3bf: {  	[tilespmem:s4], [sflag:$0x1] =	stream.indirect_vreg.gather [hbm4b:s12+s0], $0x80, v4, vm0, $0xb8;
	[tilespmem:$0x18100] =	vst v63  }
0x3c0: {  	s25 =	simm.s32 $0x4100  }
0x3c1: {  	[tilespmem:s25], [sflag:$0x1] =	stream.indirect_vreg.gather [hbm4b:s1+s0], $0x80, v3, vm0, $0xb8;
	[tilespmem:$0x18100] =	vst v63  }
0x3c2: {  	s4 =	simm.s32 $0x4900  }
0x3c3: {  	[tilespmem:s4], [sflag:$0x1] =	stream.indirect_vreg.gather [hbm4b:s5+s0], $0x80, v3, vm0, $0xb8;
	[tilespmem:$0x18100] =	vst v63  }
0x3c4: {  	s25 =	simm.s32 $0x5100  }
0x3c5: {  	[tilespmem:s25], [sflag:$0x1] =	stream.indirect_vreg.gather [hbm4b:s6+s0], $0x80, v3, vm0, $0xb8;
	[tilespmem:$0x18100] =	vst v63  }
0x3c6: {  	s4 =	simm.s32 $0x5900  }
0x3c7: {  	[tilespmem:s4], [sflag:$0x1] =	stream.indirect_vreg.gather [hbm4b:s7+s0], $0x80, v3, vm0, $0xb8;
	[tilespmem:$0x18100] =	vst v63  }
0x3c8: {  	s25 =	simm.s32 $0x6100  }
0x3c9: {  	[tilespmem:s25], [sflag:$0x1] =	stream.indirect_vreg.gather [hbm4b:s8+s0], $0x80, v3, vm0, $0xb8;
	[tilespmem:$0x18100] =	vst v63  }
0x3ca: {  	s4 =	simm.s32 $0x6900  }
0x3cb: {  	[tilespmem:s4], [sflag:$0x1] =	stream.indirect_vreg.gather [hbm4b:s9+s0], $0x80, v3, vm0, $0xb8;
	[tilespmem:$0x18100] =	vst v63  }
0x3cc: {  	s25 =	simm.s32 $0x7100  }
0x3cd: {  	[tilespmem:s25], [sflag:$0x1] =	stream.indirect_vreg.gather [hbm4b:s10+s0], $0x80, v3, vm0, $0xb8;
	[tilespmem:$0x18100] =	vst v63  }
0x3ce: {  	s4 =	simm.s32 $0x7900;
	s25 =	simm.s32 $0x3  }
0x3cf: {  	[tilespmem:s4], [sflag:$0x1] =	stream.indirect_vreg.gather [hbm4b:s12+s0], $0x80, v3, vm0, $0xb8;
	[tilespmem:$0x18100] =	vst v63  }
0x3d0: {  	_ =	swait.ge [sflag:s25], $0x8000  }
0x3d1: {  	[sflag:s25] =	ssyncset.done $0x0  }
0x3d2: {  	p0 =	por $0x1, $0x1;
	[sflag:s25] =	ssyncadd.s32 $0xFFFF8000  }
.LBB2_24:
0x3d3: {  	s2 =	sshll.u32 s0, $0xE  }
0x3d4: {  	s25 =	sshll.u32 s0, $0xB;
	s2 =	sand.u32 $0x3FFFC000, s2  }
0x3d5: {  	s0 =	sadd.s32 s25, s23;
	s4 =	sadd.s32 $0x10100, s2  }
0x3d6: {  	[hbm4b:s0+s30] =	stream.strided.scatter [tilespmem:s4], [sflag:$0x6], $0x400, s31, s30, $0x38;
	[tilespmem:$0x18100] =	vst v63  }
0x3d7: {  	s25 =	sadd.s32 $0x10, s0;
	s4 =	sadd.s32 $0x10500, s2  }
0x3d8: {  	[hbm4b:s25+s30] =	stream.strided.scatter [tilespmem:s4], [sflag:$0x6], $0x400, s31, s30, $0x38;
	[tilespmem:$0x18100] =	vst v63  }
0x3d9: {  	s4 =	sadd.s32 $0x10900, s2;
	s25 =	sadd.s32 $0x20, s0  }
0x3da: {  	[hbm4b:s25+s30] =	stream.strided.scatter [tilespmem:s4], [sflag:$0x6], $0x400, s31, s30, $0x38;
	[tilespmem:$0x18100] =	vst v63  }
0x3db: {  	s4 =	sadd.s32 $0x10D00, s2;
	s25 =	sadd.s32 $0x30, s0  }
0x3dc: {  	[hbm4b:s25+s30] =	stream.strided.scatter [tilespmem:s4], [sflag:$0x6], $0x400, s31, s30, $0x38;
	[tilespmem:$0x18100] =	vst v63  }
0x3dd: {  	s4 =	sadd.s32 $0x11100, s2;
	s25 =	sadd.s32 $0x40, s0  }
0x3de: {  	[hbm4b:s25+s30] =	stream.strided.scatter [tilespmem:s4], [sflag:$0x6], $0x400, s31, s30, $0x38;
	[tilespmem:$0x18100] =	vst v63  }
0x3df: {  	s4 =	sadd.s32 $0x11500, s2;
	s25 =	sadd.s32 $0x50, s0  }
0x3e0: {  	[hbm4b:s25+s30] =	stream.strided.scatter [tilespmem:s4], [sflag:$0x6], $0x400, s31, s30, $0x38;
	[tilespmem:$0x18100] =	vst v63  }
0x3e1: {  	s4 =	sadd.s32 $0x11900, s2;
	s25 =	sadd.s32 $0x60, s0  }
0x3e2: {  	[hbm4b:s25+s30] =	stream.strided.scatter [tilespmem:s4], [sflag:$0x6], $0x400, s31, s30, $0x38;
	[tilespmem:$0x18100] =	vst v63  }
0x3e3: {  	s4 =	sadd.s32 $0x11D00, s2;
	s25 =	sadd.s32 $0x70, s0  }
0x3e4: {  	[hbm4b:s25+s30] =	stream.strided.scatter [tilespmem:s4], [sflag:$0x6], $0x400, s31, s30, $0x38;
	[tilespmem:$0x18100] =	vst v63  }
0x3e5: {  	s4 =	sadd.s32 $0x12100, s2;
	s25 =	sadd.s32 $0x80, s0  }
0x3e6: {  	[hbm4b:s25+s30] =	stream.strided.scatter [tilespmem:s4], [sflag:$0x6], $0x400, s31, s30, $0x38;
	[tilespmem:$0x18100] =	vst v63  }
0x3e7: {  	s4 =	sadd.s32 $0x12500, s2;
	s25 =	sadd.s32 $0x90, s0  }
0x3e8: {  	[hbm4b:s25+s30] =	stream.strided.scatter [tilespmem:s4], [sflag:$0x6], $0x400, s31, s30, $0x38;
	[tilespmem:$0x18100] =	vst v63  }
0x3e9: {  	s4 =	sadd.s32 $0x12900, s2;
	s25 =	sadd.s32 $0xA0, s0  }
0x3ea: {  	[hbm4b:s25+s30] =	stream.strided.scatter [tilespmem:s4], [sflag:$0x6], $0x400, s31, s30, $0x38;
	[tilespmem:$0x18100] =	vst v63  }
0x3eb: {  	s4 =	sadd.s32 $0x12D00, s2;
	s25 =	sadd.s32 $0xB0, s0  }
0x3ec: {  	[hbm4b:s25+s30] =	stream.strided.scatter [tilespmem:s4], [sflag:$0x6], $0x400, s31, s30, $0x38;
	[tilespmem:$0x18100] =	vst v63  }
0x3ed: {  	s4 =	sadd.s32 $0x13100, s2;
	s25 =	sadd.s32 $0xC0, s0  }
0x3ee: {  	[hbm4b:s25+s30] =	stream.strided.scatter [tilespmem:s4], [sflag:$0x6], $0x400, s31, s30, $0x38;
	[tilespmem:$0x18100] =	vst v63  }
0x3ef: {  	p1 =	por p0, p0;
	s4 =	sadd.s32 $0x13500, s2;
	s25 =	sadd.s32 $0xD0, s0  }
0x3f0: {  	[hbm4b:s25+s30] =	stream.strided.scatter [tilespmem:s4], [sflag:$0x6], $0x400, s31, s30, $0x38;
	[tilespmem:$0x18100] =	vst v63  }
.Ltmp11:
0x3f1: {  	s4 =	sadd.s32 $0x13900, s2;
	s25 =	sadd.s32 $0xE0, s0;
	(pc) =	sbr.rel @p1 .LBB2_24-.Ltmp11, $4  }
0x3f2: {  	[hbm4b:s25+s30] =	stream.strided.scatter [tilespmem:s4], [sflag:$0x6], $0x400, s31, s30, $0x38;
	[tilespmem:$0x18100] =	vst v63  }
0x3f3: {  	s2 =	sadd.s32 $0x13D00, s2;
	s0 =	sadd.s32 $0xF0, s0  }
0x3f4: {  	[hbm4b:s0+s30] =	stream.strided.scatter [tilespmem:s2], [sflag:$0x6], $0x400, s31, s30, $0x38;
	[tilespmem:$0x18100] =	vst v63  }
0x3f5: {  	p0 =	por $0x0, $0x0;
	s0 =	simm.s32 $0x1  }
0x3f6: {  	s0 =	simm.s32 $0x5  }
0x3f7: {  	_ =	swait.ge [sflag:s0], $0x8000  }
0x3f8: {  	[sflag:s0] =	ssyncset.done $0x0  }
0x3f9: {  	[sflag:s0] =	ssyncadd.s32 $0xFFFF8000  }
0x3fa: {  	v3 =	vld [tilespmem:$0xD0];
	_ =	sdelay $0x4  }
0x3fb: {  	v4 =	vshll.u32 v3, $0x4  }
0x3fc: {  	v3 =	vand.u32 $0x7, v3;
	v4 =	vand.u32 $0xFFFFFF80, v4  }
0x3fd: {  	v3 =	vor.u32 v3, v4  }
0x3fe: {  	v4 =	vperm.xlane v3, v0;
	_ =	sdelay $0x1  }
0x3ff: {  	v4 =	vadd.s32 v1, v4;
	_ =	sdelay $0x3  }
0x400: {  	s2 =	simm.s32 $0x8100;
	s0 =	simm.s32 $0x0  }
0x401: {  	[tilespmem:s2], [sflag:$0x2] =	stream.indirect_vreg.gather [hbm4b:s1+s0], $0x80, v4, vm0, $0xb8;
	[tilespmem:$0x18100] =	vst v63  }
0x402: {  	s4 =	simm.s32 $0x8900  }
0x403: {  	[tilespmem:s4], [sflag:$0x2] =	stream.indirect_vreg.gather [hbm4b:s5+s0], $0x80, v4, vm0, $0xb8;
	[tilespmem:$0x18100] =	vst v63  }
0x404: {  	s25 =	simm.s32 $0x9100  }
0x405: {  	[tilespmem:s25], [sflag:$0x2] =	stream.indirect_vreg.gather [hbm4b:s6+s0], $0x80, v4, vm0, $0xb8;
	[tilespmem:$0x18100] =	vst v63  }
0x406: {  	s4 =	simm.s32 $0x9900  }
0x407: {  	[tilespmem:s4], [sflag:$0x2] =	stream.indirect_vreg.gather [hbm4b:s7+s0], $0x80, v4, vm0, $0xb8;
	[tilespmem:$0x18100] =	vst v63  }
0x408: {  	s25 =	simm.s32 $0xA100  }
0x409: {  	[tilespmem:s25], [sflag:$0x2] =	stream.indirect_vreg.gather [hbm4b:s8+s0], $0x80, v4, vm0, $0xb8;
	[tilespmem:$0x18100] =	vst v63  }
0x40a: {  	v3 =	vperm.xlane v3, v2;
	s4 =	simm.s32 $0xA900  }
0x40b: {  	[tilespmem:s4], [sflag:$0x2] =	stream.indirect_vreg.gather [hbm4b:s9+s0], $0x80, v4, vm0, $0xb8;
	[tilespmem:$0x18100] =	vst v63  }
0x40c: {  	v3 =	vadd.s32 v1, v3;
	s25 =	simm.s32 $0xB100  }
0x40d: {  	[tilespmem:s25], [sflag:$0x2] =	stream.indirect_vreg.gather [hbm4b:s10+s0], $0x80, v4, vm0, $0xb8;
	[tilespmem:$0x18100] =	vst v63  }
0x40e: {  	s4 =	simm.s32 $0xB900  }
0x40f: {  	[tilespmem:s4], [sflag:$0x2] =	stream.indirect_vreg.gather [hbm4b:s12+s0], $0x80, v4, vm0, $0xb8;
	[tilespmem:$0x18100] =	vst v63  }
0x410: {  	s25 =	simm.s32 $0xC100  }
0x411: {  	[tilespmem:s25], [sflag:$0x2] =	stream.indirect_vreg.gather [hbm4b:s1+s0], $0x80, v3, vm0, $0xb8;
	[tilespmem:$0x18100] =	vst v63  }
0x412: {  	s4 =	simm.s32 $0xC900  }
0x413: {  	[tilespmem:s4], [sflag:$0x2] =	stream.indirect_vreg.gather [hbm4b:s5+s0], $0x80, v3, vm0, $0xb8;
	[tilespmem:$0x18100] =	vst v63  }
0x414: {  	s25 =	simm.s32 $0xD100  }
0x415: {  	[tilespmem:s25], [sflag:$0x2] =	stream.indirect_vreg.gather [hbm4b:s6+s0], $0x80, v3, vm0, $0xb8;
	[tilespmem:$0x18100] =	vst v63  }
0x416: {  	s4 =	simm.s32 $0xD900  }
0x417: {  	[tilespmem:s4], [sflag:$0x2] =	stream.indirect_vreg.gather [hbm4b:s7+s0], $0x80, v3, vm0, $0xb8;
	[tilespmem:$0x18100] =	vst v63  }
0x418: {  	s25 =	simm.s32 $0xE100  }
0x419: {  	[tilespmem:s25], [sflag:$0x2] =	stream.indirect_vreg.gather [hbm4b:s8+s0], $0x80, v3, vm0, $0xb8;
	[tilespmem:$0x18100] =	vst v63  }
0x41a: {  	s4 =	simm.s32 $0xE900  }
0x41b: {  	[tilespmem:s4], [sflag:$0x2] =	stream.indirect_vreg.gather [hbm4b:s9+s0], $0x80, v3, vm0, $0xb8;
	[tilespmem:$0x18100] =	vst v63  }
0x41c: {  	s25 =	simm.s32 $0xF100  }
0x41d: {  	[tilespmem:s25], [sflag:$0x2] =	stream.indirect_vreg.gather [hbm4b:s10+s0], $0x80, v3, vm0, $0xb8;
	[tilespmem:$0x18100] =	vst v63  }
0x41e: {  	s4 =	simm.s32 $0xF900;
	s25 =	simm.s32 $0x1  }
0x41f: {  	[tilespmem:s4], [sflag:$0x2] =	stream.indirect_vreg.gather [hbm4b:s12+s0], $0x80, v3, vm0, $0xb8;
	[tilespmem:$0x18100] =	vst v63  }
0x420: {  	_ =	swait.ge [sflag:s25], $0x8000  }
0x421: {  	[sflag:s25] =	ssyncset.done $0x0  }
0x422: {  	p0 =	por $0x1, $0x1;
	[sflag:s25] =	ssyncadd.s32 $0xFFFF8000  }
.LBB2_26:
0x423: {  	s2 =	sshll.u32 s0, $0xE  }
0x424: {  	s25 =	sshll.u32 s0, $0xB;
	s2 =	sand.u32 $0x3FFFC000, s2  }
0x425: {  	s0 =	sadd.s32 s25, s24;
	s4 =	sor.u32 $0x100, s2  }
0x426: {  	[hbm4b:s0+s30] =	stream.strided.scatter [tilespmem:s4], [sflag:$0x4], $0x400, s31, s30, $0x38;
	[tilespmem:$0x18100] =	vst v63  }
0x427: {  	s25 =	sadd.s32 $0x10, s0;
	s4 =	sor.u32 $0x500, s2  }
0x428: {  	[hbm4b:s25+s30] =	stream.strided.scatter [tilespmem:s4], [sflag:$0x4], $0x400, s31, s30, $0x38;
	[tilespmem:$0x18100] =	vst v63  }
0x429: {  	s4 =	sor.u32 $0x900, s2;
	s25 =	sadd.s32 $0x20, s0  }
0x42a: {  	[hbm4b:s25+s30] =	stream.strided.scatter [tilespmem:s4], [sflag:$0x4], $0x400, s31, s30, $0x38;
	[tilespmem:$0x18100] =	vst v63  }
0x42b: {  	s4 =	sor.u32 $0xD00, s2;
	s25 =	sadd.s32 $0x30, s0  }
0x42c: {  	[hbm4b:s25+s30] =	stream.strided.scatter [tilespmem:s4], [sflag:$0x4], $0x400, s31, s30, $0x38;
	[tilespmem:$0x18100] =	vst v63  }
0x42d: {  	s4 =	sor.u32 $0x1100, s2;
	s25 =	sadd.s32 $0x40, s0  }
0x42e: {  	[hbm4b:s25+s30] =	stream.strided.scatter [tilespmem:s4], [sflag:$0x4], $0x400, s31, s30, $0x38;
	[tilespmem:$0x18100] =	vst v63  }
0x42f: {  	s4 =	sor.u32 $0x1500, s2;
	s25 =	sadd.s32 $0x50, s0  }
0x430: {  	[hbm4b:s25+s30] =	stream.strided.scatter [tilespmem:s4], [sflag:$0x4], $0x400, s31, s30, $0x38;
	[tilespmem:$0x18100] =	vst v63  }
0x431: {  	s4 =	sor.u32 $0x1900, s2;
	s25 =	sadd.s32 $0x60, s0  }
0x432: {  	[hbm4b:s25+s30] =	stream.strided.scatter [tilespmem:s4], [sflag:$0x4], $0x400, s31, s30, $0x38;
	[tilespmem:$0x18100] =	vst v63  }
0x433: {  	s4 =	sor.u32 $0x1D00, s2;
	s25 =	sadd.s32 $0x70, s0  }
0x434: {  	[hbm4b:s25+s30] =	stream.strided.scatter [tilespmem:s4], [sflag:$0x4], $0x400, s31, s30, $0x38;
	[tilespmem:$0x18100] =	vst v63  }
0x435: {  	s4 =	sor.u32 $0x2100, s2;
	s25 =	sadd.s32 $0x80, s0  }
0x436: {  	[hbm4b:s25+s30] =	stream.strided.scatter [tilespmem:s4], [sflag:$0x4], $0x400, s31, s30, $0x38;
	[tilespmem:$0x18100] =	vst v63  }
0x437: {  	s4 =	sor.u32 $0x2500, s2;
	s25 =	sadd.s32 $0x90, s0  }
0x438: {  	[hbm4b:s25+s30] =	stream.strided.scatter [tilespmem:s4], [sflag:$0x4], $0x400, s31, s30, $0x38;
	[tilespmem:$0x18100] =	vst v63  }
0x439: {  	s4 =	sor.u32 $0x2900, s2;
	s25 =	sadd.s32 $0xA0, s0  }
0x43a: {  	[hbm4b:s25+s30] =	stream.strided.scatter [tilespmem:s4], [sflag:$0x4], $0x400, s31, s30, $0x38;
	[tilespmem:$0x18100] =	vst v63  }
0x43b: {  	s4 =	sor.u32 $0x2D00, s2;
	s25 =	sadd.s32 $0xB0, s0  }
0x43c: {  	[hbm4b:s25+s30] =	stream.strided.scatter [tilespmem:s4], [sflag:$0x4], $0x400, s31, s30, $0x38;
	[tilespmem:$0x18100] =	vst v63  }
0x43d: {  	s4 =	sor.u32 $0x3100, s2;
	s25 =	sadd.s32 $0xC0, s0  }
0x43e: {  	[hbm4b:s25+s30] =	stream.strided.scatter [tilespmem:s4], [sflag:$0x4], $0x400, s31, s30, $0x38;
	[tilespmem:$0x18100] =	vst v63  }
0x43f: {  	p1 =	por p0, p0;
	s4 =	sor.u32 $0x3500, s2;
	s25 =	sadd.s32 $0xD0, s0  }
0x440: {  	[hbm4b:s25+s30] =	stream.strided.scatter [tilespmem:s4], [sflag:$0x4], $0x400, s31, s30, $0x38;
	[tilespmem:$0x18100] =	vst v63  }
.Ltmp12:
0x441: {  	s4 =	sor.u32 $0x3900, s2;
	s25 =	sadd.s32 $0xE0, s0;
	(pc) =	sbr.rel @p1 .LBB2_26-.Ltmp12, $4  }
0x442: {  	[hbm4b:s25+s30] =	stream.strided.scatter [tilespmem:s4], [sflag:$0x4], $0x400, s31, s30, $0x38;
	[tilespmem:$0x18100] =	vst v63  }
0x443: {  	s2 =	sor.u32 $0x3D00, s2;
	s0 =	sadd.s32 $0xF0, s0  }
0x444: {  	[hbm4b:s0+s30] =	stream.strided.scatter [tilespmem:s2], [sflag:$0x4], $0x400, s31, s30, $0x38;
	[tilespmem:$0x18100] =	vst v63  }
0x445: {  	p0 =	por $0x0, $0x0;
	s0 =	simm.s32 $0x1  }
0x446: {  	s0 =	simm.s32 $0x6  }
0x447: {  	_ =	swait.ge [sflag:s0], $0x8000  }
0x448: {  	[sflag:s0] =	ssyncset.done $0x0  }
0x449: {  	[sflag:s0] =	ssyncadd.s32 $0xFFFF8000  }
0x44a: {  	v3 =	vld [tilespmem:$0xE0];
	_ =	sdelay $0x4  }
0x44b: {  	v4 =	vshll.u32 v3, $0x4  }
0x44c: {  	v3 =	vand.u32 $0x7, v3;
	v4 =	vand.u32 $0xFFFFFF80, v4  }
0x44d: {  	v3 =	vor.u32 v3, v4  }
0x44e: {  	v4 =	vperm.xlane v3, v0;
	_ =	sdelay $0x1  }
0x44f: {  	v4 =	vadd.s32 v1, v4;
	_ =	sdelay $0x3  }
0x450: {  	s2 =	simm.s32 $0x10100;
	s0 =	simm.s32 $0x0  }
0x451: {  	[tilespmem:s2], [sflag:$0x3] =	stream.indirect_vreg.gather [hbm4b:s1+s0], $0x80, v4, vm0, $0xb8;
	[tilespmem:$0x18100] =	vst v63  }
0x452: {  	s4 =	simm.s32 $0x10900  }
0x453: {  	[tilespmem:s4], [sflag:$0x3] =	stream.indirect_vreg.gather [hbm4b:s5+s0], $0x80, v4, vm0, $0xb8;
	[tilespmem:$0x18100] =	vst v63  }
0x454: {  	s25 =	simm.s32 $0x11100  }
0x455: {  	[tilespmem:s25], [sflag:$0x3] =	stream.indirect_vreg.gather [hbm4b:s6+s0], $0x80, v4, vm0, $0xb8;
	[tilespmem:$0x18100] =	vst v63  }
0x456: {  	s4 =	simm.s32 $0x11900  }
0x457: {  	[tilespmem:s4], [sflag:$0x3] =	stream.indirect_vreg.gather [hbm4b:s7+s0], $0x80, v4, vm0, $0xb8;
	[tilespmem:$0x18100] =	vst v63  }
0x458: {  	s25 =	simm.s32 $0x12100  }
0x459: {  	[tilespmem:s25], [sflag:$0x3] =	stream.indirect_vreg.gather [hbm4b:s8+s0], $0x80, v4, vm0, $0xb8;
	[tilespmem:$0x18100] =	vst v63  }
0x45a: {  	v3 =	vperm.xlane v3, v2;
	s4 =	simm.s32 $0x12900  }
0x45b: {  	[tilespmem:s4], [sflag:$0x3] =	stream.indirect_vreg.gather [hbm4b:s9+s0], $0x80, v4, vm0, $0xb8;
	[tilespmem:$0x18100] =	vst v63  }
0x45c: {  	v3 =	vadd.s32 v1, v3;
	s25 =	simm.s32 $0x13100  }
0x45d: {  	[tilespmem:s25], [sflag:$0x3] =	stream.indirect_vreg.gather [hbm4b:s10+s0], $0x80, v4, vm0, $0xb8;
	[tilespmem:$0x18100] =	vst v63  }
0x45e: {  	s4 =	simm.s32 $0x13900  }
0x45f: {  	[tilespmem:s4], [sflag:$0x3] =	stream.indirect_vreg.gather [hbm4b:s12+s0], $0x80, v4, vm0, $0xb8;
	[tilespmem:$0x18100] =	vst v63  }
0x460: {  	s25 =	simm.s32 $0x14100  }
0x461: {  	[tilespmem:s25], [sflag:$0x3] =	stream.indirect_vreg.gather [hbm4b:s1+s0], $0x80, v3, vm0, $0xb8;
	[tilespmem:$0x18100] =	vst v63  }
0x462: {  	s4 =	simm.s32 $0x14900  }
0x463: {  	[tilespmem:s4], [sflag:$0x3] =	stream.indirect_vreg.gather [hbm4b:s5+s0], $0x80, v3, vm0, $0xb8;
	[tilespmem:$0x18100] =	vst v63  }
0x464: {  	s25 =	simm.s32 $0x15100  }
0x465: {  	[tilespmem:s25], [sflag:$0x3] =	stream.indirect_vreg.gather [hbm4b:s6+s0], $0x80, v3, vm0, $0xb8;
	[tilespmem:$0x18100] =	vst v63  }
0x466: {  	s4 =	simm.s32 $0x15900  }
0x467: {  	[tilespmem:s4], [sflag:$0x3] =	stream.indirect_vreg.gather [hbm4b:s7+s0], $0x80, v3, vm0, $0xb8;
	[tilespmem:$0x18100] =	vst v63  }
0x468: {  	s25 =	simm.s32 $0x16100  }
0x469: {  	[tilespmem:s25], [sflag:$0x3] =	stream.indirect_vreg.gather [hbm4b:s8+s0], $0x80, v3, vm0, $0xb8;
	[tilespmem:$0x18100] =	vst v63  }
0x46a: {  	s4 =	simm.s32 $0x16900  }
0x46b: {  	[tilespmem:s4], [sflag:$0x3] =	stream.indirect_vreg.gather [hbm4b:s9+s0], $0x80, v3, vm0, $0xb8;
	[tilespmem:$0x18100] =	vst v63  }
0x46c: {  	s25 =	simm.s32 $0x17100  }
0x46d: {  	[tilespmem:s25], [sflag:$0x3] =	stream.indirect_vreg.gather [hbm4b:s10+s0], $0x80, v3, vm0, $0xb8;
	[tilespmem:$0x18100] =	vst v63  }
0x46e: {  	s4 =	simm.s32 $0x17900;
	s25 =	simm.s32 $0x2  }
0x46f: {  	[tilespmem:s4], [sflag:$0x3] =	stream.indirect_vreg.gather [hbm4b:s12+s0], $0x80, v3, vm0, $0xb8;
	[tilespmem:$0x18100] =	vst v63  }
0x470: {  	_ =	swait.ge [sflag:s25], $0x8000  }
0x471: {  	[sflag:s25] =	ssyncset.done $0x0  }
0x472: {  	p0 =	por $0x1, $0x1;
	[sflag:s25] =	ssyncadd.s32 $0xFFFF8000  }
.LBB2_28:
0x473: {  	s2 =	sshll.u32 s0, $0xE  }
0x474: {  	s25 =	sshll.u32 s0, $0xB;
	s2 =	sand.u32 $0x3FFFC000, s2  }
0x475: {  	s0 =	sadd.s32 s25, s26;
	s4 =	sadd.s32 $0x8100, s2  }
0x476: {  	[hbm4b:s0+s30] =	stream.strided.scatter [tilespmem:s4], [sflag:$0x5], $0x400, s31, s30, $0x38;
	[tilespmem:$0x18100] =	vst v63  }
0x477: {  	s25 =	sadd.s32 $0x10, s0;
	s4 =	sadd.s32 $0x8500, s2  }
0x478: {  	[hbm4b:s25+s30] =	stream.strided.scatter [tilespmem:s4], [sflag:$0x5], $0x400, s31, s30, $0x38;
	[tilespmem:$0x18100] =	vst v63  }
0x479: {  	s4 =	sadd.s32 $0x8900, s2;
	s25 =	sadd.s32 $0x20, s0  }
0x47a: {  	[hbm4b:s25+s30] =	stream.strided.scatter [tilespmem:s4], [sflag:$0x5], $0x400, s31, s30, $0x38;
	[tilespmem:$0x18100] =	vst v63  }
0x47b: {  	s4 =	sadd.s32 $0x8D00, s2;
	s25 =	sadd.s32 $0x30, s0  }
0x47c: {  	[hbm4b:s25+s30] =	stream.strided.scatter [tilespmem:s4], [sflag:$0x5], $0x400, s31, s30, $0x38;
	[tilespmem:$0x18100] =	vst v63  }
0x47d: {  	s4 =	sadd.s32 $0x9100, s2;
	s25 =	sadd.s32 $0x40, s0  }
0x47e: {  	[hbm4b:s25+s30] =	stream.strided.scatter [tilespmem:s4], [sflag:$0x5], $0x400, s31, s30, $0x38;
	[tilespmem:$0x18100] =	vst v63  }
0x47f: {  	s4 =	sadd.s32 $0x9500, s2;
	s25 =	sadd.s32 $0x50, s0  }
0x480: {  	[hbm4b:s25+s30] =	stream.strided.scatter [tilespmem:s4], [sflag:$0x5], $0x400, s31, s30, $0x38;
	[tilespmem:$0x18100] =	vst v63  }
0x481: {  	s4 =	sadd.s32 $0x9900, s2;
	s25 =	sadd.s32 $0x60, s0  }
0x482: {  	[hbm4b:s25+s30] =	stream.strided.scatter [tilespmem:s4], [sflag:$0x5], $0x400, s31, s30, $0x38;
	[tilespmem:$0x18100] =	vst v63  }
0x483: {  	s4 =	sadd.s32 $0x9D00, s2;
	s25 =	sadd.s32 $0x70, s0  }
0x484: {  	[hbm4b:s25+s30] =	stream.strided.scatter [tilespmem:s4], [sflag:$0x5], $0x400, s31, s30, $0x38;
	[tilespmem:$0x18100] =	vst v63  }
0x485: {  	s4 =	sadd.s32 $0xA100, s2;
	s25 =	sadd.s32 $0x80, s0  }
0x486: {  	[hbm4b:s25+s30] =	stream.strided.scatter [tilespmem:s4], [sflag:$0x5], $0x400, s31, s30, $0x38;
	[tilespmem:$0x18100] =	vst v63  }
0x487: {  	s4 =	sadd.s32 $0xA500, s2;
	s25 =	sadd.s32 $0x90, s0  }
0x488: {  	[hbm4b:s25+s30] =	stream.strided.scatter [tilespmem:s4], [sflag:$0x5], $0x400, s31, s30, $0x38;
	[tilespmem:$0x18100] =	vst v63  }
0x489: {  	s4 =	sadd.s32 $0xA900, s2;
	s25 =	sadd.s32 $0xA0, s0  }
0x48a: {  	[hbm4b:s25+s30] =	stream.strided.scatter [tilespmem:s4], [sflag:$0x5], $0x400, s31, s30, $0x38;
	[tilespmem:$0x18100] =	vst v63  }
0x48b: {  	s4 =	sadd.s32 $0xAD00, s2;
	s25 =	sadd.s32 $0xB0, s0  }
0x48c: {  	[hbm4b:s25+s30] =	stream.strided.scatter [tilespmem:s4], [sflag:$0x5], $0x400, s31, s30, $0x38;
	[tilespmem:$0x18100] =	vst v63  }
0x48d: {  	s4 =	sadd.s32 $0xB100, s2;
	s25 =	sadd.s32 $0xC0, s0  }
0x48e: {  	[hbm4b:s25+s30] =	stream.strided.scatter [tilespmem:s4], [sflag:$0x5], $0x400, s31, s30, $0x38;
	[tilespmem:$0x18100] =	vst v63  }
0x48f: {  	p1 =	por p0, p0;
	s4 =	sadd.s32 $0xB500, s2;
	s25 =	sadd.s32 $0xD0, s0  }
0x490: {  	[hbm4b:s25+s30] =	stream.strided.scatter [tilespmem:s4], [sflag:$0x5], $0x400, s31, s30, $0x38;
	[tilespmem:$0x18100] =	vst v63  }
.Ltmp13:
0x491: {  	s4 =	sadd.s32 $0xB900, s2;
	s25 =	sadd.s32 $0xE0, s0;
	(pc) =	sbr.rel @p1 .LBB2_28-.Ltmp13, $4  }
0x492: {  	[hbm4b:s25+s30] =	stream.strided.scatter [tilespmem:s4], [sflag:$0x5], $0x400, s31, s30, $0x38;
	[tilespmem:$0x18100] =	vst v63  }
0x493: {  	s2 =	sadd.s32 $0xBD00, s2;
	s0 =	sadd.s32 $0xF0, s0  }
0x494: {  	[hbm4b:s0+s30] =	stream.strided.scatter [tilespmem:s2], [sflag:$0x5], $0x400, s31, s30, $0x38;
	[tilespmem:$0x18100] =	vst v63  }
0x495: {  	p0 =	por $0x0, $0x0;
	s0 =	simm.s32 $0x1  }
0x496: {  	s0 =	simm.s32 $0x4  }
0x497: {  	_ =	swait.ge [sflag:s0], $0x8000  }
0x498: {  	[sflag:s0] =	ssyncset.done $0x0  }
0x499: {  	[sflag:s0] =	ssyncadd.s32 $0xFFFF8000  }
0x49a: {  	v3 =	vld [tilespmem:$0xF0];
	_ =	sdelay $0x4  }
0x49b: {  	v4 =	vshll.u32 v3, $0x4  }
0x49c: {  	v3 =	vand.u32 $0x7, v3;
	v4 =	vand.u32 $0xFFFFFF80, v4  }
0x49d: {  	v3 =	vor.u32 v3, v4  }
0x49e: {  	v4 =	vperm.xlane v3, v0;
	_ =	sdelay $0x1  }
0x49f: {  	v4 =	vadd.s32 v1, v4;
	_ =	sdelay $0x3  }
0x4a0: {  	s2 =	simm.s32 $0x100;
	s0 =	simm.s32 $0x0  }
0x4a1: {  	[tilespmem:s2], [sflag:$0x1] =	stream.indirect_vreg.gather [hbm4b:s1+s0], $0x80, v4, vm0, $0xb8;
	[tilespmem:$0x18100] =	vst v63  }
0x4a2: {  	s4 =	simm.s32 $0x900  }
0x4a3: {  	[tilespmem:s4], [sflag:$0x1] =	stream.indirect_vreg.gather [hbm4b:s5+s0], $0x80, v4, vm0, $0xb8;
	[tilespmem:$0x18100] =	vst v63  }
0x4a4: {  	s25 =	simm.s32 $0x1100  }
0x4a5: {  	[tilespmem:s25], [sflag:$0x1] =	stream.indirect_vreg.gather [hbm4b:s6+s0], $0x80, v4, vm0, $0xb8;
	[tilespmem:$0x18100] =	vst v63  }
0x4a6: {  	s4 =	simm.s32 $0x1900  }
0x4a7: {  	[tilespmem:s4], [sflag:$0x1] =	stream.indirect_vreg.gather [hbm4b:s7+s0], $0x80, v4, vm0, $0xb8;
	[tilespmem:$0x18100] =	vst v63  }
0x4a8: {  	s25 =	simm.s32 $0x2100  }
0x4a9: {  	[tilespmem:s25], [sflag:$0x1] =	stream.indirect_vreg.gather [hbm4b:s8+s0], $0x80, v4, vm0, $0xb8;
	[tilespmem:$0x18100] =	vst v63  }
0x4aa: {  	v3 =	vperm.xlane v3, v2;
	s4 =	simm.s32 $0x2900  }
0x4ab: {  	[tilespmem:s4], [sflag:$0x1] =	stream.indirect_vreg.gather [hbm4b:s9+s0], $0x80, v4, vm0, $0xb8;
	[tilespmem:$0x18100] =	vst v63  }
0x4ac: {  	v3 =	vadd.s32 v1, v3;
	s25 =	simm.s32 $0x3100  }
0x4ad: {  	[tilespmem:s25], [sflag:$0x1] =	stream.indirect_vreg.gather [hbm4b:s10+s0], $0x80, v4, vm0, $0xb8;
	[tilespmem:$0x18100] =	vst v63  }
0x4ae: {  	s4 =	simm.s32 $0x3900  }
0x4af: {  	[tilespmem:s4], [sflag:$0x1] =	stream.indirect_vreg.gather [hbm4b:s12+s0], $0x80, v4, vm0, $0xb8;
	[tilespmem:$0x18100] =	vst v63  }
0x4b0: {  	s25 =	simm.s32 $0x4100  }
0x4b1: {  	[tilespmem:s25], [sflag:$0x1] =	stream.indirect_vreg.gather [hbm4b:s1+s0], $0x80, v3, vm0, $0xb8;
	[tilespmem:$0x18100] =	vst v63  }
0x4b2: {  	s4 =	simm.s32 $0x4900  }
0x4b3: {  	[tilespmem:s4], [sflag:$0x1] =	stream.indirect_vreg.gather [hbm4b:s5+s0], $0x80, v3, vm0, $0xb8;
	[tilespmem:$0x18100] =	vst v63  }
0x4b4: {  	s25 =	simm.s32 $0x5100  }
0x4b5: {  	[tilespmem:s25], [sflag:$0x1] =	stream.indirect_vreg.gather [hbm4b:s6+s0], $0x80, v3, vm0, $0xb8;
	[tilespmem:$0x18100] =	vst v63  }
0x4b6: {  	s4 =	simm.s32 $0x5900  }
0x4b7: {  	[tilespmem:s4], [sflag:$0x1] =	stream.indirect_vreg.gather [hbm4b:s7+s0], $0x80, v3, vm0, $0xb8;
	[tilespmem:$0x18100] =	vst v63  }
0x4b8: {  	s25 =	simm.s32 $0x6100  }
0x4b9: {  	[tilespmem:s25], [sflag:$0x1] =	stream.indirect_vreg.gather [hbm4b:s8+s0], $0x80, v3, vm0, $0xb8;
	[tilespmem:$0x18100] =	vst v63  }
0x4ba: {  	s4 =	simm.s32 $0x6900  }
0x4bb: {  	[tilespmem:s4], [sflag:$0x1] =	stream.indirect_vreg.gather [hbm4b:s9+s0], $0x80, v3, vm0, $0xb8;
	[tilespmem:$0x18100] =	vst v63  }
0x4bc: {  	s25 =	simm.s32 $0x7100  }
0x4bd: {  	[tilespmem:s25], [sflag:$0x1] =	stream.indirect_vreg.gather [hbm4b:s10+s0], $0x80, v3, vm0, $0xb8;
	[tilespmem:$0x18100] =	vst v63  }
0x4be: {  	s4 =	simm.s32 $0x7900;
	s25 =	simm.s32 $0x3  }
0x4bf: {  	[tilespmem:s4], [sflag:$0x1] =	stream.indirect_vreg.gather [hbm4b:s12+s0], $0x80, v3, vm0, $0xb8;
	[tilespmem:$0x18100] =	vst v63  }
0x4c0: {  	_ =	swait.ge [sflag:s25], $0x8000  }
0x4c1: {  	[sflag:s25] =	ssyncset.done $0x0  }
0x4c2: {  	p0 =	por $0x1, $0x1;
	[sflag:s25] =	ssyncadd.s32 $0xFFFF8000  }
.LBB2_30:
0x4c3: {  	s2 =	sshll.u32 s0, $0xE  }
0x4c4: {  	s25 =	sshll.u32 s0, $0xB;
	s2 =	sand.u32 $0x3FFFC000, s2  }
0x4c5: {  	s0 =	sadd.s32 s25, s28;
	s4 =	sadd.s32 $0x10100, s2  }
0x4c6: {  	[hbm4b:s0+s30] =	stream.strided.scatter [tilespmem:s4], [sflag:$0x6], $0x400, s31, s30, $0x38;
	[tilespmem:$0x18100] =	vst v63  }
0x4c7: {  	s25 =	sadd.s32 $0x10, s0;
	s4 =	sadd.s32 $0x10500, s2  }
0x4c8: {  	[hbm4b:s25+s30] =	stream.strided.scatter [tilespmem:s4], [sflag:$0x6], $0x400, s31, s30, $0x38;
	[tilespmem:$0x18100] =	vst v63  }
0x4c9: {  	s4 =	sadd.s32 $0x10900, s2;
	s25 =	sadd.s32 $0x20, s0  }
0x4ca: {  	[hbm4b:s25+s30] =	stream.strided.scatter [tilespmem:s4], [sflag:$0x6], $0x400, s31, s30, $0x38;
	[tilespmem:$0x18100] =	vst v63  }
0x4cb: {  	s4 =	sadd.s32 $0x10D00, s2;
	s25 =	sadd.s32 $0x30, s0  }
0x4cc: {  	[hbm4b:s25+s30] =	stream.strided.scatter [tilespmem:s4], [sflag:$0x6], $0x400, s31, s30, $0x38;
	[tilespmem:$0x18100] =	vst v63  }
0x4cd: {  	s4 =	sadd.s32 $0x11100, s2;
	s25 =	sadd.s32 $0x40, s0  }
0x4ce: {  	[hbm4b:s25+s30] =	stream.strided.scatter [tilespmem:s4], [sflag:$0x6], $0x400, s31, s30, $0x38;
	[tilespmem:$0x18100] =	vst v63  }
0x4cf: {  	s4 =	sadd.s32 $0x11500, s2;
	s25 =	sadd.s32 $0x50, s0  }
0x4d0: {  	[hbm4b:s25+s30] =	stream.strided.scatter [tilespmem:s4], [sflag:$0x6], $0x400, s31, s30, $0x38;
	[tilespmem:$0x18100] =	vst v63  }
0x4d1: {  	s4 =	sadd.s32 $0x11900, s2;
	s25 =	sadd.s32 $0x60, s0  }
0x4d2: {  	[hbm4b:s25+s30] =	stream.strided.scatter [tilespmem:s4], [sflag:$0x6], $0x400, s31, s30, $0x38;
	[tilespmem:$0x18100] =	vst v63  }
0x4d3: {  	s4 =	sadd.s32 $0x11D00, s2;
	s25 =	sadd.s32 $0x70, s0  }
0x4d4: {  	[hbm4b:s25+s30] =	stream.strided.scatter [tilespmem:s4], [sflag:$0x6], $0x400, s31, s30, $0x38;
	[tilespmem:$0x18100] =	vst v63  }
0x4d5: {  	s4 =	sadd.s32 $0x12100, s2;
	s25 =	sadd.s32 $0x80, s0  }
0x4d6: {  	[hbm4b:s25+s30] =	stream.strided.scatter [tilespmem:s4], [sflag:$0x6], $0x400, s31, s30, $0x38;
	[tilespmem:$0x18100] =	vst v63  }
0x4d7: {  	s4 =	sadd.s32 $0x12500, s2;
	s25 =	sadd.s32 $0x90, s0  }
0x4d8: {  	[hbm4b:s25+s30] =	stream.strided.scatter [tilespmem:s4], [sflag:$0x6], $0x400, s31, s30, $0x38;
	[tilespmem:$0x18100] =	vst v63  }
0x4d9: {  	s4 =	sadd.s32 $0x12900, s2;
	s25 =	sadd.s32 $0xA0, s0  }
0x4da: {  	[hbm4b:s25+s30] =	stream.strided.scatter [tilespmem:s4], [sflag:$0x6], $0x400, s31, s30, $0x38;
	[tilespmem:$0x18100] =	vst v63  }
0x4db: {  	s4 =	sadd.s32 $0x12D00, s2;
	s25 =	sadd.s32 $0xB0, s0  }
0x4dc: {  	[hbm4b:s25+s30] =	stream.strided.scatter [tilespmem:s4], [sflag:$0x6], $0x400, s31, s30, $0x38;
	[tilespmem:$0x18100] =	vst v63  }
0x4dd: {  	s4 =	sadd.s32 $0x13100, s2;
	s25 =	sadd.s32 $0xC0, s0  }
0x4de: {  	[hbm4b:s25+s30] =	stream.strided.scatter [tilespmem:s4], [sflag:$0x6], $0x400, s31, s30, $0x38;
	[tilespmem:$0x18100] =	vst v63  }
0x4df: {  	p1 =	por p0, p0;
	s4 =	sadd.s32 $0x13500, s2;
	s25 =	sadd.s32 $0xD0, s0  }
0x4e0: {  	[hbm4b:s25+s30] =	stream.strided.scatter [tilespmem:s4], [sflag:$0x6], $0x400, s31, s30, $0x38;
	[tilespmem:$0x18100] =	vst v63  }
.Ltmp14:
0x4e1: {  	s4 =	sadd.s32 $0x13900, s2;
	s25 =	sadd.s32 $0xE0, s0;
	(pc) =	sbr.rel @p1 .LBB2_30-.Ltmp14, $4  }
0x4e2: {  	[hbm4b:s25+s30] =	stream.strided.scatter [tilespmem:s4], [sflag:$0x6], $0x400, s31, s30, $0x38;
	[tilespmem:$0x18100] =	vst v63  }
0x4e3: {  	s2 =	sadd.s32 $0x13D00, s2;
	s0 =	sadd.s32 $0xF0, s0  }
0x4e4: {  	[hbm4b:s0+s30] =	stream.strided.scatter [tilespmem:s2], [sflag:$0x6], $0x400, s31, s30, $0x38;
	[tilespmem:$0x18100] =	vst v63  }
0x4e5: {  	p0 =	por $0x0, $0x0;
	s0 =	simm.s32 $0x1  }
0x4e6: {  	s0 =	simm.s32 $0x1  }
0x4e7: {  	_ =	swait.ge [sflag:s0], $0x8000  }
0x4e8: {  	[sflag:s0] =	ssyncset.done $0x0  }
0x4e9: {  	p0 =	por $0x1, $0x1;
	[sflag:s0] =	ssyncadd.s32 $0xFFFF8000;
	s0 =	simm.s32 $0x0  }
.LBB2_32:
0x4ea: {  	s2 =	sshll.u32 s0, $0xE  }
0x4eb: {  	s25 =	sshll.u32 s0, $0xB;
	s2 =	sand.u32 $0x3FFFC000, s2  }
0x4ec: {  	s0 =	sadd.s32 s25, s29;
	s4 =	sor.u32 $0x100, s2  }
0x4ed: {  	[hbm4b:s0+s30] =	stream.strided.scatter [tilespmem:s4], [sflag:$0x4], $0x400, s31, s30, $0x38;
	[tilespmem:$0x18100] =	vst v63  }
0x4ee: {  	s25 =	sadd.s32 $0x10, s0;
	s4 =	sor.u32 $0x500, s2  }
0x4ef: {  	[hbm4b:s25+s30] =	stream.strided.scatter [tilespmem:s4], [sflag:$0x4], $0x400, s31, s30, $0x38;
	[tilespmem:$0x18100] =	vst v63  }
0x4f0: {  	s4 =	sor.u32 $0x900, s2;
	s25 =	sadd.s32 $0x20, s0  }
0x4f1: {  	[hbm4b:s25+s30] =	stream.strided.scatter [tilespmem:s4], [sflag:$0x4], $0x400, s31, s30, $0x38;
	[tilespmem:$0x18100] =	vst v63  }
0x4f2: {  	s4 =	sor.u32 $0xD00, s2;
	s25 =	sadd.s32 $0x30, s0  }
0x4f3: {  	[hbm4b:s25+s30] =	stream.strided.scatter [tilespmem:s4], [sflag:$0x4], $0x400, s31, s30, $0x38;
	[tilespmem:$0x18100] =	vst v63  }
0x4f4: {  	s4 =	sor.u32 $0x1100, s2;
	s25 =	sadd.s32 $0x40, s0  }
0x4f5: {  	[hbm4b:s25+s30] =	stream.strided.scatter [tilespmem:s4], [sflag:$0x4], $0x400, s31, s30, $0x38;
	[tilespmem:$0x18100] =	vst v63  }
0x4f6: {  	s4 =	sor.u32 $0x1500, s2;
	s25 =	sadd.s32 $0x50, s0  }
0x4f7: {  	[hbm4b:s25+s30] =	stream.strided.scatter [tilespmem:s4], [sflag:$0x4], $0x400, s31, s30, $0x38;
	[tilespmem:$0x18100] =	vst v63  }
0x4f8: {  	s4 =	sor.u32 $0x1900, s2;
	s25 =	sadd.s32 $0x60, s0  }
0x4f9: {  	[hbm4b:s25+s30] =	stream.strided.scatter [tilespmem:s4], [sflag:$0x4], $0x400, s31, s30, $0x38;
	[tilespmem:$0x18100] =	vst v63  }
0x4fa: {  	s4 =	sor.u32 $0x1D00, s2;
	s25 =	sadd.s32 $0x70, s0  }
0x4fb: {  	[hbm4b:s25+s30] =	stream.strided.scatter [tilespmem:s4], [sflag:$0x4], $0x400, s31, s30, $0x38;
	[tilespmem:$0x18100] =	vst v63  }
0x4fc: {  	s4 =	sor.u32 $0x2100, s2;
	s25 =	sadd.s32 $0x80, s0  }
0x4fd: {  	[hbm4b:s25+s30] =	stream.strided.scatter [tilespmem:s4], [sflag:$0x4], $0x400, s31, s30, $0x38;
	[tilespmem:$0x18100] =	vst v63  }
0x4fe: {  	s4 =	sor.u32 $0x2500, s2;
	s25 =	sadd.s32 $0x90, s0  }
0x4ff: {  	[hbm4b:s25+s30] =	stream.strided.scatter [tilespmem:s4], [sflag:$0x4], $0x400, s31, s30, $0x38;
	[tilespmem:$0x18100] =	vst v63  }
0x500: {  	s4 =	sor.u32 $0x2900, s2;
	s25 =	sadd.s32 $0xA0, s0  }
0x501: {  	[hbm4b:s25+s30] =	stream.strided.scatter [tilespmem:s4], [sflag:$0x4], $0x400, s31, s30, $0x38;
	[tilespmem:$0x18100] =	vst v63  }
0x502: {  	s4 =	sor.u32 $0x2D00, s2;
	s25 =	sadd.s32 $0xB0, s0  }
0x503: {  	[hbm4b:s25+s30] =	stream.strided.scatter [tilespmem:s4], [sflag:$0x4], $0x400, s31, s30, $0x38;
	[tilespmem:$0x18100] =	vst v63  }
0x504: {  	s4 =	sor.u32 $0x3100, s2;
	s25 =	sadd.s32 $0xC0, s0  }
0x505: {  	[hbm4b:s25+s30] =	stream.strided.scatter [tilespmem:s4], [sflag:$0x4], $0x400, s31, s30, $0x38;
	[tilespmem:$0x18100] =	vst v63  }
0x506: {  	p1 =	por p0, p0;
	s4 =	sor.u32 $0x3500, s2;
	s25 =	sadd.s32 $0xD0, s0  }
0x507: {  	[hbm4b:s25+s30] =	stream.strided.scatter [tilespmem:s4], [sflag:$0x4], $0x400, s31, s30, $0x38;
	[tilespmem:$0x18100] =	vst v63  }
.Ltmp15:
0x508: {  	s4 =	sor.u32 $0x3900, s2;
	s25 =	sadd.s32 $0xE0, s0;
	(pc) =	sbr.rel @p1 .LBB2_32-.Ltmp15, $4  }
0x509: {  	[hbm4b:s25+s30] =	stream.strided.scatter [tilespmem:s4], [sflag:$0x4], $0x400, s31, s30, $0x38;
	[tilespmem:$0x18100] =	vst v63  }
0x50a: {  	s2 =	sor.u32 $0x3D00, s2;
	s0 =	sadd.s32 $0xF0, s0  }
0x50b: {  	[hbm4b:s0+s30] =	stream.strided.scatter [tilespmem:s2], [sflag:$0x4], $0x400, s31, s30, $0x38;
	[tilespmem:$0x18100] =	vst v63  }
0x50c: {  	p0 =	por $0x0, $0x0;
	s0 =	simm.s32 $0x1  }
0x50d: {  	s0 =	simm.s32 $0x5  }
0x50e: {  	_ =	swait.ge [sflag:s0], $0x8000  }
0x50f: {  	[sflag:s0] =	ssyncset.done $0x0  }
0x510: {  	s4 =	simm.s32 $0x6;
	[sflag:s0] =	ssyncadd.s32 $0xFFFF8000  }
0x511: {  	_ =	swait.ge [sflag:s4], $0x8000  }
0x512: {  	[sflag:s4] =	ssyncset.done $0x0  }
0x513: {  	s2 =	simm.s32 $0x4;
	[sflag:s4] =	ssyncadd.s32 $0xFFFF8000  }
0x514: {  	_ =	swait.ge [sflag:s2], $0x8000  }
0x515: {  	s4 =	rddreg [dreg:$0x6]  }
0x516: {  	s25 =	rddreg [dreg:$0x5];
	s4 =	sadd.s32 $0x1, s4  }
0x517: {  	p0 =	sne.s32 s4, s25  }
.Ltmp16:
0x518: {  	_ = 	snop;
	(pc) =	sbr.rel @p0 .LBB2_1-.Ltmp16, $3  }
0x519: {  	_ =	sdelay $0x1  }
0x51a: {  	[sflag:s2] =	ssyncset.done $0x0  }
0x51b: {  	[sflag:s2] =	ssyncadd.s32 $0xFFFF8000  }
0x51c: {  	_ =	sfence.sel $0x180000  }
0x51d: {  	[bflag:$0x0] =	sbarrier.arrive $0xFFFF  }
0x51e: {  	_ =	strace $0x90000047  }
0x51f: {  	s0 =	stileid.u32;
	[bflag:$0x2] =	sbarrier.arrive $0xFFFF  }
0x520: {  	p0 =	sne.s32 s0, $0x0;
	s0 =	rddreg [dreg:$0x3]  }
0x521: {  	s0 =	sadd.s32 @!p0 $0x100000, s0  }
0x522: {  	[sflag:s0] =	ssyncadd.tile.s32 @!p0 $0x1;
	_ =	shalt  }
.Lfunc_end2:
_tile_overlayer_lowered:
.L_overlay_start_2:
0x523: {  	(tag) =	ssettag $0x2  }
0x524: {  	s0 =	rddreg [dreg:$0x0];
	s2 =	stileid.u32  }
0x525: {  	s1 =	rddreg [dreg:$0x1];
	p0 =	sne.s32 s2, $0x0  }
0x526: {  	s3 =	rddreg [dreg:$0x2];
	[bflag:$0x3] =	sbarrier.arrive $0xFFFF;
	s2 =	simm.s32 @!p0 $0x1C07  }
0x527: {  	[timem:s3], [sflag:s2] =	dma.local @!p0 [hbm:s0], s1  }
0x528: {  	s0 =	simm.s32 @!p0 $0x7  }
0x529: {  	_ =	swait.ge @!p0 [sflag:s0], s1  }
0x52a: {  	s1 =	ssub.s32 @!p0 $0x0, s1;
	[sflag:s0] =	ssyncset.done @!p0 $0x0  }
0x52b: {  	[sflag:s0] =	ssyncadd.s32 @!p0 s1  }
0x52c: {  	[bflag:$0x3] =	sbarrier.arrive $0xFFFF  }
0x52d: {  	_ =	shalt  }

</sc_bundles>
